<compile_context>
chip_gen: v7x
topology: tpu7x:2x2x1
jax: 0.10.2.dev20260603
libtpu: 0.0.44.dev20260713+nightly
codegen_flags: <defaults>
</compile_context>

<pallas_src>
import functools

import jax
import jax.numpy as jnp
from jax import lax
from jax.experimental import pallas as pl
from jax.experimental.pallas import tpu as pltpu
from jax.experimental.pallas import tpu_sc as plsc

N = 10000
E = 320000
D = 128
NC = 2
NS = 16
NW = NC * NS
EPW = E // NW
C = 176
CHUNKS = 56
ETAIL = EPW - CHUNKS * C
CB = 1000
RPT = 624
ZR = 104
TAIL = N - NS * RPT
CNT_B = 1000


def _sc_aggregate(x, src, dst):
  mesh = plsc.VectorSubcoreMesh(core_axis_name="c", subcore_axis_name="s")

  @functools.partial(
      pl.kernel,
      out_type=(
          jax.ShapeDtypeStruct((NC, N, D), jnp.float32),
          jax.ShapeDtypeStruct((NC * N,), jnp.float32),
      ),
      mesh=mesh,
      scratch_types=[
          pltpu.VMEM((C, D), jnp.float32),
          pltpu.VMEM((C, D), jnp.float32),
          pltpu.VMEM((C,), jnp.int32),
          pltpu.VMEM((C,), jnp.int32),
          pltpu.VMEM((C,), jnp.int32),
          pltpu.VMEM((C,), jnp.int32),
          pltpu.VMEM((C,), jnp.int32),
          pltpu.VMEM((C,), jnp.int32),
          pltpu.VMEM((C,), jnp.int32),
          pltpu.VMEM((C,), jnp.int32),
          pltpu.VMEM((ETAIL,), jnp.int32),
          pltpu.VMEM((ETAIL,), jnp.int32),
          pltpu.VMEM((C,), jnp.float32),
          pltpu.VMEM((ETAIL,), jnp.float32),
          pltpu.VMEM((CB,), jnp.float32),
          pltpu.VMEM_SHARED((N, D), jnp.float32),
          pltpu.VMEM_SHARED((N,), jnp.float32),
          pltpu.SemaphoreType.DMA,
          pltpu.SemaphoreType.DMA,
          pltpu.SemaphoreType.DMA,
          pltpu.SemaphoreType.DMA,
          pltpu.SemaphoreType.DMA,
          pltpu.SemaphoreType.DMA,
          pltpu.SemaphoreType.DMA,
          pltpu.SemaphoreType.DMA,
      ],
  )
  def agg(x_hbm, src_hbm, dst_hbm, acc_out, cnt_out,
          rows0_v, rows1_v, sx0, sx1, sx2, sx3, dx0, dx1, dx2, dx3,
          stail_v, dtail_v, ones_c, ones_t, zo_v,
          acc_sh, cnt_sh, sg0, sg1, si0, si1, si2, si3, ss0, ss1):
    cid = lax.axis_index("c")
    tid = lax.axis_index("s")
    wid = cid * NS + tid
    ebase = wid * EPW
    zeros16 = jnp.zeros((16,), jnp.float32)
    ones16 = jnp.ones((16,), jnp.float32)
    rows = (rows0_v, rows1_v)
    sidx = (sx0, sx1, sx2, sx3)
    didx = (dx0, dx1, dx2, dx3)
    sgs = (sg0, sg1)
    sis = (si0, si1, si2, si3)
    sss = (ss0, ss1)

    def zrow(r, carry):
      for g in range(D // 16):
        rows0_v[r, pl.ds(g * 16, 16)] = zeros16
      return carry
    lax.fori_loop(0, ZR, zrow, 0)

    def zcnt(k, carry):
      zo_v[pl.ds(k * 16, 16)] = zeros16
      return carry
    lax.fori_loop(0, CB // 16, zcnt, 0)
    zo_v[pl.ds(CB - 16, 16)] = zeros16

    for j in range(RPT // ZR):
      pltpu.make_async_copy(rows0_v.at[pl.ds(0, ZR)],
                            acc_sh.at[pl.ds(tid * RPT + j * ZR, ZR)], ss0).start()

    @pl.when(tid == 0)
    def _():
      pltpu.make_async_copy(rows0_v.at[pl.ds(0, TAIL)],
                            acc_sh.at[pl.ds(NS * RPT, TAIL)], ss1).start()

    @pl.when(tid < N // CNT_B)
    def _():
      pltpu.make_async_copy(zo_v.at[pl.ds(0, CNT_B)],
                            cnt_sh.at[pl.ds(tid * CNT_B, CNT_B)], ss1).start()

    def fones(k, carry):
      ones_c[pl.ds(k * 16, 16)] = ones16
      return carry
    lax.fori_loop(0, C // 16, fones, 0)

    def ftones(k, carry):
      ones_t[pl.ds(k * 16, 16)] = ones16
      return carry
    lax.fori_loop(0, ETAIL // 16, ftones, 0)

    for j in range(RPT // ZR):
      pltpu.make_async_copy(rows0_v.at[pl.ds(0, ZR)],
                            acc_sh.at[pl.ds(tid * RPT + j * ZR, ZR)], ss0).wait()

    @pl.when(tid == 0)
    def _():
      pltpu.make_async_copy(rows0_v.at[pl.ds(0, TAIL)],
                            acc_sh.at[pl.ds(NS * RPT, TAIL)], ss1).wait()

    @pl.when(tid < N // CNT_B)
    def _():
      pltpu.make_async_copy(zo_v.at[pl.ds(0, CNT_B)],
                            cnt_sh.at[pl.ds(tid * CNT_B, CNT_B)], ss1).wait()

    plsc.subcore_barrier()

    def idx_start(g, q):
      base = pl.multiple_of(ebase + g * C, 8)
      pltpu.make_async_copy(src_hbm.at[pl.ds(base, C)], sidx[q], sis[q]).start()
      pltpu.make_async_copy(dst_hbm.at[pl.ds(base, C)], didx[q], sis[q]).start()

    def idx_wait(q):
      pltpu.make_async_copy(src_hbm.at[pl.ds(0, C)], sidx[q], sis[q]).wait()
      pltpu.make_async_copy(dst_hbm.at[pl.ds(0, C)], didx[q], sis[q]).wait()

    def gather_start(q, b):
      pltpu.make_async_copy(x_hbm.at[sidx[q]], rows[b], sgs[b]).start()

    def gather_wait(q, b):
      pltpu.make_async_copy(x_hbm.at[sidx[q]], rows[b], sgs[b]).wait()

    def scat_start(q, b):
      pltpu.make_async_copy(rows[b], acc_sh.at[didx[q]], sss[b]).start(add=True)
      pltpu.make_async_copy(ones_c, cnt_sh.at[didx[q]], sss[b]).start(add=True)

    def scat_wait(q, b):
      pltpu.make_async_copy(rows[b], acc_sh.at[didx[q]], sss[b]).wait()
      pltpu.make_async_copy(ones_c, cnt_sh.at[didx[q]], sss[b]).wait()

    idx_start(0, 0)
    idx_start(1, 1)
    idx_wait(0)
    gather_start(0, 0)
    idx_wait(1)
    gather_start(1, 1)
    idx_start(2, 2)
    idx_start(3, 3)

    def quad(k4, carry):
      g0 = 4 * k4
      for j in range(4):
        g = g0 + j
        q = j
        b = j % 2
        gather_wait(q, b)
        scat_start(q, b)
        idx_wait((q + 2) % 4)
        scat_wait(q, b)
        gather_start((q + 2) % 4, b)
        idx_start(g + 4, q)
      return carry
    NQ = (CHUNKS - 8) // 4 + 1
    lax.fori_loop(0, NQ, quad, 0)

    for j in range(4):
      g = NQ * 4 + j
      q = j
      b = j % 2
      gather_wait(q, b)
      scat_start(q, b)
      if j < 2:
        idx_wait((q + 2) % 4)
        scat_wait(q, b)
        gather_start((q + 2) % 4, b)
      else:
        scat_wait(q, b)

    tbase = pl.multiple_of(ebase + CHUNKS * C, 8)
    pltpu.sync_copy(src_hbm.at[pl.ds(tbase, ETAIL)], stail_v)
    pltpu.sync_copy(dst_hbm.at[pl.ds(tbase, ETAIL)], dtail_v)
    pltpu.make_async_copy(x_hbm.at[stail_v], rows0_v.at[pl.ds(0, ETAIL)], sg0).start()
    pltpu.make_async_copy(x_hbm.at[stail_v], rows0_v.at[pl.ds(0, ETAIL)], sg0).wait()
    pltpu.sync_copy(rows0_v.at[pl.ds(0, ETAIL)], acc_sh.at[dtail_v], add=True)
    pltpu.sync_copy(ones_t, cnt_sh.at[dtail_v], add=True)

    plsc.subcore_barrier()

    for j in range(RPT // ZR):
      b = j % 2
      r0 = tid * RPT + j * ZR
      if j >= 2:
        r_prev = tid * RPT + (j - 2) * ZR
        pltpu.make_async_copy(rows[b].at[pl.ds(0, ZR)],
                              acc_out.at[cid, pl.ds(r_prev, ZR)], sgs[b]).wait()
      pltpu.sync_copy(acc_sh.at[pl.ds(r0, ZR)], rows[b].at[pl.ds(0, ZR)])
      pltpu.make_async_copy(rows[b].at[pl.ds(0, ZR)],
                            acc_out.at[cid, pl.ds(r0, ZR)], sgs[b]).start()
    for j in (RPT // ZR - 2, RPT // ZR - 1):
      b = j % 2
      r0 = tid * RPT + j * ZR
      pltpu.make_async_copy(rows[b].at[pl.ds(0, ZR)],
                            acc_out.at[cid, pl.ds(r0, ZR)], sgs[b]).wait()

    @pl.when(tid == 0)
    def _():
      pltpu.sync_copy(acc_sh.at[pl.ds(NS * RPT, TAIL)], rows0_v.at[pl.ds(0, TAIL)])
      pltpu.sync_copy(rows0_v.at[pl.ds(0, TAIL)],
                      acc_out.at[cid, pl.ds(NS * RPT, TAIL)])

    @pl.when(tid < N // CNT_B)
    def _():
      pltpu.sync_copy(cnt_sh.at[pl.ds(tid * CNT_B, CNT_B)], zo_v.at[pl.ds(0, CNT_B)])
      pltpu.sync_copy(zo_v.at[pl.ds(0, CNT_B)],
                      cnt_out.at[pl.ds(cid * N + tid * CNT_B, CNT_B)])

  parts, cnt_flat = agg(x, src, dst)
  return parts, cnt_flat


_DN = (((1,), (1,)), ((), ()))


def _tc_selfpart(x, wr, b2):
  BN = 2000

  def body(x_ref, wr_ref, b_ref, o_ref):
    o_ref[...] = lax.dot_general(
        x_ref[...], wr_ref[...], _DN, preferred_element_type=jnp.float32,
        precision=lax.Precision.HIGHEST) + b_ref[...]

  return pl.pallas_call(
      body,
      grid=(N // BN,),
      in_specs=[
          pl.BlockSpec((BN, D), lambda i: (i, 0)),
          pl.BlockSpec((D, D), lambda i: (0, 0)),
          pl.BlockSpec((1, D), lambda i: (0, 0)),
      ],
      out_specs=pl.BlockSpec((BN, D), lambda i: (i, 0)),
      out_shape=jax.ShapeDtypeStruct((N, D), jnp.float32),
  )(x, wr, b2)


def _tc_finish(parts, cnt3, sp, wl):
  BN = 2000

  def body(parts_ref, cnts_ref, sp_ref, wl_ref, o_ref):
    sums = parts_ref[0] + parts_ref[1]
    cnt = cnts_ref[0] + cnts_ref[1]
    mean = sums * (1.0 / jnp.maximum(cnt, 1.0))
    out = lax.dot_general(mean, wl_ref[...], _DN,
                          preferred_element_type=jnp.float32,
                          precision=lax.Precision.HIGHEST) + sp_ref[...]
    nrm = jnp.sqrt(jnp.sum(out * out, axis=1, keepdims=True))
    o_ref[...] = out / jnp.maximum(nrm, 1e-12)

  return pl.pallas_call(
      body,
      grid=(N // BN,),
      in_specs=[
          pl.BlockSpec((NC, BN, D), lambda i: (0, i, 0)),
          pl.BlockSpec((NC, BN, 1), lambda i: (0, i, 0)),
          pl.BlockSpec((BN, D), lambda i: (i, 0)),
          pl.BlockSpec((D, D), lambda i: (0, 0)),
      ],
      out_specs=pl.BlockSpec((BN, D), lambda i: (i, 0)),
      out_shape=jax.ShapeDtypeStruct((N, D), jnp.float32),
  )(parts, cnt3, sp, wl)


def kernel(x, edge_index, attr, W_l, b_l, W_r):
  src = edge_index[0]
  dst = edge_index[1]
  sp = _tc_selfpart(x, W_r, b_l.reshape(1, D))
  parts, cnts = _sc_aggregate(x, src, dst)
  out = _tc_finish(parts, cnts.reshape(NC, N, 1), sp, W_l)
  return (out, edge_index, attr)

# --- scband reference (transcript-rebuilt; emitter-appended) ---
"""Pipeline reference for scband-ae-layer-32710470926638 (READ-ONLY COPY).

The authoritative reference and input builder live on the scoring server;
editing this copy changes nothing except your own understanding.
"""

import jax, jax.numpy as jnp
import numpy as np

N = 10000
E = 320000
D_IN = 128
D_OUT = 128
D_EDGE = 4


def setup_inputs(seed: int = 0) -> dict:
    key = jax.random.key(seed)
    k1, k2, k3, k4, k5, k6 = jax.random.split(key, 6)
    x = jax.random.normal(k1, (N, D_IN), dtype=jnp.float32)
    edge_index = jax.random.randint(k2, (2, E), 0, N, dtype=jnp.int32)
    attr = jax.random.normal(k3, (E, D_EDGE), dtype=jnp.float32)
    # SAGEConv parameters: lin_l (applied to aggregated neighbors, with bias),
    # lin_r (applied to root/self features, no bias)
    scale = 1.0 / np.sqrt(D_IN)
    W_l = jax.random.uniform(k4, (D_OUT, D_IN), dtype=jnp.float32, minval=-scale, maxval=scale)
    b_l = jnp.zeros((D_OUT,), dtype=jnp.float32)
    W_r = jax.random.uniform(k5, (D_OUT, D_IN), dtype=jnp.float32, minval=-scale, maxval=scale)
    return {"x": x, "edge_index": edge_index, "attr": attr, "W_l": W_l, "b_l": b_l, "W_r": W_r}


def reference(x, edge_index, attr, W_l, b_l, W_r):
    # AE_layer with operator='SAGEConv': M = SAGEConv(x, edge_index) with aggr='mean',
    # normalize=True; attention_list reset to []; returns (M, E, attr, attention_list).
    src = edge_index[0]
    dst = edge_index[1]
    # gather source-node features along each edge (SparseCore gather)
    x_j = jnp.take(x, src, axis=0)  # [E, D_IN]
    # mean aggregation at destination nodes (SparseCore scatter-add)
    summed = jax.ops.segment_sum(x_j, dst, num_segments=N)  # [N, D_IN]
    cnt = jax.ops.segment_sum(jnp.ones((x_j.shape[0],), dtype=x.dtype), dst, num_segments=N)
    mean = summed / jnp.clip(cnt, 1.0)[:, None]
    out = mean @ W_l.T + b_l + x @ W_r.T  # lin_l(aggr) + lin_r(x)
    # normalize=True -> F.normalize(out, p=2, dim=-1)
    nrm = jnp.linalg.norm(out, axis=-1, keepdims=True)
    out = out / jnp.clip(nrm, 1e-12)
    return (out, edge_index, attr)

if __name__ == "__main__":
    import jax
    _d = setup_inputs()
    print(jax.jit(kernel)(*tuple(_d.values())))

</pallas_src>

<mosaic_0001>
#map = affine_map<(d0, d1) -> (0, 0)>
#map1 = affine_map<(d0, d1) -> (0)>
#map2 = affine_map<(d0, d1) -> (0, 0, 0)>
module attributes {stable_mosaic.version = 14 : i64} {
  func.func @agg(%arg0: i32, %arg1: i32, %arg2: memref<10000x128xf32, #tpu.memory_space<hbm>>, %arg3: memref<320000xi32, #tpu.memory_space<hbm>>, %arg4: memref<320000xi32, #tpu.memory_space<hbm>>, %arg5: memref<2x10000x128xf32, #tpu.memory_space<hbm>>, %arg6: memref<20000xf32, #tpu.memory_space<hbm>>, %arg7: memref<176x128xf32, #tpu.memory_space<vmem>>, %arg8: memref<176x128xf32, #tpu.memory_space<vmem>>, %arg9: memref<176xi32, #tpu.memory_space<vmem>>, %arg10: memref<176xi32, #tpu.memory_space<vmem>>, %arg11: memref<176xi32, #tpu.memory_space<vmem>>, %arg12: memref<176xi32, #tpu.memory_space<vmem>>, %arg13: memref<176xi32, #tpu.memory_space<vmem>>, %arg14: memref<176xi32, #tpu.memory_space<vmem>>, %arg15: memref<176xi32, #tpu.memory_space<vmem>>, %arg16: memref<176xi32, #tpu.memory_space<vmem>>, %arg17: memref<144xi32, #tpu.memory_space<vmem>>, %arg18: memref<144xi32, #tpu.memory_space<vmem>>, %arg19: memref<176xf32, #tpu.memory_space<vmem>>, %arg20: memref<144xf32, #tpu.memory_space<vmem>>, %arg21: memref<1000xf32, #tpu.memory_space<vmem>>, %arg22: memref<10000x128xf32, #tpu.memory_space<vmem_shared>>, %arg23: memref<10000xf32, #tpu.memory_space<vmem_shared>>, %arg24: memref<!tpu.dma_semaphore, #tpu.memory_space<semaphore_mem>>, %arg25: memref<!tpu.dma_semaphore, #tpu.memory_space<semaphore_mem>>, %arg26: memref<!tpu.dma_semaphore, #tpu.memory_space<semaphore_mem>>, %arg27: memref<!tpu.dma_semaphore, #tpu.memory_space<semaphore_mem>>, %arg28: memref<!tpu.dma_semaphore, #tpu.memory_space<semaphore_mem>>, %arg29: memref<!tpu.dma_semaphore, #tpu.memory_space<semaphore_mem>>, %arg30: memref<!tpu.dma_semaphore, #tpu.memory_space<semaphore_mem>>, %arg31: memref<!tpu.dma_semaphore, #tpu.memory_space<semaphore_mem>>) attributes {dimension_semantics = [#tpu.dimension_semantics<core_parallel>, #tpu.dimension_semantics<subcore_parallel>], iteration_bounds = array<i64: 2, 16>, scalar_prefetch = 0 : i64, scratch_operands = 25 : i64, tpu.core_type = #tpu.core_type<sc_vector_subcore>, window_params = [{transform_indices = #map}, {transform_indices = #map1}, {transform_indices = #map1}, {transform_indices = #map2}, {transform_indices = #map1}]} {
    %mul3A = arith.constant 16 : i32
    %mul3A_0 = arith.muli %arg0, %mul3A : i32
    %add3A = arith.addi %mul3A_0, %arg1 : i32
    %mul3A_1 = arith.constant 10000 : i32
    %mul3A_2 = arith.muli %add3A, %mul3A_1 : i32
    %broadcast_in_dim3A = arith.constant 0.000000e+00 : f32
    %broadcast_in_dim3A_3 = vector.broadcast %broadcast_in_dim3A : f32 to vector<16xf32>
    %broadcast_in_dim3A_4 = arith.constant 1.000000e+00 : f32
    %broadcast_in_dim3A_5 = vector.broadcast %broadcast_in_dim3A_4 : f32 to vector<16xf32>
    %scan3A = arith.constant 0 : i32
    %scan3A_6 = arith.constant 0 : i32
    %scan3A_7 = arith.constant 104 : i32
    %scan3A_8 = arith.addi %scan3A_6, %scan3A_7 : i32
    %scan3A_9 = arith.constant 1 : i32
    scf.for %scan3A_561 = %scan3A_6 to %scan3A_8 step %scan3A_9  : i32 {
      %swap3A_562 = arith.index_cast %scan3A_561 : i32 to index
      %swap3A_563 = arith.constant 0 : index
      %swap3A_564 = tpu.vector_load %arg7[%swap3A_562, %swap3A_563] {strides = array<i32>} : memref<176x128xf32, #tpu.memory_space<vmem>>, vector<1x16xf32>,
      %swap3A_565 = vector.shape_cast %swap3A_564 : vector<1x16xf32> to vector<16xf32>
      %swap3A_566 = vector.shape_cast %broadcast_in_dim3A_3 : vector<16xf32> to vector<1x16xf32>
      tpu.vector_store %arg7[%swap3A_562, %swap3A_563], %swap3A_566 {strides = array<i32>} : memref<176x128xf32, #tpu.memory_space<vmem>>, vector<1x16xf32>,
      %swap3A_567 = arith.index_cast %scan3A_561 : i32 to index
      %swap3A_568 = arith.constant 16 : index
      %swap3A_569 = tpu.vector_load %arg7[%swap3A_567, %swap3A_568] {strides = array<i32>} : memref<176x128xf32, #tpu.memory_space<vmem>>, vector<1x16xf32>,
      %swap3A_570 = vector.shape_cast %swap3A_569 : vector<1x16xf32> to vector<16xf32>
      %swap3A_571 = vector.shape_cast %broadcast_in_dim3A_3 : vector<16xf32> to vector<1x16xf32>
      tpu.vector_store %arg7[%swap3A_567, %swap3A_568], %swap3A_571 {strides = array<i32>} : memref<176x128xf32, #tpu.memory_space<vmem>>, vector<1x16xf32>,
      %swap3A_572 = arith.index_cast %scan3A_561 : i32 to index
      %swap3A_573 = arith.constant 32 : index
      %swap3A_574 = tpu.vector_load %arg7[%swap3A_572, %swap3A_573] {strides = array<i32>} : memref<176x128xf32, #tpu.memory_space<vmem>>, vector<1x16xf32>,
      %swap3A_575 = vector.shape_cast %swap3A_574 : vector<1x16xf32> to vector<16xf32>
      %swap3A_576 = vector.shape_cast %broadcast_in_dim3A_3 : vector<16xf32> to vector<1x16xf32>
      tpu.vector_store %arg7[%swap3A_572, %swap3A_573], %swap3A_576 {strides = array<i32>} : memref<176x128xf32, #tpu.memory_space<vmem>>, vector<1x16xf32>,
      %swap3A_577 = arith.index_cast %scan3A_561 : i32 to index
      %swap3A_578 = arith.constant 48 : index
      %swap3A_579 = tpu.vector_load %arg7[%swap3A_577, %swap3A_578] {strides = array<i32>} : memref<176x128xf32, #tpu.memory_space<vmem>>, vector<1x16xf32>,
      %swap3A_580 = vector.shape_cast %swap3A_579 : vector<1x16xf32> to vector<16xf32>
      %swap3A_581 = vector.shape_cast %broadcast_in_dim3A_3 : vector<16xf32> to vector<1x16xf32>
      tpu.vector_store %arg7[%swap3A_577, %swap3A_578], %swap3A_581 {strides = array<i32>} : memref<176x128xf32, #tpu.memory_space<vmem>>, vector<1x16xf32>,
      %swap3A_582 = arith.index_cast %scan3A_561 : i32 to index
      %swap3A_583 = arith.constant 64 : index
      %swap3A_584 = tpu.vector_load %arg7[%swap3A_582, %swap3A_583] {strides = array<i32>} : memref<176x128xf32, #tpu.memory_space<vmem>>, vector<1x16xf32>,
      %swap3A_585 = vector.shape_cast %swap3A_584 : vector<1x16xf32> to vector<16xf32>
      %swap3A_586 = vector.shape_cast %broadcast_in_dim3A_3 : vector<16xf32> to vector<1x16xf32>
      tpu.vector_store %arg7[%swap3A_582, %swap3A_583], %swap3A_586 {strides = array<i32>} : memref<176x128xf32, #tpu.memory_space<vmem>>, vector<1x16xf32>,
      %swap3A_587 = arith.index_cast %scan3A_561 : i32 to index
      %swap3A_588 = arith.constant 80 : index
      %swap3A_589 = tpu.vector_load %arg7[%swap3A_587, %swap3A_588] {strides = array<i32>} : memref<176x128xf32, #tpu.memory_space<vmem>>, vector<1x16xf32>,
      %swap3A_590 = vector.shape_cast %swap3A_589 : vector<1x16xf32> to vector<16xf32>
      %swap3A_591 = vector.shape_cast %broadcast_in_dim3A_3 : vector<16xf32> to vector<1x16xf32>
      tpu.vector_store %arg7[%swap3A_587, %swap3A_588], %swap3A_591 {strides = array<i32>} : memref<176x128xf32, #tpu.memory_space<vmem>>, vector<1x16xf32>,
      %swap3A_592 = arith.index_cast %scan3A_561 : i32 to index
      %swap3A_593 = arith.constant 96 : index
      %swap3A_594 = tpu.vector_load %arg7[%swap3A_592, %swap3A_593] {strides = array<i32>} : memref<176x128xf32, #tpu.memory_space<vmem>>, vector<1x16xf32>,
      %swap3A_595 = vector.shape_cast %swap3A_594 : vector<1x16xf32> to vector<16xf32>
      %swap3A_596 = vector.shape_cast %broadcast_in_dim3A_3 : vector<16xf32> to vector<1x16xf32>
      tpu.vector_store %arg7[%swap3A_592, %swap3A_593], %swap3A_596 {strides = array<i32>} : memref<176x128xf32, #tpu.memory_space<vmem>>, vector<1x16xf32>,
      %swap3A_597 = arith.index_cast %scan3A_561 : i32 to index
      %swap3A_598 = arith.constant 112 : index
      %swap3A_599 = tpu.vector_load %arg7[%swap3A_597, %swap3A_598] {strides = array<i32>} : memref<176x128xf32, #tpu.memory_space<vmem>>, vector<1x16xf32>,
      %swap3A_600 = vector.shape_cast %swap3A_599 : vector<1x16xf32> to vector<16xf32>
      %swap3A_601 = vector.shape_cast %broadcast_in_dim3A_3 : vector<16xf32> to vector<1x16xf32>
      tpu.vector_store %arg7[%swap3A_597, %swap3A_598], %swap3A_601 {strides = array<i32>} : memref<176x128xf32, #tpu.memory_space<vmem>>, vector<1x16xf32>,
    }
    %scan3A_10 = arith.constant 104 : i32
    %scan3A_11 = arith.constant 0 : i32
    %scan3A_12 = arith.constant 0 : i32
    %scan3A_13 = arith.constant 62 : i32
    %scan3A_14 = arith.addi %scan3A_12, %scan3A_13 : i32
    %scan3A_15 = arith.constant 1 : i32
    scf.for %scan3A_561 = %scan3A_12 to %scan3A_14 step %scan3A_15  : i32 {
      %mul3A_562 = arith.constant 16 : i32
      %mul3A_563 = arith.muli %scan3A_561, %mul3A_562 : i32
      %swap3A_564 = arith.index_cast %mul3A_563 : i32 to index
      %swap3A_565 = tpu.vector_load %arg21[%swap3A_564] {strides = array<i32>} : memref<1000xf32, #tpu.memory_space<vmem>>, vector<16xf32>,
      %swap3A_566 = vector.shape_cast %swap3A_565 : vector<16xf32> to vector<16xf32>
      %swap3A_567 = vector.shape_cast %broadcast_in_dim3A_3 : vector<16xf32> to vector<16xf32>
      tpu.vector_store %arg21[%swap3A_564], %swap3A_567 {strides = array<i32>} : memref<1000xf32, #tpu.memory_space<vmem>>, vector<16xf32>,
    }
    %scan3A_16 = arith.constant 62 : i32
    %swap3A = arith.constant 984 : index
    %swap3A_17 = tpu.vector_load %arg21[%swap3A] {strides = array<i32>} : memref<1000xf32, #tpu.memory_space<vmem>>, vector<16xf32>,
    %swap3A_18 = vector.shape_cast %swap3A_17 : vector<16xf32> to vector<16xf32>
    %swap3A_19 = vector.shape_cast %broadcast_in_dim3A_3 : vector<16xf32> to vector<16xf32>
    tpu.vector_store %arg21[%swap3A], %swap3A_19 {strides = array<i32>} : memref<1000xf32, #tpu.memory_space<vmem>>, vector<16xf32>,
    %mul3A_20 = arith.constant 624 : i32
    %mul3A_21 = arith.muli %arg1, %mul3A_20 : i32
    %add3A_22 = arith.constant 0 : i32
    %add3A_23 = arith.addi %mul3A_21, %add3A_22 : i32
    %dma_start3A = arith.constant 0 : i32
    %dma_start3A_24 = arith.constant 0 : i32
    %dma_start3A_25 = tpu.memref_slice %arg7[%dma_start3A, %dma_start3A_24] : memref<176x128xf32, #tpu.memory_space<vmem>> -> memref<104x128xf32, #tpu.memory_space<vmem>>
    %dma_start3A_26 = arith.constant 0 : i32
    %dma_start3A_27 = tpu.memref_slice %arg22[%add3A_23, %dma_start3A_26] : memref<10000x128xf32, #tpu.memory_space<vmem_shared>> -> memref<104x128xf32, #tpu.memory_space<vmem_shared>>
    %dma_start3A_28 = arith.constant 0 : i32
    %dma_start3A_29 = tpu.memref_slice %arg22[%add3A_23, %dma_start3A_28] : memref<10000x128xf32, #tpu.memory_space<vmem_shared>> -> memref<104x128xf32, #tpu.memory_space<vmem_shared>>
    %dma_start3A_30 = arith.constant 0 : i32
    %dma_start3A_31 = arith.constant 0 : i32
    %dma_start3A_32 = tpu.memref_slice %arg7[%dma_start3A_30, %dma_start3A_31] : memref<176x128xf32, #tpu.memory_space<vmem>> -> memref<104x128xf32, #tpu.memory_space<vmem>>
    tpu.enqueue_dma source(%dma_start3A_32 : memref<104x128xf32, #tpu.memory_space<vmem>>) target(%dma_start3A_29 : memref<104x128xf32, #tpu.memory_space<vmem_shared>>) target_semaphore(%arg30 : memref<!tpu.dma_semaphore, #tpu.memory_space<semaphore_mem>>)
    %mul3A_33 = arith.constant 624 : i32
    %mul3A_34 = arith.muli %arg1, %mul3A_33 : i32
    %add3A_35 = arith.constant 104 : i32
    %add3A_36 = arith.addi %mul3A_34, %add3A_35 : i32
    %dma_start3A_37 = arith.constant 0 : i32
    %dma_start3A_38 = arith.constant 0 : i32
    %dma_start3A_39 = tpu.memref_slice %arg7[%dma_start3A_37, %dma_start3A_38] : memref<176x128xf32, #tpu.memory_space<vmem>> -> memref<104x128xf32, #tpu.memory_space<vmem>>
    %dma_start3A_40 = arith.constant 0 : i32
    %dma_start3A_41 = tpu.memref_slice %arg22[%add3A_36, %dma_start3A_40] : memref<10000x128xf32, #tpu.memory_space<vmem_shared>> -> memref<104x128xf32, #tpu.memory_space<vmem_shared>>
    %dma_start3A_42 = arith.constant 0 : i32
    %dma_start3A_43 = tpu.memref_slice %arg22[%add3A_36, %dma_start3A_42] : memref<10000x128xf32, #tpu.memory_space<vmem_shared>> -> memref<104x128xf32, #tpu.memory_space<vmem_shared>>
    %dma_start3A_44 = arith.constant 0 : i32
    %dma_start3A_45 = arith.constant 0 : i32
    %dma_start3A_46 = tpu.memref_slice %arg7[%dma_start3A_44, %dma_start3A_45] : memref<176x128xf32, #tpu.memory_space<vmem>> -> memref<104x128xf32, #tpu.memory_space<vmem>>
    tpu.enqueue_dma source(%dma_start3A_46 : memref<104x128xf32, #tpu.memory_space<vmem>>) target(%dma_start3A_43 : memref<104x128xf32, #tpu.memory_space<vmem_shared>>) target_semaphore(%arg30 : memref<!tpu.dma_semaphore, #tpu.memory_space<semaphore_mem>>)
    %mul3A_47 = arith.constant 624 : i32
    %mul3A_48 = arith.muli %arg1, %mul3A_47 : i32
    %add3A_49 = arith.constant 208 : i32
    %add3A_50 = arith.addi %mul3A_48, %add3A_49 : i32
    %dma_start3A_51 = arith.constant 0 : i32
    %dma_start3A_52 = arith.constant 0 : i32
    %dma_start3A_53 = tpu.memref_slice %arg7[%dma_start3A_51, %dma_start3A_52] : memref<176x128xf32, #tpu.memory_space<vmem>> -> memref<104x128xf32, #tpu.memory_space<vmem>>
    %dma_start3A_54 = arith.constant 0 : i32
    %dma_start3A_55 = tpu.memref_slice %arg22[%add3A_50, %dma_start3A_54] : memref<10000x128xf32, #tpu.memory_space<vmem_shared>> -> memref<104x128xf32, #tpu.memory_space<vmem_shared>>
    %dma_start3A_56 = arith.constant 0 : i32
    %dma_start3A_57 = tpu.memref_slice %arg22[%add3A_50, %dma_start3A_56] : memref<10000x128xf32, #tpu.memory_space<vmem_shared>> -> memref<104x128xf32, #tpu.memory_space<vmem_shared>>
    %dma_start3A_58 = arith.constant 0 : i32
    %dma_start3A_59 = arith.constant 0 : i32
    %dma_start3A_60 = tpu.memref_slice %arg7[%dma_start3A_58, %dma_start3A_59] : memref<176x128xf32, #tpu.memory_space<vmem>> -> memref<104x128xf32, #tpu.memory_space<vmem>>
    tpu.enqueue_dma source(%dma_start3A_60 : memref<104x128xf32, #tpu.memory_space<vmem>>) target(%dma_start3A_57 : memref<104x128xf32, #tpu.memory_space<vmem_shared>>) target_semaphore(%arg30 : memref<!tpu.dma_semaphore, #tpu.memory_space<semaphore_mem>>)
    %mul3A_61 = arith.constant 624 : i32
    %mul3A_62 = arith.muli %arg1, %mul3A_61 : i32
    %add3A_63 = arith.constant 312 : i32
    %add3A_64 = arith.addi %mul3A_62, %add3A_63 : i32
    %dma_start3A_65 = arith.constant 0 : i32
    %dma_start3A_66 = arith.constant 0 : i32
    %dma_start3A_67 = tpu.memref_slice %arg7[%dma_start3A_65, %dma_start3A_66] : memref<176x128xf32, #tpu.memory_space<vmem>> -> memref<104x128xf32, #tpu.memory_space<vmem>>
    %dma_start3A_68 = arith.constant 0 : i32
    %dma_start3A_69 = tpu.memref_slice %arg22[%add3A_64, %dma_start3A_68] : memref<10000x128xf32, #tpu.memory_space<vmem_shared>> -> memref<104x128xf32, #tpu.memory_space<vmem_shared>>
    %dma_start3A_70 = arith.constant 0 : i32
    %dma_start3A_71 = tpu.memref_slice %arg22[%add3A_64, %dma_start3A_70] : memref<10000x128xf32, #tpu.memory_space<vmem_shared>> -> memref<104x128xf32, #tpu.memory_space<vmem_shared>>
    %dma_start3A_72 = arith.constant 0 : i32
    %dma_start3A_73 = arith.constant 0 : i32
    %dma_start3A_74 = tpu.memref_slice %arg7[%dma_start3A_72, %dma_start3A_73] : memref<176x128xf32, #tpu.memory_space<vmem>> -> memref<104x128xf32, #tpu.memory_space<vmem>>
    tpu.enqueue_dma source(%dma_start3A_74 : memref<104x128xf32, #tpu.memory_space<vmem>>) target(%dma_start3A_71 : memref<104x128xf32, #tpu.memory_space<vmem_shared>>) target_semaphore(%arg30 : memref<!tpu.dma_semaphore, #tpu.memory_space<semaphore_mem>>)
    %mul3A_75 = arith.constant 624 : i32
    %mul3A_76 = arith.muli %arg1, %mul3A_75 : i32
    %add3A_77 = arith.constant 416 : i32
    %add3A_78 = arith.addi %mul3A_76, %add3A_77 : i32
    %dma_start3A_79 = arith.constant 0 : i32
    %dma_start3A_80 = arith.constant 0 : i32
    %dma_start3A_81 = tpu.memref_slice %arg7[%dma_start3A_79, %dma_start3A_80] : memref<176x128xf32, #tpu.memory_space<vmem>> -> memref<104x128xf32, #tpu.memory_space<vmem>>
    %dma_start3A_82 = arith.constant 0 : i32
    %dma_start3A_83 = tpu.memref_slice %arg22[%add3A_78, %dma_start3A_82] : memref<10000x128xf32, #tpu.memory_space<vmem_shared>> -> memref<104x128xf32, #tpu.memory_space<vmem_shared>>
    %dma_start3A_84 = arith.constant 0 : i32
    %dma_start3A_85 = tpu.memref_slice %arg22[%add3A_78, %dma_start3A_84] : memref<10000x128xf32, #tpu.memory_space<vmem_shared>> -> memref<104x128xf32, #tpu.memory_space<vmem_shared>>
    %dma_start3A_86 = arith.constant 0 : i32
    %dma_start3A_87 = arith.constant 0 : i32
    %dma_start3A_88 = tpu.memref_slice %arg7[%dma_start3A_86, %dma_start3A_87] : memref<176x128xf32, #tpu.memory_space<vmem>> -> memref<104x128xf32, #tpu.memory_space<vmem>>
    tpu.enqueue_dma source(%dma_start3A_88 : memref<104x128xf32, #tpu.memory_space<vmem>>) target(%dma_start3A_85 : memref<104x128xf32, #tpu.memory_space<vmem_shared>>) target_semaphore(%arg30 : memref<!tpu.dma_semaphore, #tpu.memory_space<semaphore_mem>>)
    %mul3A_89 = arith.constant 624 : i32
    %mul3A_90 = arith.muli %arg1, %mul3A_89 : i32
    %add3A_91 = arith.constant 520 : i32
    %add3A_92 = arith.addi %mul3A_90, %add3A_91 : i32
    %dma_start3A_93 = arith.constant 0 : i32
    %dma_start3A_94 = arith.constant 0 : i32
    %dma_start3A_95 = tpu.memref_slice %arg7[%dma_start3A_93, %dma_start3A_94] : memref<176x128xf32, #tpu.memory_space<vmem>> -> memref<104x128xf32, #tpu.memory_space<vmem>>
    %dma_start3A_96 = arith.constant 0 : i32
    %dma_start3A_97 = tpu.memref_slice %arg22[%add3A_92, %dma_start3A_96] : memref<10000x128xf32, #tpu.memory_space<vmem_shared>> -> memref<104x128xf32, #tpu.memory_space<vmem_shared>>
    %dma_start3A_98 = arith.constant 0 : i32
    %dma_start3A_99 = tpu.memref_slice %arg22[%add3A_92, %dma_start3A_98] : memref<10000x128xf32, #tpu.memory_space<vmem_shared>> -> memref<104x128xf32, #tpu.memory_space<vmem_shared>>
    %dma_start3A_100 = arith.constant 0 : i32
    %dma_start3A_101 = arith.constant 0 : i32
    %dma_start3A_102 = tpu.memref_slice %arg7[%dma_start3A_100, %dma_start3A_101] : memref<176x128xf32, #tpu.memory_space<vmem>> -> memref<104x128xf32, #tpu.memory_space<vmem>>
    tpu.enqueue_dma source(%dma_start3A_102 : memref<104x128xf32, #tpu.memory_space<vmem>>) target(%dma_start3A_99 : memref<104x128xf32, #tpu.memory_space<vmem_shared>>) target_semaphore(%arg30 : memref<!tpu.dma_semaphore, #tpu.memory_space<semaphore_mem>>)
    %eq3A = arith.constant 0 : i32
    %eq3A_103 = arith.cmpi eq, %arg1, %eq3A : i32
    %convert_element_type3A = arith.extui %eq3A_103 : i1 to i32
    %cond3A = arith.constant 0 : i32
    %cond3A_104 = arith.cmpi ne, %convert_element_type3A, %cond3A : i32
    scf.if %cond3A_104 {
      %dma_start3A_561 = arith.constant 0 : i32
      %dma_start3A_562 = arith.constant 0 : i32
      %dma_start3A_563 = tpu.memref_slice %arg7[%dma_start3A_561, %dma_start3A_562] : memref<176x128xf32, #tpu.memory_space<vmem>> -> memref<16x128xf32, #tpu.memory_space<vmem>>
      %dma_start3A_564 = arith.constant 9984 : i32
      %dma_start3A_565 = arith.constant 0 : i32
      %dma_start3A_566 = tpu.memref_slice %arg22[%dma_start3A_564, %dma_start3A_565] : memref<10000x128xf32, #tpu.memory_space<vmem_shared>> -> memref<16x128xf32, #tpu.memory_space<vmem_shared>>
      %dma_start3A_567 = arith.constant 9984 : i32
      %dma_start3A_568 = arith.constant 0 : i32
      %dma_start3A_569 = tpu.memref_slice %arg22[%dma_start3A_567, %dma_start3A_568] : memref<10000x128xf32, #tpu.memory_space<vmem_shared>> -> memref<16x128xf32, #tpu.memory_space<vmem_shared>>
      %dma_start3A_570 = arith.constant 0 : i32
      %dma_start3A_571 = arith.constant 0 : i32
      %dma_start3A_572 = tpu.memref_slice %arg7[%dma_start3A_570, %dma_start3A_571] : memref<176x128xf32, #tpu.memory_space<vmem>> -> memref<16x128xf32, #tpu.memory_space<vmem>>
      tpu.enqueue_dma source(%dma_start3A_572 : memref<16x128xf32, #tpu.memory_space<vmem>>) target(%dma_start3A_569 : memref<16x128xf32, #tpu.memory_space<vmem_shared>>) target_semaphore(%arg31 : memref<!tpu.dma_semaphore, #tpu.memory_space<semaphore_mem>>)
    } else {
    }
    %lt3A = arith.constant 10 : i32
    %lt3A_105 = arith.cmpi slt, %arg1, %lt3A : i32
    %convert_element_type3A_106 = arith.extui %lt3A_105 : i1 to i32
    %cond3A_107 = arith.constant 0 : i32
    %cond3A_108 = arith.cmpi ne, %convert_element_type3A_106, %cond3A_107 : i32
    scf.if %cond3A_108 {
      %mul3A_561 = arith.constant 1000 : i32
      %mul3A_562 = arith.muli %arg1, %mul3A_561 : i32
      %dma_start3A_563 = arith.constant 0 : i32
      %dma_start3A_564 = tpu.memref_slice %arg21[%dma_start3A_563] : memref<1000xf32, #tpu.memory_space<vmem>> -> memref<1000xf32, #tpu.memory_space<vmem>>
      %dma_start3A_565 = tpu.memref_slice %arg23[%mul3A_562] : memref<10000xf32, #tpu.memory_space<vmem_shared>> -> memref<1000xf32, #tpu.memory_space<vmem_shared>>
      %dma_start3A_566 = tpu.memref_slice %arg23[%mul3A_562] : memref<10000xf32, #tpu.memory_space<vmem_shared>> -> memref<1000xf32, #tpu.memory_space<vmem_shared>>
      %dma_start3A_567 = arith.constant 0 : i32
      %dma_start3A_568 = tpu.memref_slice %arg21[%dma_start3A_567] : memref<1000xf32, #tpu.memory_space<vmem>> -> memref<1000xf32, #tpu.memory_space<vmem>>
      tpu.enqueue_dma source(%dma_start3A_568 : memref<1000xf32, #tpu.memory_space<vmem>>) target(%dma_start3A_566 : memref<1000xf32, #tpu.memory_space<vmem_shared>>) target_semaphore(%arg31 : memref<!tpu.dma_semaphore, #tpu.memory_space<semaphore_mem>>)
    } else {
    }
    %scan3A_109 = arith.constant 0 : i32
    %scan3A_110 = arith.constant 0 : i32
    %scan3A_111 = arith.constant 11 : i32
    %scan3A_112 = arith.addi %scan3A_110, %scan3A_111 : i32
    %scan3A_113 = arith.constant 1 : i32
    scf.for %scan3A_561 = %scan3A_110 to %scan3A_112 step %scan3A_113  : i32 {
      %mul3A_562 = arith.constant 16 : i32
      %mul3A_563 = arith.muli %scan3A_561, %mul3A_562 : i32
      %swap3A_564 = arith.index_cast %mul3A_563 : i32 to index
      %swap3A_565 = tpu.vector_load %arg19[%swap3A_564] {strides = array<i32>} : memref<176xf32, #tpu.memory_space<vmem>>, vector<16xf32>,
      %swap3A_566 = vector.shape_cast %swap3A_565 : vector<16xf32> to vector<16xf32>
      %swap3A_567 = vector.shape_cast %broadcast_in_dim3A_5 : vector<16xf32> to vector<16xf32>
      tpu.vector_store %arg19[%swap3A_564], %swap3A_567 {strides = array<i32>} : memref<176xf32, #tpu.memory_space<vmem>>, vector<16xf32>,
    }
    %scan3A_114 = arith.constant 11 : i32
    %scan3A_115 = arith.constant 0 : i32
    %scan3A_116 = arith.constant 0 : i32
    %scan3A_117 = arith.constant 9 : i32
    %scan3A_118 = arith.addi %scan3A_116, %scan3A_117 : i32
    %scan3A_119 = arith.constant 1 : i32
    scf.for %scan3A_561 = %scan3A_116 to %scan3A_118 step %scan3A_119  : i32 {
      %mul3A_562 = arith.constant 16 : i32
      %mul3A_563 = arith.muli %scan3A_561, %mul3A_562 : i32
      %swap3A_564 = arith.index_cast %mul3A_563 : i32 to index
      %swap3A_565 = tpu.vector_load %arg20[%swap3A_564] {strides = array<i32>} : memref<144xf32, #tpu.memory_space<vmem>>, vector<16xf32>,
      %swap3A_566 = vector.shape_cast %swap3A_565 : vector<16xf32> to vector<16xf32>
      %swap3A_567 = vector.shape_cast %broadcast_in_dim3A_5 : vector<16xf32> to vector<16xf32>
      tpu.vector_store %arg20[%swap3A_564], %swap3A_567 {strides = array<i32>} : memref<144xf32, #tpu.memory_space<vmem>>, vector<16xf32>,
    }
    %scan3A_120 = arith.constant 9 : i32
    %mul3A_121 = arith.constant 624 : i32
    %mul3A_122 = arith.muli %arg1, %mul3A_121 : i32
    %add3A_123 = arith.constant 0 : i32
    %add3A_124 = arith.addi %mul3A_122, %add3A_123 : i32
    %dma_wait3A = arith.constant 0 : i32
    %dma_wait3A_125 = arith.constant 0 : i32
    %dma_wait3A_126 = tpu.memref_slice %arg7[%dma_wait3A, %dma_wait3A_125] : memref<176x128xf32, #tpu.memory_space<vmem>> -> memref<104x128xf32, #tpu.memory_space<vmem>>
    %dma_wait3A_127 = arith.constant 0 : i32
    %dma_wait3A_128 = tpu.memref_slice %arg22[%add3A_124, %dma_wait3A_127] : memref<10000x128xf32, #tpu.memory_space<vmem_shared>> -> memref<104x128xf32, #tpu.memory_space<vmem_shared>>
    %dma_wait3A_129 = arith.constant 0 : i32
    %dma_wait3A_130 = tpu.memref_slice %arg22[%add3A_124, %dma_wait3A_129] : memref<10000x128xf32, #tpu.memory_space<vmem_shared>> -> memref<104x128xf32, #tpu.memory_space<vmem_shared>>
    %dma_wait3A_131 = arith.constant 0 : i32
    %dma_wait3A_132 = arith.constant 0 : i32
    %dma_wait3A_133 = tpu.memref_slice %arg7[%dma_wait3A_131, %dma_wait3A_132] : memref<176x128xf32, #tpu.memory_space<vmem>> -> memref<104x128xf32, #tpu.memory_space<vmem>>
    tpu.wait_dma2 semaphore(%arg30 : memref<!tpu.dma_semaphore, #tpu.memory_space<semaphore_mem>>) src(%dma_wait3A_133 : memref<104x128xf32, #tpu.memory_space<vmem>>) dst(%dma_wait3A_130 : memref<104x128xf32, #tpu.memory_space<vmem_shared>>)
    %mul3A_134 = arith.constant 624 : i32
    %mul3A_135 = arith.muli %arg1, %mul3A_134 : i32
    %add3A_136 = arith.constant 104 : i32
    %add3A_137 = arith.addi %mul3A_135, %add3A_136 : i32
    %dma_wait3A_138 = arith.constant 0 : i32
    %dma_wait3A_139 = arith.constant 0 : i32
    %dma_wait3A_140 = tpu.memref_slice %arg7[%dma_wait3A_138, %dma_wait3A_139] : memref<176x128xf32, #tpu.memory_space<vmem>> -> memref<104x128xf32, #tpu.memory_space<vmem>>
    %dma_wait3A_141 = arith.constant 0 : i32
    %dma_wait3A_142 = tpu.memref_slice %arg22[%add3A_137, %dma_wait3A_141] : memref<10000x128xf32, #tpu.memory_space<vmem_shared>> -> memref<104x128xf32, #tpu.memory_space<vmem_shared>>
    %dma_wait3A_143 = arith.constant 0 : i32
    %dma_wait3A_144 = tpu.memref_slice %arg22[%add3A_137, %dma_wait3A_143] : memref<10000x128xf32, #tpu.memory_space<vmem_shared>> -> memref<104x128xf32, #tpu.memory_space<vmem_shared>>
    %dma_wait3A_145 = arith.constant 0 : i32
    %dma_wait3A_146 = arith.constant 0 : i32
    %dma_wait3A_147 = tpu.memref_slice %arg7[%dma_wait3A_145, %dma_wait3A_146] : memref<176x128xf32, #tpu.memory_space<vmem>> -> memref<104x128xf32, #tpu.memory_space<vmem>>
    tpu.wait_dma2 semaphore(%arg30 : memref<!tpu.dma_semaphore, #tpu.memory_space<semaphore_mem>>) src(%dma_wait3A_147 : memref<104x128xf32, #tpu.memory_space<vmem>>) dst(%dma_wait3A_144 : memref<104x128xf32, #tpu.memory_space<vmem_shared>>)
    %mul3A_148 = arith.constant 624 : i32
    %mul3A_149 = arith.muli %arg1, %mul3A_148 : i32
    %add3A_150 = arith.constant 208 : i32
    %add3A_151 = arith.addi %mul3A_149, %add3A_150 : i32
    %dma_wait3A_152 = arith.constant 0 : i32
    %dma_wait3A_153 = arith.constant 0 : i32
    %dma_wait3A_154 = tpu.memref_slice %arg7[%dma_wait3A_152, %dma_wait3A_153] : memref<176x128xf32, #tpu.memory_space<vmem>> -> memref<104x128xf32, #tpu.memory_space<vmem>>
    %dma_wait3A_155 = arith.constant 0 : i32
    %dma_wait3A_156 = tpu.memref_slice %arg22[%add3A_151, %dma_wait3A_155] : memref<10000x128xf32, #tpu.memory_space<vmem_shared>> -> memref<104x128xf32, #tpu.memory_space<vmem_shared>>
    %dma_wait3A_157 = arith.constant 0 : i32
    %dma_wait3A_158 = tpu.memref_slice %arg22[%add3A_151, %dma_wait3A_157] : memref<10000x128xf32, #tpu.memory_space<vmem_shared>> -> memref<104x128xf32, #tpu.memory_space<vmem_shared>>
    %dma_wait3A_159 = arith.constant 0 : i32
    %dma_wait3A_160 = arith.constant 0 : i32
    %dma_wait3A_161 = tpu.memref_slice %arg7[%dma_wait3A_159, %dma_wait3A_160] : memref<176x128xf32, #tpu.memory_space<vmem>> -> memref<104x128xf32, #tpu.memory_space<vmem>>
    tpu.wait_dma2 semaphore(%arg30 : memref<!tpu.dma_semaphore, #tpu.memory_space<semaphore_mem>>) src(%dma_wait3A_161 : memref<104x128xf32, #tpu.memory_space<vmem>>) dst(%dma_wait3A_158 : memref<104x128xf32, #tpu.memory_space<vmem_shared>>)
    %mul3A_162 = arith.constant 624 : i32
    %mul3A_163 = arith.muli %arg1, %mul3A_162 : i32
    %add3A_164 = arith.constant 312 : i32
    %add3A_165 = arith.addi %mul3A_163, %add3A_164 : i32
    %dma_wait3A_166 = arith.constant 0 : i32
    %dma_wait3A_167 = arith.constant 0 : i32
    %dma_wait3A_168 = tpu.memref_slice %arg7[%dma_wait3A_166, %dma_wait3A_167] : memref<176x128xf32, #tpu.memory_space<vmem>> -> memref<104x128xf32, #tpu.memory_space<vmem>>
    %dma_wait3A_169 = arith.constant 0 : i32
    %dma_wait3A_170 = tpu.memref_slice %arg22[%add3A_165, %dma_wait3A_169] : memref<10000x128xf32, #tpu.memory_space<vmem_shared>> -> memref<104x128xf32, #tpu.memory_space<vmem_shared>>
    %dma_wait3A_171 = arith.constant 0 : i32
    %dma_wait3A_172 = tpu.memref_slice %arg22[%add3A_165, %dma_wait3A_171] : memref<10000x128xf32, #tpu.memory_space<vmem_shared>> -> memref<104x128xf32, #tpu.memory_space<vmem_shared>>
    %dma_wait3A_173 = arith.constant 0 : i32
    %dma_wait3A_174 = arith.constant 0 : i32
    %dma_wait3A_175 = tpu.memref_slice %arg7[%dma_wait3A_173, %dma_wait3A_174] : memref<176x128xf32, #tpu.memory_space<vmem>> -> memref<104x128xf32, #tpu.memory_space<vmem>>
    tpu.wait_dma2 semaphore(%arg30 : memref<!tpu.dma_semaphore, #tpu.memory_space<semaphore_mem>>) src(%dma_wait3A_175 : memref<104x128xf32, #tpu.memory_space<vmem>>) dst(%dma_wait3A_172 : memref<104x128xf32, #tpu.memory_space<vmem_shared>>)
    %mul3A_176 = arith.constant 624 : i32
    %mul3A_177 = arith.muli %arg1, %mul3A_176 : i32
    %add3A_178 = arith.constant 416 : i32
    %add3A_179 = arith.addi %mul3A_177, %add3A_178 : i32
    %dma_wait3A_180 = arith.constant 0 : i32
    %dma_wait3A_181 = arith.constant 0 : i32
    %dma_wait3A_182 = tpu.memref_slice %arg7[%dma_wait3A_180, %dma_wait3A_181] : memref<176x128xf32, #tpu.memory_space<vmem>> -> memref<104x128xf32, #tpu.memory_space<vmem>>
    %dma_wait3A_183 = arith.constant 0 : i32
    %dma_wait3A_184 = tpu.memref_slice %arg22[%add3A_179, %dma_wait3A_183] : memref<10000x128xf32, #tpu.memory_space<vmem_shared>> -> memref<104x128xf32, #tpu.memory_space<vmem_shared>>
    %dma_wait3A_185 = arith.constant 0 : i32
    %dma_wait3A_186 = tpu.memref_slice %arg22[%add3A_179, %dma_wait3A_185] : memref<10000x128xf32, #tpu.memory_space<vmem_shared>> -> memref<104x128xf32, #tpu.memory_space<vmem_shared>>
    %dma_wait3A_187 = arith.constant 0 : i32
    %dma_wait3A_188 = arith.constant 0 : i32
    %dma_wait3A_189 = tpu.memref_slice %arg7[%dma_wait3A_187, %dma_wait3A_188] : memref<176x128xf32, #tpu.memory_space<vmem>> -> memref<104x128xf32, #tpu.memory_space<vmem>>
    tpu.wait_dma2 semaphore(%arg30 : memref<!tpu.dma_semaphore, #tpu.memory_space<semaphore_mem>>) src(%dma_wait3A_189 : memref<104x128xf32, #tpu.memory_space<vmem>>) dst(%dma_wait3A_186 : memref<104x128xf32, #tpu.memory_space<vmem_shared>>)
    %mul3A_190 = arith.constant 624 : i32
    %mul3A_191 = arith.muli %arg1, %mul3A_190 : i32
    %add3A_192 = arith.constant 520 : i32
    %add3A_193 = arith.addi %mul3A_191, %add3A_192 : i32
    %dma_wait3A_194 = arith.constant 0 : i32
    %dma_wait3A_195 = arith.constant 0 : i32
    %dma_wait3A_196 = tpu.memref_slice %arg7[%dma_wait3A_194, %dma_wait3A_195] : memref<176x128xf32, #tpu.memory_space<vmem>> -> memref<104x128xf32, #tpu.memory_space<vmem>>
    %dma_wait3A_197 = arith.constant 0 : i32
    %dma_wait3A_198 = tpu.memref_slice %arg22[%add3A_193, %dma_wait3A_197] : memref<10000x128xf32, #tpu.memory_space<vmem_shared>> -> memref<104x128xf32, #tpu.memory_space<vmem_shared>>
    %dma_wait3A_199 = arith.constant 0 : i32
    %dma_wait3A_200 = tpu.memref_slice %arg22[%add3A_193, %dma_wait3A_199] : memref<10000x128xf32, #tpu.memory_space<vmem_shared>> -> memref<104x128xf32, #tpu.memory_space<vmem_shared>>
    %dma_wait3A_201 = arith.constant 0 : i32
    %dma_wait3A_202 = arith.constant 0 : i32
    %dma_wait3A_203 = tpu.memref_slice %arg7[%dma_wait3A_201, %dma_wait3A_202] : memref<176x128xf32, #tpu.memory_space<vmem>> -> memref<104x128xf32, #tpu.memory_space<vmem>>
    tpu.wait_dma2 semaphore(%arg30 : memref<!tpu.dma_semaphore, #tpu.memory_space<semaphore_mem>>) src(%dma_wait3A_203 : memref<104x128xf32, #tpu.memory_space<vmem>>) dst(%dma_wait3A_200 : memref<104x128xf32, #tpu.memory_space<vmem_shared>>)
    %eq3A_204 = arith.constant 0 : i32
    %eq3A_205 = arith.cmpi eq, %arg1, %eq3A_204 : i32
    %convert_element_type3A_206 = arith.extui %eq3A_205 : i1 to i32
    %cond3A_207 = arith.constant 0 : i32
    %cond3A_208 = arith.cmpi ne, %convert_element_type3A_206, %cond3A_207 : i32
    scf.if %cond3A_208 {
      %dma_wait3A_561 = arith.constant 0 : i32
      %dma_wait3A_562 = arith.constant 0 : i32
      %dma_wait3A_563 = tpu.memref_slice %arg7[%dma_wait3A_561, %dma_wait3A_562] : memref<176x128xf32, #tpu.memory_space<vmem>> -> memref<16x128xf32, #tpu.memory_space<vmem>>
      %dma_wait3A_564 = arith.constant 9984 : i32
      %dma_wait3A_565 = arith.constant 0 : i32
      %dma_wait3A_566 = tpu.memref_slice %arg22[%dma_wait3A_564, %dma_wait3A_565] : memref<10000x128xf32, #tpu.memory_space<vmem_shared>> -> memref<16x128xf32, #tpu.memory_space<vmem_shared>>
      %dma_wait3A_567 = arith.constant 9984 : i32
      %dma_wait3A_568 = arith.constant 0 : i32
      %dma_wait3A_569 = tpu.memref_slice %arg22[%dma_wait3A_567, %dma_wait3A_568] : memref<10000x128xf32, #tpu.memory_space<vmem_shared>> -> memref<16x128xf32, #tpu.memory_space<vmem_shared>>
      %dma_wait3A_570 = arith.constant 0 : i32
      %dma_wait3A_571 = arith.constant 0 : i32
      %dma_wait3A_572 = tpu.memref_slice %arg7[%dma_wait3A_570, %dma_wait3A_571] : memref<176x128xf32, #tpu.memory_space<vmem>> -> memref<16x128xf32, #tpu.memory_space<vmem>>
      tpu.wait_dma2 semaphore(%arg31 : memref<!tpu.dma_semaphore, #tpu.memory_space<semaphore_mem>>) src(%dma_wait3A_572 : memref<16x128xf32, #tpu.memory_space<vmem>>) dst(%dma_wait3A_569 : memref<16x128xf32, #tpu.memory_space<vmem_shared>>)
    } else {
    }
    %lt3A_209 = arith.constant 10 : i32
    %lt3A_210 = arith.cmpi slt, %arg1, %lt3A_209 : i32
    %convert_element_type3A_211 = arith.extui %lt3A_210 : i1 to i32
    %cond3A_212 = arith.constant 0 : i32
    %cond3A_213 = arith.cmpi ne, %convert_element_type3A_211, %cond3A_212 : i32
    scf.if %cond3A_213 {
      %mul3A_561 = arith.constant 1000 : i32
      %mul3A_562 = arith.muli %arg1, %mul3A_561 : i32
      %dma_wait3A_563 = arith.constant 0 : i32
      %dma_wait3A_564 = tpu.memref_slice %arg21[%dma_wait3A_563] : memref<1000xf32, #tpu.memory_space<vmem>> -> memref<1000xf32, #tpu.memory_space<vmem>>
      %dma_wait3A_565 = tpu.memref_slice %arg23[%mul3A_562] : memref<10000xf32, #tpu.memory_space<vmem_shared>> -> memref<1000xf32, #tpu.memory_space<vmem_shared>>
      %dma_wait3A_566 = tpu.memref_slice %arg23[%mul3A_562] : memref<10000xf32, #tpu.memory_space<vmem_shared>> -> memref<1000xf32, #tpu.memory_space<vmem_shared>>
      %dma_wait3A_567 = arith.constant 0 : i32
      %dma_wait3A_568 = tpu.memref_slice %arg21[%dma_wait3A_567] : memref<1000xf32, #tpu.memory_space<vmem>> -> memref<1000xf32, #tpu.memory_space<vmem>>
      tpu.wait_dma2 semaphore(%arg31 : memref<!tpu.dma_semaphore, #tpu.memory_space<semaphore_mem>>) src(%dma_wait3A_568 : memref<1000xf32, #tpu.memory_space<vmem>>) dst(%dma_wait3A_566 : memref<1000xf32, #tpu.memory_space<vmem_shared>>)
    } else {
    }
    %barrier3A = arith.constant 0 : index
    tpu.barrier barrier_id(%barrier3A)
    %add3A_214 = arith.constant 0 : i32
    %add3A_215 = arith.addi %mul3A_2, %add3A_214 : i32
    %multiple_of3A = tpu.assume_multiple %add3A_215, 8 : i32
    %dma_start3A_216 = tpu.memref_slice %arg3[%multiple_of3A] : memref<320000xi32, #tpu.memory_space<hbm>> -> memref<176xi32, #tpu.memory_space<hbm>>
    %dma_start3A_217 = tpu.memref_slice %arg3[%multiple_of3A] : memref<320000xi32, #tpu.memory_space<hbm>> -> memref<176xi32, #tpu.memory_space<hbm>>
    tpu.enqueue_dma source(%dma_start3A_217 : memref<176xi32, #tpu.memory_space<hbm>>) target(%arg9 : memref<176xi32, #tpu.memory_space<vmem>>) target_semaphore(%arg26 : memref<!tpu.dma_semaphore, #tpu.memory_space<semaphore_mem>>)
    %dma_start3A_218 = tpu.memref_slice %arg4[%multiple_of3A] : memref<320000xi32, #tpu.memory_space<hbm>> -> memref<176xi32, #tpu.memory_space<hbm>>
    %dma_start3A_219 = tpu.memref_slice %arg4[%multiple_of3A] : memref<320000xi32, #tpu.memory_space<hbm>> -> memref<176xi32, #tpu.memory_space<hbm>>
    tpu.enqueue_dma source(%dma_start3A_219 : memref<176xi32, #tpu.memory_space<hbm>>) target(%arg13 : memref<176xi32, #tpu.memory_space<vmem>>) target_semaphore(%arg26 : memref<!tpu.dma_semaphore, #tpu.memory_space<semaphore_mem>>)
    %add3A_220 = arith.constant 176 : i32
    %add3A_221 = arith.addi %mul3A_2, %add3A_220 : i32
    %multiple_of3A_222 = tpu.assume_multiple %add3A_221, 8 : i32
    %dma_start3A_223 = tpu.memref_slice %arg3[%multiple_of3A_222] : memref<320000xi32, #tpu.memory_space<hbm>> -> memref<176xi32, #tpu.memory_space<hbm>>
    %dma_start3A_224 = tpu.memref_slice %arg3[%multiple_of3A_222] : memref<320000xi32, #tpu.memory_space<hbm>> -> memref<176xi32, #tpu.memory_space<hbm>>
    tpu.enqueue_dma source(%dma_start3A_224 : memref<176xi32, #tpu.memory_space<hbm>>) target(%arg10 : memref<176xi32, #tpu.memory_space<vmem>>) target_semaphore(%arg27 : memref<!tpu.dma_semaphore, #tpu.memory_space<semaphore_mem>>)
    %dma_start3A_225 = tpu.memref_slice %arg4[%multiple_of3A_222] : memref<320000xi32, #tpu.memory_space<hbm>> -> memref<176xi32, #tpu.memory_space<hbm>>
    %dma_start3A_226 = tpu.memref_slice %arg4[%multiple_of3A_222] : memref<320000xi32, #tpu.memory_space<hbm>> -> memref<176xi32, #tpu.memory_space<hbm>>
    tpu.enqueue_dma source(%dma_start3A_226 : memref<176xi32, #tpu.memory_space<hbm>>) target(%arg14 : memref<176xi32, #tpu.memory_space<vmem>>) target_semaphore(%arg27 : memref<!tpu.dma_semaphore, #tpu.memory_space<semaphore_mem>>)
    %dma_wait3A_227 = arith.constant 0 : i32
    %dma_wait3A_228 = tpu.memref_slice %arg3[%dma_wait3A_227] : memref<320000xi32, #tpu.memory_space<hbm>> -> memref<176xi32, #tpu.memory_space<hbm>>
    %dma_wait3A_229 = arith.constant 0 : i32
    %dma_wait3A_230 = tpu.memref_slice %arg3[%dma_wait3A_229] : memref<320000xi32, #tpu.memory_space<hbm>> -> memref<176xi32, #tpu.memory_space<hbm>>
    tpu.wait_dma2 semaphore(%arg26 : memref<!tpu.dma_semaphore, #tpu.memory_space<semaphore_mem>>) src(%dma_wait3A_230 : memref<176xi32, #tpu.memory_space<hbm>>) dst(%arg9 : memref<176xi32, #tpu.memory_space<vmem>>)
    %dma_wait3A_231 = arith.constant 0 : i32
    %dma_wait3A_232 = tpu.memref_slice %arg4[%dma_wait3A_231] : memref<320000xi32, #tpu.memory_space<hbm>> -> memref<176xi32, #tpu.memory_space<hbm>>
    %dma_wait3A_233 = arith.constant 0 : i32
    %dma_wait3A_234 = tpu.memref_slice %arg4[%dma_wait3A_233] : memref<320000xi32, #tpu.memory_space<hbm>> -> memref<176xi32, #tpu.memory_space<hbm>>
    tpu.wait_dma2 semaphore(%arg26 : memref<!tpu.dma_semaphore, #tpu.memory_space<semaphore_mem>>) src(%dma_wait3A_234 : memref<176xi32, #tpu.memory_space<hbm>>) dst(%arg13 : memref<176xi32, #tpu.memory_space<vmem>>)
    %dma_start3A_235 = arith.constant 0 : i32
    %dma_start3A_236 = arith.constant 0 : i32
    %dma_start3A_237 = tpu.memref_slice %arg2[%dma_start3A_235, %dma_start3A_236] : memref<10000x128xf32, #tpu.memory_space<hbm>> -> memref<10000x128xf32, #tpu.memory_space<hbm>>
    tpu.enqueue_indirect_dma source(%dma_start3A_237 : memref<10000x128xf32, #tpu.memory_space<hbm>>) target(%arg7 : memref<176x128xf32, #tpu.memory_space<vmem>>) offsets(%arg9 : memref<176xi32, #tpu.memory_space<vmem>>) semaphore(%arg24 : memref<!tpu.dma_semaphore, #tpu.memory_space<semaphore_mem>>)
    %dma_wait3A_238 = arith.constant 0 : i32
    %dma_wait3A_239 = tpu.memref_slice %arg3[%dma_wait3A_238] : memref<320000xi32, #tpu.memory_space<hbm>> -> memref<176xi32, #tpu.memory_space<hbm>>
    %dma_wait3A_240 = arith.constant 0 : i32
    %dma_wait3A_241 = tpu.memref_slice %arg3[%dma_wait3A_240] : memref<320000xi32, #tpu.memory_space<hbm>> -> memref<176xi32, #tpu.memory_space<hbm>>
    tpu.wait_dma2 semaphore(%arg27 : memref<!tpu.dma_semaphore, #tpu.memory_space<semaphore_mem>>) src(%dma_wait3A_241 : memref<176xi32, #tpu.memory_space<hbm>>) dst(%arg10 : memref<176xi32, #tpu.memory_space<vmem>>)
    %dma_wait3A_242 = arith.constant 0 : i32
    %dma_wait3A_243 = tpu.memref_slice %arg4[%dma_wait3A_242] : memref<320000xi32, #tpu.memory_space<hbm>> -> memref<176xi32, #tpu.memory_space<hbm>>
    %dma_wait3A_244 = arith.constant 0 : i32
    %dma_wait3A_245 = tpu.memref_slice %arg4[%dma_wait3A_244] : memref<320000xi32, #tpu.memory_space<hbm>> -> memref<176xi32, #tpu.memory_space<hbm>>
    tpu.wait_dma2 semaphore(%arg27 : memref<!tpu.dma_semaphore, #tpu.memory_space<semaphore_mem>>) src(%dma_wait3A_245 : memref<176xi32, #tpu.memory_space<hbm>>) dst(%arg14 : memref<176xi32, #tpu.memory_space<vmem>>)
    %dma_start3A_246 = arith.constant 0 : i32
    %dma_start3A_247 = arith.constant 0 : i32
    %dma_start3A_248 = tpu.memref_slice %arg2[%dma_start3A_246, %dma_start3A_247] : memref<10000x128xf32, #tpu.memory_space<hbm>> -> memref<10000x128xf32, #tpu.memory_space<hbm>>
    tpu.enqueue_indirect_dma source(%dma_start3A_248 : memref<10000x128xf32, #tpu.memory_space<hbm>>) target(%arg8 : memref<176x128xf32, #tpu.memory_space<vmem>>) offsets(%arg10 : memref<176xi32, #tpu.memory_space<vmem>>) semaphore(%arg25 : memref<!tpu.dma_semaphore, #tpu.memory_space<semaphore_mem>>)
    %add3A_249 = arith.constant 352 : i32
    %add3A_250 = arith.addi %mul3A_2, %add3A_249 : i32
    %multiple_of3A_251 = tpu.assume_multiple %add3A_250, 8 : i32
    %dma_start3A_252 = tpu.memref_slice %arg3[%multiple_of3A_251] : memref<320000xi32, #tpu.memory_space<hbm>> -> memref<176xi32, #tpu.memory_space<hbm>>
    %dma_start3A_253 = tpu.memref_slice %arg3[%multiple_of3A_251] : memref<320000xi32, #tpu.memory_space<hbm>> -> memref<176xi32, #tpu.memory_space<hbm>>
    tpu.enqueue_dma source(%dma_start3A_253 : memref<176xi32, #tpu.memory_space<hbm>>) target(%arg11 : memref<176xi32, #tpu.memory_space<vmem>>) target_semaphore(%arg28 : memref<!tpu.dma_semaphore, #tpu.memory_space<semaphore_mem>>)
    %dma_start3A_254 = tpu.memref_slice %arg4[%multiple_of3A_251] : memref<320000xi32, #tpu.memory_space<hbm>> -> memref<176xi32, #tpu.memory_space<hbm>>
    %dma_start3A_255 = tpu.memref_slice %arg4[%multiple_of3A_251] : memref<320000xi32, #tpu.memory_space<hbm>> -> memref<176xi32, #tpu.memory_space<hbm>>
    tpu.enqueue_dma source(%dma_start3A_255 : memref<176xi32, #tpu.memory_space<hbm>>) target(%arg15 : memref<176xi32, #tpu.memory_space<vmem>>) target_semaphore(%arg28 : memref<!tpu.dma_semaphore, #tpu.memory_space<semaphore_mem>>)
    %add3A_256 = arith.constant 528 : i32
    %add3A_257 = arith.addi %mul3A_2, %add3A_256 : i32
    %multiple_of3A_258 = tpu.assume_multiple %add3A_257, 8 : i32
    %dma_start3A_259 = tpu.memref_slice %arg3[%multiple_of3A_258] : memref<320000xi32, #tpu.memory_space<hbm>> -> memref<176xi32, #tpu.memory_space<hbm>>
    %dma_start3A_260 = tpu.memref_slice %arg3[%multiple_of3A_258] : memref<320000xi32, #tpu.memory_space<hbm>> -> memref<176xi32, #tpu.memory_space<hbm>>
    tpu.enqueue_dma source(%dma_start3A_260 : memref<176xi32, #tpu.memory_space<hbm>>) target(%arg12 : memref<176xi32, #tpu.memory_space<vmem>>) target_semaphore(%arg29 : memref<!tpu.dma_semaphore, #tpu.memory_space<semaphore_mem>>)
    %dma_start3A_261 = tpu.memref_slice %arg4[%multiple_of3A_258] : memref<320000xi32, #tpu.memory_space<hbm>> -> memref<176xi32, #tpu.memory_space<hbm>>
    %dma_start3A_262 = tpu.memref_slice %arg4[%multiple_of3A_258] : memref<320000xi32, #tpu.memory_space<hbm>> -> memref<176xi32, #tpu.memory_space<hbm>>
    tpu.enqueue_dma source(%dma_start3A_262 : memref<176xi32, #tpu.memory_space<hbm>>) target(%arg16 : memref<176xi32, #tpu.memory_space<vmem>>) target_semaphore(%arg29 : memref<!tpu.dma_semaphore, #tpu.memory_space<semaphore_mem>>)
    %scan3A_263 = arith.constant 0 : i32
    %scan3A_264 = arith.constant 0 : i32
    %scan3A_265 = arith.constant 13 : i32
    %scan3A_266 = arith.addi %scan3A_264, %scan3A_265 : i32
    %scan3A_267 = arith.constant 1 : i32
    scf.for %scan3A_561 = %scan3A_264 to %scan3A_266 step %scan3A_267  : i32 {
      %mul3A_562 = arith.constant 4 : i32
      %mul3A_563 = arith.muli %mul3A_562, %scan3A_561 : i32
      %add3A_564 = arith.constant 0 : i32
      %add3A_565 = arith.addi %mul3A_563, %add3A_564 : i32
      %dma_wait3A_566 = arith.constant 0 : i32
      %dma_wait3A_567 = arith.constant 0 : i32
      %dma_wait3A_568 = tpu.memref_slice %arg2[%dma_wait3A_566, %dma_wait3A_567] : memref<10000x128xf32, #tpu.memory_space<hbm>> -> memref<10000x128xf32, #tpu.memory_space<hbm>>
      tpu.wait_indirect_dma semaphore(%arg24 : memref<!tpu.dma_semaphore, #tpu.memory_space<semaphore_mem>>) src(%dma_wait3A_568 : memref<10000x128xf32, #tpu.memory_space<hbm>>) dst(%arg7 : memref<176x128xf32, #tpu.memory_space<vmem>>)
      %dma_start3A_569 = arith.constant 0 : i32
      %dma_start3A_570 = arith.constant 0 : i32
      %dma_start3A_571 = tpu.memref_slice %arg22[%dma_start3A_569, %dma_start3A_570] : memref<10000x128xf32, #tpu.memory_space<vmem_shared>> -> memref<10000x128xf32, #tpu.memory_space<vmem_shared>>
      tpu.enqueue_indirect_dma source(%arg7 : memref<176x128xf32, #tpu.memory_space<vmem>>) target(%dma_start3A_571 : memref<10000x128xf32, #tpu.memory_space<vmem_shared>>) offsets(%arg13 : memref<176xi32, #tpu.memory_space<vmem>>) semaphore(%arg30 : memref<!tpu.dma_semaphore, #tpu.memory_space<semaphore_mem>>) {add = true}
      %dma_start3A_572 = arith.constant 0 : i32
      %dma_start3A_573 = tpu.memref_slice %arg23[%dma_start3A_572] : memref<10000xf32, #tpu.memory_space<vmem_shared>> -> memref<10000xf32, #tpu.memory_space<vmem_shared>>
      tpu.enqueue_indirect_dma source(%arg19 : memref<176xf32, #tpu.memory_space<vmem>>) target(%dma_start3A_573 : memref<10000xf32, #tpu.memory_space<vmem_shared>>) offsets(%arg13 : memref<176xi32, #tpu.memory_space<vmem>>) semaphore(%arg30 : memref<!tpu.dma_semaphore, #tpu.memory_space<semaphore_mem>>) {add = true}
      %dma_wait3A_574 = arith.constant 0 : i32
      %dma_wait3A_575 = tpu.memref_slice %arg3[%dma_wait3A_574] : memref<320000xi32, #tpu.memory_space<hbm>> -> memref<176xi32, #tpu.memory_space<hbm>>
      %dma_wait3A_576 = arith.constant 0 : i32
      %dma_wait3A_577 = tpu.memref_slice %arg3[%dma_wait3A_576] : memref<320000xi32, #tpu.memory_space<hbm>> -> memref<176xi32, #tpu.memory_space<hbm>>
      tpu.wait_dma2 semaphore(%arg28 : memref<!tpu.dma_semaphore, #tpu.memory_space<semaphore_mem>>) src(%dma_wait3A_577 : memref<176xi32, #tpu.memory_space<hbm>>) dst(%arg11 : memref<176xi32, #tpu.memory_space<vmem>>)
      %dma_wait3A_578 = arith.constant 0 : i32
      %dma_wait3A_579 = tpu.memref_slice %arg4[%dma_wait3A_578] : memref<320000xi32, #tpu.memory_space<hbm>> -> memref<176xi32, #tpu.memory_space<hbm>>
      %dma_wait3A_580 = arith.constant 0 : i32
      %dma_wait3A_581 = tpu.memref_slice %arg4[%dma_wait3A_580] : memref<320000xi32, #tpu.memory_space<hbm>> -> memref<176xi32, #tpu.memory_space<hbm>>
      tpu.wait_dma2 semaphore(%arg28 : memref<!tpu.dma_semaphore, #tpu.memory_space<semaphore_mem>>) src(%dma_wait3A_581 : memref<176xi32, #tpu.memory_space<hbm>>) dst(%arg15 : memref<176xi32, #tpu.memory_space<vmem>>)
      %dma_wait3A_582 = arith.constant 0 : i32
      %dma_wait3A_583 = arith.constant 0 : i32
      %dma_wait3A_584 = tpu.memref_slice %arg22[%dma_wait3A_582, %dma_wait3A_583] : memref<10000x128xf32, #tpu.memory_space<vmem_shared>> -> memref<10000x128xf32, #tpu.memory_space<vmem_shared>>
      tpu.wait_indirect_dma semaphore(%arg30 : memref<!tpu.dma_semaphore, #tpu.memory_space<semaphore_mem>>) src(%arg7 : memref<176x128xf32, #tpu.memory_space<vmem>>) dst(%dma_wait3A_584 : memref<10000x128xf32, #tpu.memory_space<vmem_shared>>)
      %dma_wait3A_585 = arith.constant 0 : i32
      %dma_wait3A_586 = tpu.memref_slice %arg23[%dma_wait3A_585] : memref<10000xf32, #tpu.memory_space<vmem_shared>> -> memref<10000xf32, #tpu.memory_space<vmem_shared>>
      tpu.wait_indirect_dma semaphore(%arg30 : memref<!tpu.dma_semaphore, #tpu.memory_space<semaphore_mem>>) src(%arg19 : memref<176xf32, #tpu.memory_space<vmem>>) dst(%dma_wait3A_586 : memref<10000xf32, #tpu.memory_space<vmem_shared>>)
      %dma_start3A_587 = arith.constant 0 : i32
      %dma_start3A_588 = arith.constant 0 : i32
      %dma_start3A_589 = tpu.memref_slice %arg2[%dma_start3A_587, %dma_start3A_588] : memref<10000x128xf32, #tpu.memory_space<hbm>> -> memref<10000x128xf32, #tpu.memory_space<hbm>>
      tpu.enqueue_indirect_dma source(%dma_start3A_589 : memref<10000x128xf32, #tpu.memory_space<hbm>>) target(%arg7 : memref<176x128xf32, #tpu.memory_space<vmem>>) offsets(%arg11 : memref<176xi32, #tpu.memory_space<vmem>>) semaphore(%arg24 : memref<!tpu.dma_semaphore, #tpu.memory_space<semaphore_mem>>)
      %add3A_590 = arith.constant 4 : i32
      %add3A_591 = arith.addi %add3A_565, %add3A_590 : i32
      %mul3A_592 = arith.constant 176 : i32
      %mul3A_593 = arith.muli %add3A_591, %mul3A_592 : i32
      %add3A_594 = arith.addi %mul3A_2, %mul3A_593 : i32
      %multiple_of3A_595 = tpu.assume_multiple %add3A_594, 8 : i32
      %dma_start3A_596 = tpu.memref_slice %arg3[%multiple_of3A_595] : memref<320000xi32, #tpu.memory_space<hbm>> -> memref<176xi32, #tpu.memory_space<hbm>>
      %dma_start3A_597 = tpu.memref_slice %arg3[%multiple_of3A_595] : memref<320000xi32, #tpu.memory_space<hbm>> -> memref<176xi32, #tpu.memory_space<hbm>>
      tpu.enqueue_dma source(%dma_start3A_597 : memref<176xi32, #tpu.memory_space<hbm>>) target(%arg9 : memref<176xi32, #tpu.memory_space<vmem>>) target_semaphore(%arg26 : memref<!tpu.dma_semaphore, #tpu.memory_space<semaphore_mem>>)
      %dma_start3A_598 = tpu.memref_slice %arg4[%multiple_of3A_595] : memref<320000xi32, #tpu.memory_space<hbm>> -> memref<176xi32, #tpu.memory_space<hbm>>
      %dma_start3A_599 = tpu.memref_slice %arg4[%multiple_of3A_595] : memref<320000xi32, #tpu.memory_space<hbm>> -> memref<176xi32, #tpu.memory_space<hbm>>
      tpu.enqueue_dma source(%dma_start3A_599 : memref<176xi32, #tpu.memory_space<hbm>>) target(%arg13 : memref<176xi32, #tpu.memory_space<vmem>>) target_semaphore(%arg26 : memref<!tpu.dma_semaphore, #tpu.memory_space<semaphore_mem>>)
      %add3A_600 = arith.constant 1 : i32
      %add3A_601 = arith.addi %mul3A_563, %add3A_600 : i32
      %dma_wait3A_602 = arith.constant 0 : i32
      %dma_wait3A_603 = arith.constant 0 : i32
      %dma_wait3A_604 = tpu.memref_slice %arg2[%dma_wait3A_602, %dma_wait3A_603] : memref<10000x128xf32, #tpu.memory_space<hbm>> -> memref<10000x128xf32, #tpu.memory_space<hbm>>
      tpu.wait_indirect_dma semaphore(%arg25 : memref<!tpu.dma_semaphore, #tpu.memory_space<semaphore_mem>>) src(%dma_wait3A_604 : memref<10000x128xf32, #tpu.memory_space<hbm>>) dst(%arg8 : memref<176x128xf32, #tpu.memory_space<vmem>>)
      %dma_start3A_605 = arith.constant 0 : i32
      %dma_start3A_606 = arith.constant 0 : i32
      %dma_start3A_607 = tpu.memref_slice %arg22[%dma_start3A_605, %dma_start3A_606] : memref<10000x128xf32, #tpu.memory_space<vmem_shared>> -> memref<10000x128xf32, #tpu.memory_space<vmem_shared>>
      tpu.enqueue_indirect_dma source(%arg8 : memref<176x128xf32, #tpu.memory_space<vmem>>) target(%dma_start3A_607 : memref<10000x128xf32, #tpu.memory_space<vmem_shared>>) offsets(%arg14 : memref<176xi32, #tpu.memory_space<vmem>>) semaphore(%arg31 : memref<!tpu.dma_semaphore, #tpu.memory_space<semaphore_mem>>) {add = true}
      %dma_start3A_608 = arith.constant 0 : i32
      %dma_start3A_609 = tpu.memref_slice %arg23[%dma_start3A_608] : memref<10000xf32, #tpu.memory_space<vmem_shared>> -> memref<10000xf32, #tpu.memory_space<vmem_shared>>
      tpu.enqueue_indirect_dma source(%arg19 : memref<176xf32, #tpu.memory_space<vmem>>) target(%dma_start3A_609 : memref<10000xf32, #tpu.memory_space<vmem_shared>>) offsets(%arg14 : memref<176xi32, #tpu.memory_space<vmem>>) semaphore(%arg31 : memref<!tpu.dma_semaphore, #tpu.memory_space<semaphore_mem>>) {add = true}
      %dma_wait3A_610 = arith.constant 0 : i32
      %dma_wait3A_611 = tpu.memref_slice %arg3[%dma_wait3A_610] : memref<320000xi32, #tpu.memory_space<hbm>> -> memref<176xi32, #tpu.memory_space<hbm>>
      %dma_wait3A_612 = arith.constant 0 : i32
      %dma_wait3A_613 = tpu.memref_slice %arg3[%dma_wait3A_612] : memref<320000xi32, #tpu.memory_space<hbm>> -> memref<176xi32, #tpu.memory_space<hbm>>
      tpu.wait_dma2 semaphore(%arg29 : memref<!tpu.dma_semaphore, #tpu.memory_space<semaphore_mem>>) src(%dma_wait3A_613 : memref<176xi32, #tpu.memory_space<hbm>>) dst(%arg12 : memref<176xi32, #tpu.memory_space<vmem>>)
      %dma_wait3A_614 = arith.constant 0 : i32
      %dma_wait3A_615 = tpu.memref_slice %arg4[%dma_wait3A_614] : memref<320000xi32, #tpu.memory_space<hbm>> -> memref<176xi32, #tpu.memory_space<hbm>>
      %dma_wait3A_616 = arith.constant 0 : i32
      %dma_wait3A_617 = tpu.memref_slice %arg4[%dma_wait3A_616] : memref<320000xi32, #tpu.memory_space<hbm>> -> memref<176xi32, #tpu.memory_space<hbm>>
      tpu.wait_dma2 semaphore(%arg29 : memref<!tpu.dma_semaphore, #tpu.memory_space<semaphore_mem>>) src(%dma_wait3A_617 : memref<176xi32, #tpu.memory_space<hbm>>) dst(%arg16 : memref<176xi32, #tpu.memory_space<vmem>>)
      %dma_wait3A_618 = arith.constant 0 : i32
      %dma_wait3A_619 = arith.constant 0 : i32
      %dma_wait3A_620 = tpu.memref_slice %arg22[%dma_wait3A_618, %dma_wait3A_619] : memref<10000x128xf32, #tpu.memory_space<vmem_shared>> -> memref<10000x128xf32, #tpu.memory_space<vmem_shared>>
      tpu.wait_indirect_dma semaphore(%arg31 : memref<!tpu.dma_semaphore, #tpu.memory_space<semaphore_mem>>) src(%arg8 : memref<176x128xf32, #tpu.memory_space<vmem>>) dst(%dma_wait3A_620 : memref<10000x128xf32, #tpu.memory_space<vmem_shared>>)
      %dma_wait3A_621 = arith.constant 0 : i32
      %dma_wait3A_622 = tpu.memref_slice %arg23[%dma_wait3A_621] : memref<10000xf32, #tpu.memory_space<vmem_shared>> -> memref<10000xf32, #tpu.memory_space<vmem_shared>>
      tpu.wait_indirect_dma semaphore(%arg31 : memref<!tpu.dma_semaphore, #tpu.memory_space<semaphore_mem>>) src(%arg19 : memref<176xf32, #tpu.memory_space<vmem>>) dst(%dma_wait3A_622 : memref<10000xf32, #tpu.memory_space<vmem_shared>>)
      %dma_start3A_623 = arith.constant 0 : i32
      %dma_start3A_624 = arith.constant 0 : i32
      %dma_start3A_625 = tpu.memref_slice %arg2[%dma_start3A_623, %dma_start3A_624] : memref<10000x128xf32, #tpu.memory_space<hbm>> -> memref<10000x128xf32, #tpu.memory_space<hbm>>
      tpu.enqueue_indirect_dma source(%dma_start3A_625 : memref<10000x128xf32, #tpu.memory_space<hbm>>) target(%arg8 : memref<176x128xf32, #tpu.memory_space<vmem>>) offsets(%arg12 : memref<176xi32, #tpu.memory_space<vmem>>) semaphore(%arg25 : memref<!tpu.dma_semaphore, #tpu.memory_space<semaphore_mem>>)
      %add3A_626 = arith.constant 4 : i32
      %add3A_627 = arith.addi %add3A_601, %add3A_626 : i32
      %mul3A_628 = arith.constant 176 : i32
      %mul3A_629 = arith.muli %add3A_627, %mul3A_628 : i32
      %add3A_630 = arith.addi %mul3A_2, %mul3A_629 : i32
      %multiple_of3A_631 = tpu.assume_multiple %add3A_630, 8 : i32
      %dma_start3A_632 = tpu.memref_slice %arg3[%multiple_of3A_631] : memref<320000xi32, #tpu.memory_space<hbm>> -> memref<176xi32, #tpu.memory_space<hbm>>
      %dma_start3A_633 = tpu.memref_slice %arg3[%multiple_of3A_631] : memref<320000xi32, #tpu.memory_space<hbm>> -> memref<176xi32, #tpu.memory_space<hbm>>
      tpu.enqueue_dma source(%dma_start3A_633 : memref<176xi32, #tpu.memory_space<hbm>>) target(%arg10 : memref<176xi32, #tpu.memory_space<vmem>>) target_semaphore(%arg27 : memref<!tpu.dma_semaphore, #tpu.memory_space<semaphore_mem>>)
      %dma_start3A_634 = tpu.memref_slice %arg4[%multiple_of3A_631] : memref<320000xi32, #tpu.memory_space<hbm>> -> memref<176xi32, #tpu.memory_space<hbm>>
      %dma_start3A_635 = tpu.memref_slice %arg4[%multiple_of3A_631] : memref<320000xi32, #tpu.memory_space<hbm>> -> memref<176xi32, #tpu.memory_space<hbm>>
      tpu.enqueue_dma source(%dma_start3A_635 : memref<176xi32, #tpu.memory_space<hbm>>) target(%arg14 : memref<176xi32, #tpu.memory_space<vmem>>) target_semaphore(%arg27 : memref<!tpu.dma_semaphore, #tpu.memory_space<semaphore_mem>>)
      %add3A_636 = arith.constant 2 : i32
      %add3A_637 = arith.addi %mul3A_563, %add3A_636 : i32
      %dma_wait3A_638 = arith.constant 0 : i32
      %dma_wait3A_639 = arith.constant 0 : i32
      %dma_wait3A_640 = tpu.memref_slice %arg2[%dma_wait3A_638, %dma_wait3A_639] : memref<10000x128xf32, #tpu.memory_space<hbm>> -> memref<10000x128xf32, #tpu.memory_space<hbm>>
      tpu.wait_indirect_dma semaphore(%arg24 : memref<!tpu.dma_semaphore, #tpu.memory_space<semaphore_mem>>) src(%dma_wait3A_640 : memref<10000x128xf32, #tpu.memory_space<hbm>>) dst(%arg7 : memref<176x128xf32, #tpu.memory_space<vmem>>)
      %dma_start3A_641 = arith.constant 0 : i32
      %dma_start3A_642 = arith.constant 0 : i32
      %dma_start3A_643 = tpu.memref_slice %arg22[%dma_start3A_641, %dma_start3A_642] : memref<10000x128xf32, #tpu.memory_space<vmem_shared>> -> memref<10000x128xf32, #tpu.memory_space<vmem_shared>>
      tpu.enqueue_indirect_dma source(%arg7 : memref<176x128xf32, #tpu.memory_space<vmem>>) target(%dma_start3A_643 : memref<10000x128xf32, #tpu.memory_space<vmem_shared>>) offsets(%arg15 : memref<176xi32, #tpu.memory_space<vmem>>) semaphore(%arg30 : memref<!tpu.dma_semaphore, #tpu.memory_space<semaphore_mem>>) {add = true}
      %dma_start3A_644 = arith.constant 0 : i32
      %dma_start3A_645 = tpu.memref_slice %arg23[%dma_start3A_644] : memref<10000xf32, #tpu.memory_space<vmem_shared>> -> memref<10000xf32, #tpu.memory_space<vmem_shared>>
      tpu.enqueue_indirect_dma source(%arg19 : memref<176xf32, #tpu.memory_space<vmem>>) target(%dma_start3A_645 : memref<10000xf32, #tpu.memory_space<vmem_shared>>) offsets(%arg15 : memref<176xi32, #tpu.memory_space<vmem>>) semaphore(%arg30 : memref<!tpu.dma_semaphore, #tpu.memory_space<semaphore_mem>>) {add = true}
      %dma_wait3A_646 = arith.constant 0 : i32
      %dma_wait3A_647 = tpu.memref_slice %arg3[%dma_wait3A_646] : memref<320000xi32, #tpu.memory_space<hbm>> -> memref<176xi32, #tpu.memory_space<hbm>>
      %dma_wait3A_648 = arith.constant 0 : i32
      %dma_wait3A_649 = tpu.memref_slice %arg3[%dma_wait3A_648] : memref<320000xi32, #tpu.memory_space<hbm>> -> memref<176xi32, #tpu.memory_space<hbm>>
      tpu.wait_dma2 semaphore(%arg26 : memref<!tpu.dma_semaphore, #tpu.memory_space<semaphore_mem>>) src(%dma_wait3A_649 : memref<176xi32, #tpu.memory_space<hbm>>) dst(%arg9 : memref<176xi32, #tpu.memory_space<vmem>>)
      %dma_wait3A_650 = arith.constant 0 : i32
      %dma_wait3A_651 = tpu.memref_slice %arg4[%dma_wait3A_650] : memref<320000xi32, #tpu.memory_space<hbm>> -> memref<176xi32, #tpu.memory_space<hbm>>
      %dma_wait3A_652 = arith.constant 0 : i32
      %dma_wait3A_653 = tpu.memref_slice %arg4[%dma_wait3A_652] : memref<320000xi32, #tpu.memory_space<hbm>> -> memref<176xi32, #tpu.memory_space<hbm>>
      tpu.wait_dma2 semaphore(%arg26 : memref<!tpu.dma_semaphore, #tpu.memory_space<semaphore_mem>>) src(%dma_wait3A_653 : memref<176xi32, #tpu.memory_space<hbm>>) dst(%arg13 : memref<176xi32, #tpu.memory_space<vmem>>)
      %dma_wait3A_654 = arith.constant 0 : i32
      %dma_wait3A_655 = arith.constant 0 : i32
      %dma_wait3A_656 = tpu.memref_slice %arg22[%dma_wait3A_654, %dma_wait3A_655] : memref<10000x128xf32, #tpu.memory_space<vmem_shared>> -> memref<10000x128xf32, #tpu.memory_space<vmem_shared>>
      tpu.wait_indirect_dma semaphore(%arg30 : memref<!tpu.dma_semaphore, #tpu.memory_space<semaphore_mem>>) src(%arg7 : memref<176x128xf32, #tpu.memory_space<vmem>>) dst(%dma_wait3A_656 : memref<10000x128xf32, #tpu.memory_space<vmem_shared>>)
      %dma_wait3A_657 = arith.constant 0 : i32
      %dma_wait3A_658 = tpu.memref_slice %arg23[%dma_wait3A_657] : memref<10000xf32, #tpu.memory_space<vmem_shared>> -> memref<10000xf32, #tpu.memory_space<vmem_shared>>
      tpu.wait_indirect_dma semaphore(%arg30 : memref<!tpu.dma_semaphore, #tpu.memory_space<semaphore_mem>>) src(%arg19 : memref<176xf32, #tpu.memory_space<vmem>>) dst(%dma_wait3A_658 : memref<10000xf32, #tpu.memory_space<vmem_shared>>)
      %dma_start3A_659 = arith.constant 0 : i32
      %dma_start3A_660 = arith.constant 0 : i32
      %dma_start3A_661 = tpu.memref_slice %arg2[%dma_start3A_659, %dma_start3A_660] : memref<10000x128xf32, #tpu.memory_space<hbm>> -> memref<10000x128xf32, #tpu.memory_space<hbm>>
      tpu.enqueue_indirect_dma source(%dma_start3A_661 : memref<10000x128xf32, #tpu.memory_space<hbm>>) target(%arg7 : memref<176x128xf32, #tpu.memory_space<vmem>>) offsets(%arg9 : memref<176xi32, #tpu.memory_space<vmem>>) semaphore(%arg24 : memref<!tpu.dma_semaphore, #tpu.memory_space<semaphore_mem>>)
      %add3A_662 = arith.constant 4 : i32
      %add3A_663 = arith.addi %add3A_637, %add3A_662 : i32
      %mul3A_664 = arith.constant 176 : i32
      %mul3A_665 = arith.muli %add3A_663, %mul3A_664 : i32
      %add3A_666 = arith.addi %mul3A_2, %mul3A_665 : i32
      %multiple_of3A_667 = tpu.assume_multiple %add3A_666, 8 : i32
      %dma_start3A_668 = tpu.memref_slice %arg3[%multiple_of3A_667] : memref<320000xi32, #tpu.memory_space<hbm>> -> memref<176xi32, #tpu.memory_space<hbm>>
      %dma_start3A_669 = tpu.memref_slice %arg3[%multiple_of3A_667] : memref<320000xi32, #tpu.memory_space<hbm>> -> memref<176xi32, #tpu.memory_space<hbm>>
      tpu.enqueue_dma source(%dma_start3A_669 : memref<176xi32, #tpu.memory_space<hbm>>) target(%arg11 : memref<176xi32, #tpu.memory_space<vmem>>) target_semaphore(%arg28 : memref<!tpu.dma_semaphore, #tpu.memory_space<semaphore_mem>>)
      %dma_start3A_670 = tpu.memref_slice %arg4[%multiple_of3A_667] : memref<320000xi32, #tpu.memory_space<hbm>> -> memref<176xi32, #tpu.memory_space<hbm>>
      %dma_start3A_671 = tpu.memref_slice %arg4[%multiple_of3A_667] : memref<320000xi32, #tpu.memory_space<hbm>> -> memref<176xi32, #tpu.memory_space<hbm>>
      tpu.enqueue_dma source(%dma_start3A_671 : memref<176xi32, #tpu.memory_space<hbm>>) target(%arg15 : memref<176xi32, #tpu.memory_space<vmem>>) target_semaphore(%arg28 : memref<!tpu.dma_semaphore, #tpu.memory_space<semaphore_mem>>)
      %add3A_672 = arith.constant 3 : i32
      %add3A_673 = arith.addi %mul3A_563, %add3A_672 : i32
      %dma_wait3A_674 = arith.constant 0 : i32
      %dma_wait3A_675 = arith.constant 0 : i32
      %dma_wait3A_676 = tpu.memref_slice %arg2[%dma_wait3A_674, %dma_wait3A_675] : memref<10000x128xf32, #tpu.memory_space<hbm>> -> memref<10000x128xf32, #tpu.memory_space<hbm>>
      tpu.wait_indirect_dma semaphore(%arg25 : memref<!tpu.dma_semaphore, #tpu.memory_space<semaphore_mem>>) src(%dma_wait3A_676 : memref<10000x128xf32, #tpu.memory_space<hbm>>) dst(%arg8 : memref<176x128xf32, #tpu.memory_space<vmem>>)
      %dma_start3A_677 = arith.constant 0 : i32
      %dma_start3A_678 = arith.constant 0 : i32
      %dma_start3A_679 = tpu.memref_slice %arg22[%dma_start3A_677, %dma_start3A_678] : memref<10000x128xf32, #tpu.memory_space<vmem_shared>> -> memref<10000x128xf32, #tpu.memory_space<vmem_shared>>
      tpu.enqueue_indirect_dma source(%arg8 : memref<176x128xf32, #tpu.memory_space<vmem>>) target(%dma_start3A_679 : memref<10000x128xf32, #tpu.memory_space<vmem_shared>>) offsets(%arg16 : memref<176xi32, #tpu.memory_space<vmem>>) semaphore(%arg31 : memref<!tpu.dma_semaphore, #tpu.memory_space<semaphore_mem>>) {add = true}
      %dma_start3A_680 = arith.constant 0 : i32
      %dma_start3A_681 = tpu.memref_slice %arg23[%dma_start3A_680] : memref<10000xf32, #tpu.memory_space<vmem_shared>> -> memref<10000xf32, #tpu.memory_space<vmem_shared>>
      tpu.enqueue_indirect_dma source(%arg19 : memref<176xf32, #tpu.memory_space<vmem>>) target(%dma_start3A_681 : memref<10000xf32, #tpu.memory_space<vmem_shared>>) offsets(%arg16 : memref<176xi32, #tpu.memory_space<vmem>>) semaphore(%arg31 : memref<!tpu.dma_semaphore, #tpu.memory_space<semaphore_mem>>) {add = true}
      %dma_wait3A_682 = arith.constant 0 : i32
      %dma_wait3A_683 = tpu.memref_slice %arg3[%dma_wait3A_682] : memref<320000xi32, #tpu.memory_space<hbm>> -> memref<176xi32, #tpu.memory_space<hbm>>
      %dma_wait3A_684 = arith.constant 0 : i32
      %dma_wait3A_685 = tpu.memref_slice %arg3[%dma_wait3A_684] : memref<320000xi32, #tpu.memory_space<hbm>> -> memref<176xi32, #tpu.memory_space<hbm>>
      tpu.wait_dma2 semaphore(%arg27 : memref<!tpu.dma_semaphore, #tpu.memory_space<semaphore_mem>>) src(%dma_wait3A_685 : memref<176xi32, #tpu.memory_space<hbm>>) dst(%arg10 : memref<176xi32, #tpu.memory_space<vmem>>)
      %dma_wait3A_686 = arith.constant 0 : i32
      %dma_wait3A_687 = tpu.memref_slice %arg4[%dma_wait3A_686] : memref<320000xi32, #tpu.memory_space<hbm>> -> memref<176xi32, #tpu.memory_space<hbm>>
      %dma_wait3A_688 = arith.constant 0 : i32
      %dma_wait3A_689 = tpu.memref_slice %arg4[%dma_wait3A_688] : memref<320000xi32, #tpu.memory_space<hbm>> -> memref<176xi32, #tpu.memory_space<hbm>>
      tpu.wait_dma2 semaphore(%arg27 : memref<!tpu.dma_semaphore, #tpu.memory_space<semaphore_mem>>) src(%dma_wait3A_689 : memref<176xi32, #tpu.memory_space<hbm>>) dst(%arg14 : memref<176xi32, #tpu.memory_space<vmem>>)
      %dma_wait3A_690 = arith.constant 0 : i32
      %dma_wait3A_691 = arith.constant 0 : i32
      %dma_wait3A_692 = tpu.memref_slice %arg22[%dma_wait3A_690, %dma_wait3A_691] : memref<10000x128xf32, #tpu.memory_space<vmem_shared>> -> memref<10000x128xf32, #tpu.memory_space<vmem_shared>>
      tpu.wait_indirect_dma semaphore(%arg31 : memref<!tpu.dma_semaphore, #tpu.memory_space<semaphore_mem>>) src(%arg8 : memref<176x128xf32, #tpu.memory_space<vmem>>) dst(%dma_wait3A_692 : memref<10000x128xf32, #tpu.memory_space<vmem_shared>>)
      %dma_wait3A_693 = arith.constant 0 : i32
      %dma_wait3A_694 = tpu.memref_slice %arg23[%dma_wait3A_693] : memref<10000xf32, #tpu.memory_space<vmem_shared>> -> memref<10000xf32, #tpu.memory_space<vmem_shared>>
      tpu.wait_indirect_dma semaphore(%arg31 : memref<!tpu.dma_semaphore, #tpu.memory_space<semaphore_mem>>) src(%arg19 : memref<176xf32, #tpu.memory_space<vmem>>) dst(%dma_wait3A_694 : memref<10000xf32, #tpu.memory_space<vmem_shared>>)
      %dma_start3A_695 = arith.constant 0 : i32
      %dma_start3A_696 = arith.constant 0 : i32
      %dma_start3A_697 = tpu.memref_slice %arg2[%dma_start3A_695, %dma_start3A_696] : memref<10000x128xf32, #tpu.memory_space<hbm>> -> memref<10000x128xf32, #tpu.memory_space<hbm>>
      tpu.enqueue_indirect_dma source(%dma_start3A_697 : memref<10000x128xf32, #tpu.memory_space<hbm>>) target(%arg8 : memref<176x128xf32, #tpu.memory_space<vmem>>) offsets(%arg10 : memref<176xi32, #tpu.memory_space<vmem>>) semaphore(%arg25 : memref<!tpu.dma_semaphore, #tpu.memory_space<semaphore_mem>>)
      %add3A_698 = arith.constant 4 : i32
      %add3A_699 = arith.addi %add3A_673, %add3A_698 : i32
      %mul3A_700 = arith.constant 176 : i32
      %mul3A_701 = arith.muli %add3A_699, %mul3A_700 : i32
      %add3A_702 = arith.addi %mul3A_2, %mul3A_701 : i32
      %multiple_of3A_703 = tpu.assume_multiple %add3A_702, 8 : i32
      %dma_start3A_704 = tpu.memref_slice %arg3[%multiple_of3A_703] : memref<320000xi32, #tpu.memory_space<hbm>> -> memref<176xi32, #tpu.memory_space<hbm>>
      %dma_start3A_705 = tpu.memref_slice %arg3[%multiple_of3A_703] : memref<320000xi32, #tpu.memory_space<hbm>> -> memref<176xi32, #tpu.memory_space<hbm>>
      tpu.enqueue_dma source(%dma_start3A_705 : memref<176xi32, #tpu.memory_space<hbm>>) target(%arg12 : memref<176xi32, #tpu.memory_space<vmem>>) target_semaphore(%arg29 : memref<!tpu.dma_semaphore, #tpu.memory_space<semaphore_mem>>)
      %dma_start3A_706 = tpu.memref_slice %arg4[%multiple_of3A_703] : memref<320000xi32, #tpu.memory_space<hbm>> -> memref<176xi32, #tpu.memory_space<hbm>>
      %dma_start3A_707 = tpu.memref_slice %arg4[%multiple_of3A_703] : memref<320000xi32, #tpu.memory_space<hbm>> -> memref<176xi32, #tpu.memory_space<hbm>>
      tpu.enqueue_dma source(%dma_start3A_707 : memref<176xi32, #tpu.memory_space<hbm>>) target(%arg16 : memref<176xi32, #tpu.memory_space<vmem>>) target_semaphore(%arg29 : memref<!tpu.dma_semaphore, #tpu.memory_space<semaphore_mem>>)
    }
    %scan3A_268 = arith.constant 13 : i32
    %dma_wait3A_269 = arith.constant 0 : i32
    %dma_wait3A_270 = arith.constant 0 : i32
    %dma_wait3A_271 = tpu.memref_slice %arg2[%dma_wait3A_269, %dma_wait3A_270] : memref<10000x128xf32, #tpu.memory_space<hbm>> -> memref<10000x128xf32, #tpu.memory_space<hbm>>
    tpu.wait_indirect_dma semaphore(%arg24 : memref<!tpu.dma_semaphore, #tpu.memory_space<semaphore_mem>>) src(%dma_wait3A_271 : memref<10000x128xf32, #tpu.memory_space<hbm>>) dst(%arg7 : memref<176x128xf32, #tpu.memory_space<vmem>>)
    %dma_start3A_272 = arith.constant 0 : i32
    %dma_start3A_273 = arith.constant 0 : i32
    %dma_start3A_274 = tpu.memref_slice %arg22[%dma_start3A_272, %dma_start3A_273] : memref<10000x128xf32, #tpu.memory_space<vmem_shared>> -> memref<10000x128xf32, #tpu.memory_space<vmem_shared>>
    tpu.enqueue_indirect_dma source(%arg7 : memref<176x128xf32, #tpu.memory_space<vmem>>) target(%dma_start3A_274 : memref<10000x128xf32, #tpu.memory_space<vmem_shared>>) offsets(%arg13 : memref<176xi32, #tpu.memory_space<vmem>>) semaphore(%arg30 : memref<!tpu.dma_semaphore, #tpu.memory_space<semaphore_mem>>) {add = true}
    %dma_start3A_275 = arith.constant 0 : i32
    %dma_start3A_276 = tpu.memref_slice %arg23[%dma_start3A_275] : memref<10000xf32, #tpu.memory_space<vmem_shared>> -> memref<10000xf32, #tpu.memory_space<vmem_shared>>
    tpu.enqueue_indirect_dma source(%arg19 : memref<176xf32, #tpu.memory_space<vmem>>) target(%dma_start3A_276 : memref<10000xf32, #tpu.memory_space<vmem_shared>>) offsets(%arg13 : memref<176xi32, #tpu.memory_space<vmem>>) semaphore(%arg30 : memref<!tpu.dma_semaphore, #tpu.memory_space<semaphore_mem>>) {add = true}
    %dma_wait3A_277 = arith.constant 0 : i32
    %dma_wait3A_278 = tpu.memref_slice %arg3[%dma_wait3A_277] : memref<320000xi32, #tpu.memory_space<hbm>> -> memref<176xi32, #tpu.memory_space<hbm>>
    %dma_wait3A_279 = arith.constant 0 : i32
    %dma_wait3A_280 = tpu.memref_slice %arg3[%dma_wait3A_279] : memref<320000xi32, #tpu.memory_space<hbm>> -> memref<176xi32, #tpu.memory_space<hbm>>
    tpu.wait_dma2 semaphore(%arg28 : memref<!tpu.dma_semaphore, #tpu.memory_space<semaphore_mem>>) src(%dma_wait3A_280 : memref<176xi32, #tpu.memory_space<hbm>>) dst(%arg11 : memref<176xi32, #tpu.memory_space<vmem>>)
    %dma_wait3A_281 = arith.constant 0 : i32
    %dma_wait3A_282 = tpu.memref_slice %arg4[%dma_wait3A_281] : memref<320000xi32, #tpu.memory_space<hbm>> -> memref<176xi32, #tpu.memory_space<hbm>>
    %dma_wait3A_283 = arith.constant 0 : i32
    %dma_wait3A_284 = tpu.memref_slice %arg4[%dma_wait3A_283] : memref<320000xi32, #tpu.memory_space<hbm>> -> memref<176xi32, #tpu.memory_space<hbm>>
    tpu.wait_dma2 semaphore(%arg28 : memref<!tpu.dma_semaphore, #tpu.memory_space<semaphore_mem>>) src(%dma_wait3A_284 : memref<176xi32, #tpu.memory_space<hbm>>) dst(%arg15 : memref<176xi32, #tpu.memory_space<vmem>>)
    %dma_wait3A_285 = arith.constant 0 : i32
    %dma_wait3A_286 = arith.constant 0 : i32
    %dma_wait3A_287 = tpu.memref_slice %arg22[%dma_wait3A_285, %dma_wait3A_286] : memref<10000x128xf32, #tpu.memory_space<vmem_shared>> -> memref<10000x128xf32, #tpu.memory_space<vmem_shared>>
    tpu.wait_indirect_dma semaphore(%arg30 : memref<!tpu.dma_semaphore, #tpu.memory_space<semaphore_mem>>) src(%arg7 : memref<176x128xf32, #tpu.memory_space<vmem>>) dst(%dma_wait3A_287 : memref<10000x128xf32, #tpu.memory_space<vmem_shared>>)
    %dma_wait3A_288 = arith.constant 0 : i32
    %dma_wait3A_289 = tpu.memref_slice %arg23[%dma_wait3A_288] : memref<10000xf32, #tpu.memory_space<vmem_shared>> -> memref<10000xf32, #tpu.memory_space<vmem_shared>>
    tpu.wait_indirect_dma semaphore(%arg30 : memref<!tpu.dma_semaphore, #tpu.memory_space<semaphore_mem>>) src(%arg19 : memref<176xf32, #tpu.memory_space<vmem>>) dst(%dma_wait3A_289 : memref<10000xf32, #tpu.memory_space<vmem_shared>>)
    %dma_start3A_290 = arith.constant 0 : i32
    %dma_start3A_291 = arith.constant 0 : i32
    %dma_start3A_292 = tpu.memref_slice %arg2[%dma_start3A_290, %dma_start3A_291] : memref<10000x128xf32, #tpu.memory_space<hbm>> -> memref<10000x128xf32, #tpu.memory_space<hbm>>
    tpu.enqueue_indirect_dma source(%dma_start3A_292 : memref<10000x128xf32, #tpu.memory_space<hbm>>) target(%arg7 : memref<176x128xf32, #tpu.memory_space<vmem>>) offsets(%arg11 : memref<176xi32, #tpu.memory_space<vmem>>) semaphore(%arg24 : memref<!tpu.dma_semaphore, #tpu.memory_space<semaphore_mem>>)
    %dma_wait3A_293 = arith.constant 0 : i32
    %dma_wait3A_294 = arith.constant 0 : i32
    %dma_wait3A_295 = tpu.memref_slice %arg2[%dma_wait3A_293, %dma_wait3A_294] : memref<10000x128xf32, #tpu.memory_space<hbm>> -> memref<10000x128xf32, #tpu.memory_space<hbm>>
    tpu.wait_indirect_dma semaphore(%arg25 : memref<!tpu.dma_semaphore, #tpu.memory_space<semaphore_mem>>) src(%dma_wait3A_295 : memref<10000x128xf32, #tpu.memory_space<hbm>>) dst(%arg8 : memref<176x128xf32, #tpu.memory_space<vmem>>)
    %dma_start3A_296 = arith.constant 0 : i32
    %dma_start3A_297 = arith.constant 0 : i32
    %dma_start3A_298 = tpu.memref_slice %arg22[%dma_start3A_296, %dma_start3A_297] : memref<10000x128xf32, #tpu.memory_space<vmem_shared>> -> memref<10000x128xf32, #tpu.memory_space<vmem_shared>>
    tpu.enqueue_indirect_dma source(%arg8 : memref<176x128xf32, #tpu.memory_space<vmem>>) target(%dma_start3A_298 : memref<10000x128xf32, #tpu.memory_space<vmem_shared>>) offsets(%arg14 : memref<176xi32, #tpu.memory_space<vmem>>) semaphore(%arg31 : memref<!tpu.dma_semaphore, #tpu.memory_space<semaphore_mem>>) {add = true}
    %dma_start3A_299 = arith.constant 0 : i32
    %dma_start3A_300 = tpu.memref_slice %arg23[%dma_start3A_299] : memref<10000xf32, #tpu.memory_space<vmem_shared>> -> memref<10000xf32, #tpu.memory_space<vmem_shared>>
    tpu.enqueue_indirect_dma source(%arg19 : memref<176xf32, #tpu.memory_space<vmem>>) target(%dma_start3A_300 : memref<10000xf32, #tpu.memory_space<vmem_shared>>) offsets(%arg14 : memref<176xi32, #tpu.memory_space<vmem>>) semaphore(%arg31 : memref<!tpu.dma_semaphore, #tpu.memory_space<semaphore_mem>>) {add = true}
    %dma_wait3A_301 = arith.constant 0 : i32
    %dma_wait3A_302 = tpu.memref_slice %arg3[%dma_wait3A_301] : memref<320000xi32, #tpu.memory_space<hbm>> -> memref<176xi32, #tpu.memory_space<hbm>>
    %dma_wait3A_303 = arith.constant 0 : i32
    %dma_wait3A_304 = tpu.memref_slice %arg3[%dma_wait3A_303] : memref<320000xi32, #tpu.memory_space<hbm>> -> memref<176xi32, #tpu.memory_space<hbm>>
    tpu.wait_dma2 semaphore(%arg29 : memref<!tpu.dma_semaphore, #tpu.memory_space<semaphore_mem>>) src(%dma_wait3A_304 : memref<176xi32, #tpu.memory_space<hbm>>) dst(%arg12 : memref<176xi32, #tpu.memory_space<vmem>>)
    %dma_wait3A_305 = arith.constant 0 : i32
    %dma_wait3A_306 = tpu.memref_slice %arg4[%dma_wait3A_305] : memref<320000xi32, #tpu.memory_space<hbm>> -> memref<176xi32, #tpu.memory_space<hbm>>
    %dma_wait3A_307 = arith.constant 0 : i32
    %dma_wait3A_308 = tpu.memref_slice %arg4[%dma_wait3A_307] : memref<320000xi32, #tpu.memory_space<hbm>> -> memref<176xi32, #tpu.memory_space<hbm>>
    tpu.wait_dma2 semaphore(%arg29 : memref<!tpu.dma_semaphore, #tpu.memory_space<semaphore_mem>>) src(%dma_wait3A_308 : memref<176xi32, #tpu.memory_space<hbm>>) dst(%arg16 : memref<176xi32, #tpu.memory_space<vmem>>)
    %dma_wait3A_309 = arith.constant 0 : i32
    %dma_wait3A_310 = arith.constant 0 : i32
    %dma_wait3A_311 = tpu.memref_slice %arg22[%dma_wait3A_309, %dma_wait3A_310] : memref<10000x128xf32, #tpu.memory_space<vmem_shared>> -> memref<10000x128xf32, #tpu.memory_space<vmem_shared>>
    tpu.wait_indirect_dma semaphore(%arg31 : memref<!tpu.dma_semaphore, #tpu.memory_space<semaphore_mem>>) src(%arg8 : memref<176x128xf32, #tpu.memory_space<vmem>>) dst(%dma_wait3A_311 : memref<10000x128xf32, #tpu.memory_space<vmem_shared>>)
    %dma_wait3A_312 = arith.constant 0 : i32
    %dma_wait3A_313 = tpu.memref_slice %arg23[%dma_wait3A_312] : memref<10000xf32, #tpu.memory_space<vmem_shared>> -> memref<10000xf32, #tpu.memory_space<vmem_shared>>
    tpu.wait_indirect_dma semaphore(%arg31 : memref<!tpu.dma_semaphore, #tpu.memory_space<semaphore_mem>>) src(%arg19 : memref<176xf32, #tpu.memory_space<vmem>>) dst(%dma_wait3A_313 : memref<10000xf32, #tpu.memory_space<vmem_shared>>)
    %dma_start3A_314 = arith.constant 0 : i32
    %dma_start3A_315 = arith.constant 0 : i32
    %dma_start3A_316 = tpu.memref_slice %arg2[%dma_start3A_314, %dma_start3A_315] : memref<10000x128xf32, #tpu.memory_space<hbm>> -> memref<10000x128xf32, #tpu.memory_space<hbm>>
    tpu.enqueue_indirect_dma source(%dma_start3A_316 : memref<10000x128xf32, #tpu.memory_space<hbm>>) target(%arg8 : memref<176x128xf32, #tpu.memory_space<vmem>>) offsets(%arg12 : memref<176xi32, #tpu.memory_space<vmem>>) semaphore(%arg25 : memref<!tpu.dma_semaphore, #tpu.memory_space<semaphore_mem>>)
    %dma_wait3A_317 = arith.constant 0 : i32
    %dma_wait3A_318 = arith.constant 0 : i32
    %dma_wait3A_319 = tpu.memref_slice %arg2[%dma_wait3A_317, %dma_wait3A_318] : memref<10000x128xf32, #tpu.memory_space<hbm>> -> memref<10000x128xf32, #tpu.memory_space<hbm>>
    tpu.wait_indirect_dma semaphore(%arg24 : memref<!tpu.dma_semaphore, #tpu.memory_space<semaphore_mem>>) src(%dma_wait3A_319 : memref<10000x128xf32, #tpu.memory_space<hbm>>) dst(%arg7 : memref<176x128xf32, #tpu.memory_space<vmem>>)
    %dma_start3A_320 = arith.constant 0 : i32
    %dma_start3A_321 = arith.constant 0 : i32
    %dma_start3A_322 = tpu.memref_slice %arg22[%dma_start3A_320, %dma_start3A_321] : memref<10000x128xf32, #tpu.memory_space<vmem_shared>> -> memref<10000x128xf32, #tpu.memory_space<vmem_shared>>
    tpu.enqueue_indirect_dma source(%arg7 : memref<176x128xf32, #tpu.memory_space<vmem>>) target(%dma_start3A_322 : memref<10000x128xf32, #tpu.memory_space<vmem_shared>>) offsets(%arg15 : memref<176xi32, #tpu.memory_space<vmem>>) semaphore(%arg30 : memref<!tpu.dma_semaphore, #tpu.memory_space<semaphore_mem>>) {add = true}
    %dma_start3A_323 = arith.constant 0 : i32
    %dma_start3A_324 = tpu.memref_slice %arg23[%dma_start3A_323] : memref<10000xf32, #tpu.memory_space<vmem_shared>> -> memref<10000xf32, #tpu.memory_space<vmem_shared>>
    tpu.enqueue_indirect_dma source(%arg19 : memref<176xf32, #tpu.memory_space<vmem>>) target(%dma_start3A_324 : memref<10000xf32, #tpu.memory_space<vmem_shared>>) offsets(%arg15 : memref<176xi32, #tpu.memory_space<vmem>>) semaphore(%arg30 : memref<!tpu.dma_semaphore, #tpu.memory_space<semaphore_mem>>) {add = true}
    %dma_wait3A_325 = arith.constant 0 : i32
    %dma_wait3A_326 = arith.constant 0 : i32
    %dma_wait3A_327 = tpu.memref_slice %arg22[%dma_wait3A_325, %dma_wait3A_326] : memref<10000x128xf32, #tpu.memory_space<vmem_shared>> -> memref<10000x128xf32, #tpu.memory_space<vmem_shared>>
    tpu.wait_indirect_dma semaphore(%arg30 : memref<!tpu.dma_semaphore, #tpu.memory_space<semaphore_mem>>) src(%arg7 : memref<176x128xf32, #tpu.memory_space<vmem>>) dst(%dma_wait3A_327 : memref<10000x128xf32, #tpu.memory_space<vmem_shared>>)
    %dma_wait3A_328 = arith.constant 0 : i32
    %dma_wait3A_329 = tpu.memref_slice %arg23[%dma_wait3A_328] : memref<10000xf32, #tpu.memory_space<vmem_shared>> -> memref<10000xf32, #tpu.memory_space<vmem_shared>>
    tpu.wait_indirect_dma semaphore(%arg30 : memref<!tpu.dma_semaphore, #tpu.memory_space<semaphore_mem>>) src(%arg19 : memref<176xf32, #tpu.memory_space<vmem>>) dst(%dma_wait3A_329 : memref<10000xf32, #tpu.memory_space<vmem_shared>>)
    %dma_wait3A_330 = arith.constant 0 : i32
    %dma_wait3A_331 = arith.constant 0 : i32
    %dma_wait3A_332 = tpu.memref_slice %arg2[%dma_wait3A_330, %dma_wait3A_331] : memref<10000x128xf32, #tpu.memory_space<hbm>> -> memref<10000x128xf32, #tpu.memory_space<hbm>>
    tpu.wait_indirect_dma semaphore(%arg25 : memref<!tpu.dma_semaphore, #tpu.memory_space<semaphore_mem>>) src(%dma_wait3A_332 : memref<10000x128xf32, #tpu.memory_space<hbm>>) dst(%arg8 : memref<176x128xf32, #tpu.memory_space<vmem>>)
    %dma_start3A_333 = arith.constant 0 : i32
    %dma_start3A_334 = arith.constant 0 : i32
    %dma_start3A_335 = tpu.memref_slice %arg22[%dma_start3A_333, %dma_start3A_334] : memref<10000x128xf32, #tpu.memory_space<vmem_shared>> -> memref<10000x128xf32, #tpu.memory_space<vmem_shared>>
    tpu.enqueue_indirect_dma source(%arg8 : memref<176x128xf32, #tpu.memory_space<vmem>>) target(%dma_start3A_335 : memref<10000x128xf32, #tpu.memory_space<vmem_shared>>) offsets(%arg16 : memref<176xi32, #tpu.memory_space<vmem>>) semaphore(%arg31 : memref<!tpu.dma_semaphore, #tpu.memory_space<semaphore_mem>>) {add = true}
    %dma_start3A_336 = arith.constant 0 : i32
    %dma_start3A_337 = tpu.memref_slice %arg23[%dma_start3A_336] : memref<10000xf32, #tpu.memory_space<vmem_shared>> -> memref<10000xf32, #tpu.memory_space<vmem_shared>>
    tpu.enqueue_indirect_dma source(%arg19 : memref<176xf32, #tpu.memory_space<vmem>>) target(%dma_start3A_337 : memref<10000xf32, #tpu.memory_space<vmem_shared>>) offsets(%arg16 : memref<176xi32, #tpu.memory_space<vmem>>) semaphore(%arg31 : memref<!tpu.dma_semaphore, #tpu.memory_space<semaphore_mem>>) {add = true}
    %dma_wait3A_338 = arith.constant 0 : i32
    %dma_wait3A_339 = arith.constant 0 : i32
    %dma_wait3A_340 = tpu.memref_slice %arg22[%dma_wait3A_338, %dma_wait3A_339] : memref<10000x128xf32, #tpu.memory_space<vmem_shared>> -> memref<10000x128xf32, #tpu.memory_space<vmem_shared>>
    tpu.wait_indirect_dma semaphore(%arg31 : memref<!tpu.dma_semaphore, #tpu.memory_space<semaphore_mem>>) src(%arg8 : memref<176x128xf32, #tpu.memory_space<vmem>>) dst(%dma_wait3A_340 : memref<10000x128xf32, #tpu.memory_space<vmem_shared>>)
    %dma_wait3A_341 = arith.constant 0 : i32
    %dma_wait3A_342 = tpu.memref_slice %arg23[%dma_wait3A_341] : memref<10000xf32, #tpu.memory_space<vmem_shared>> -> memref<10000xf32, #tpu.memory_space<vmem_shared>>
    tpu.wait_indirect_dma semaphore(%arg31 : memref<!tpu.dma_semaphore, #tpu.memory_space<semaphore_mem>>) src(%arg19 : memref<176xf32, #tpu.memory_space<vmem>>) dst(%dma_wait3A_342 : memref<10000xf32, #tpu.memory_space<vmem_shared>>)
    %add3A_343 = arith.constant 9856 : i32
    %add3A_344 = arith.addi %mul3A_2, %add3A_343 : i32
    %multiple_of3A_345 = tpu.assume_multiple %add3A_344, 8 : i32
    "tpu.region"() ({
      %run_scoped3A = tpu.sem_alloc : memref<!tpu.dma_semaphore, #tpu.memory_space<semaphore_mem>>
      %dma_start3A_561 = tpu.memref_slice %arg3[%multiple_of3A_345] : memref<320000xi32, #tpu.memory_space<hbm>> -> memref<144xi32, #tpu.memory_space<hbm>>
      %dma_start3A_562 = tpu.memref_slice %arg3[%multiple_of3A_345] : memref<320000xi32, #tpu.memory_space<hbm>> -> memref<144xi32, #tpu.memory_space<hbm>>
      tpu.enqueue_dma source(%dma_start3A_562 : memref<144xi32, #tpu.memory_space<hbm>>) target(%arg17 : memref<144xi32, #tpu.memory_space<vmem>>) target_semaphore(%run_scoped3A : memref<!tpu.dma_semaphore, #tpu.memory_space<semaphore_mem>>)
      %dma_wait3A_563 = tpu.memref_slice %arg3[%multiple_of3A_345] : memref<320000xi32, #tpu.memory_space<hbm>> -> memref<144xi32, #tpu.memory_space<hbm>>
      %dma_wait3A_564 = tpu.memref_slice %arg3[%multiple_of3A_345] : memref<320000xi32, #tpu.memory_space<hbm>> -> memref<144xi32, #tpu.memory_space<hbm>>
      tpu.wait_dma2 semaphore(%run_scoped3A : memref<!tpu.dma_semaphore, #tpu.memory_space<semaphore_mem>>) src(%dma_wait3A_564 : memref<144xi32, #tpu.memory_space<hbm>>) dst(%arg17 : memref<144xi32, #tpu.memory_space<vmem>>)
      tpu.yield
    }) : () -> ()
    "tpu.region"() ({
      %run_scoped3A = tpu.sem_alloc : memref<!tpu.dma_semaphore, #tpu.memory_space<semaphore_mem>>
      %dma_start3A_561 = tpu.memref_slice %arg4[%multiple_of3A_345] : memref<320000xi32, #tpu.memory_space<hbm>> -> memref<144xi32, #tpu.memory_space<hbm>>
      %dma_start3A_562 = tpu.memref_slice %arg4[%multiple_of3A_345] : memref<320000xi32, #tpu.memory_space<hbm>> -> memref<144xi32, #tpu.memory_space<hbm>>
      tpu.enqueue_dma source(%dma_start3A_562 : memref<144xi32, #tpu.memory_space<hbm>>) target(%arg18 : memref<144xi32, #tpu.memory_space<vmem>>) target_semaphore(%run_scoped3A : memref<!tpu.dma_semaphore, #tpu.memory_space<semaphore_mem>>)
      %dma_wait3A_563 = tpu.memref_slice %arg4[%multiple_of3A_345] : memref<320000xi32, #tpu.memory_space<hbm>> -> memref<144xi32, #tpu.memory_space<hbm>>
      %dma_wait3A_564 = tpu.memref_slice %arg4[%multiple_of3A_345] : memref<320000xi32, #tpu.memory_space<hbm>> -> memref<144xi32, #tpu.memory_space<hbm>>
      tpu.wait_dma2 semaphore(%run_scoped3A : memref<!tpu.dma_semaphore, #tpu.memory_space<semaphore_mem>>) src(%dma_wait3A_564 : memref<144xi32, #tpu.memory_space<hbm>>) dst(%arg18 : memref<144xi32, #tpu.memory_space<vmem>>)
      tpu.yield
    }) : () -> ()
    %dma_start3A_346 = arith.constant 0 : i32
    %dma_start3A_347 = arith.constant 0 : i32
    %dma_start3A_348 = tpu.memref_slice %arg7[%dma_start3A_346, %dma_start3A_347] : memref<176x128xf32, #tpu.memory_space<vmem>> -> memref<144x128xf32, #tpu.memory_space<vmem>>
    %dma_start3A_349 = arith.constant 0 : i32
    %dma_start3A_350 = arith.constant 0 : i32
    %dma_start3A_351 = tpu.memref_slice %arg2[%dma_start3A_349, %dma_start3A_350] : memref<10000x128xf32, #tpu.memory_space<hbm>> -> memref<10000x128xf32, #tpu.memory_space<hbm>>
    tpu.enqueue_indirect_dma source(%dma_start3A_351 : memref<10000x128xf32, #tpu.memory_space<hbm>>) target(%dma_start3A_348 : memref<144x128xf32, #tpu.memory_space<vmem>>) offsets(%arg17 : memref<144xi32, #tpu.memory_space<vmem>>) semaphore(%arg24 : memref<!tpu.dma_semaphore, #tpu.memory_space<semaphore_mem>>)
    %dma_wait3A_352 = arith.constant 0 : i32
    %dma_wait3A_353 = arith.constant 0 : i32
    %dma_wait3A_354 = tpu.memref_slice %arg7[%dma_wait3A_352, %dma_wait3A_353] : memref<176x128xf32, #tpu.memory_space<vmem>> -> memref<144x128xf32, #tpu.memory_space<vmem>>
    %dma_wait3A_355 = arith.constant 0 : i32
    %dma_wait3A_356 = arith.constant 0 : i32
    %dma_wait3A_357 = tpu.memref_slice %arg2[%dma_wait3A_355, %dma_wait3A_356] : memref<10000x128xf32, #tpu.memory_space<hbm>> -> memref<10000x128xf32, #tpu.memory_space<hbm>>
    tpu.wait_indirect_dma semaphore(%arg24 : memref<!tpu.dma_semaphore, #tpu.memory_space<semaphore_mem>>) src(%dma_wait3A_357 : memref<10000x128xf32, #tpu.memory_space<hbm>>) dst(%dma_wait3A_354 : memref<144x128xf32, #tpu.memory_space<vmem>>)
    "tpu.region"() ({
      %run_scoped3A = tpu.sem_alloc : memref<!tpu.dma_semaphore, #tpu.memory_space<semaphore_mem>>
      %dma_start3A_561 = arith.constant 0 : i32
      %dma_start3A_562 = arith.constant 0 : i32
      %dma_start3A_563 = tpu.memref_slice %arg7[%dma_start3A_561, %dma_start3A_562] : memref<176x128xf32, #tpu.memory_space<vmem>> -> memref<144x128xf32, #tpu.memory_space<vmem>>
      %dma_start3A_564 = arith.constant 0 : i32
      %dma_start3A_565 = arith.constant 0 : i32
      %dma_start3A_566 = tpu.memref_slice %arg22[%dma_start3A_564, %dma_start3A_565] : memref<10000x128xf32, #tpu.memory_space<vmem_shared>> -> memref<10000x128xf32, #tpu.memory_space<vmem_shared>>
      tpu.enqueue_indirect_dma source(%dma_start3A_563 : memref<144x128xf32, #tpu.memory_space<vmem>>) target(%dma_start3A_566 : memref<10000x128xf32, #tpu.memory_space<vmem_shared>>) offsets(%arg18 : memref<144xi32, #tpu.memory_space<vmem>>) semaphore(%run_scoped3A : memref<!tpu.dma_semaphore, #tpu.memory_space<semaphore_mem>>) {add = true}
      %dma_wait3A_567 = arith.constant 0 : i32
      %dma_wait3A_568 = arith.constant 0 : i32
      %dma_wait3A_569 = tpu.memref_slice %arg7[%dma_wait3A_567, %dma_wait3A_568] : memref<176x128xf32, #tpu.memory_space<vmem>> -> memref<144x128xf32, #tpu.memory_space<vmem>>
      %dma_wait3A_570 = arith.constant 0 : i32
      %dma_wait3A_571 = arith.constant 0 : i32
      %dma_wait3A_572 = tpu.memref_slice %arg22[%dma_wait3A_570, %dma_wait3A_571] : memref<10000x128xf32, #tpu.memory_space<vmem_shared>> -> memref<10000x128xf32, #tpu.memory_space<vmem_shared>>
      tpu.wait_indirect_dma semaphore(%run_scoped3A : memref<!tpu.dma_semaphore, #tpu.memory_space<semaphore_mem>>) src(%dma_wait3A_569 : memref<144x128xf32, #tpu.memory_space<vmem>>) dst(%dma_wait3A_572 : memref<10000x128xf32, #tpu.memory_space<vmem_shared>>)
      tpu.yield
    }) : () -> ()
    "tpu.region"() ({
      %run_scoped3A = tpu.sem_alloc : memref<!tpu.dma_semaphore, #tpu.memory_space<semaphore_mem>>
      %dma_start3A_561 = arith.constant 0 : i32
      %dma_start3A_562 = tpu.memref_slice %arg23[%dma_start3A_561] : memref<10000xf32, #tpu.memory_space<vmem_shared>> -> memref<10000xf32, #tpu.memory_space<vmem_shared>>
      tpu.enqueue_indirect_dma source(%arg20 : memref<144xf32, #tpu.memory_space<vmem>>) target(%dma_start3A_562 : memref<10000xf32, #tpu.memory_space<vmem_shared>>) offsets(%arg18 : memref<144xi32, #tpu.memory_space<vmem>>) semaphore(%run_scoped3A : memref<!tpu.dma_semaphore, #tpu.memory_space<semaphore_mem>>) {add = true}
      %dma_wait3A_563 = arith.constant 0 : i32
      %dma_wait3A_564 = tpu.memref_slice %arg23[%dma_wait3A_563] : memref<10000xf32, #tpu.memory_space<vmem_shared>> -> memref<10000xf32, #tpu.memory_space<vmem_shared>>
      tpu.wait_indirect_dma semaphore(%run_scoped3A : memref<!tpu.dma_semaphore, #tpu.memory_space<semaphore_mem>>) src(%arg20 : memref<144xf32, #tpu.memory_space<vmem>>) dst(%dma_wait3A_564 : memref<10000xf32, #tpu.memory_space<vmem_shared>>)
      tpu.yield
    }) : () -> ()
    %barrier3A_358 = arith.constant 0 : index
    tpu.barrier barrier_id(%barrier3A_358)
    %mul3A_359 = arith.constant 624 : i32
    %mul3A_360 = arith.muli %arg1, %mul3A_359 : i32
    %add3A_361 = arith.constant 0 : i32
    %add3A_362 = arith.addi %mul3A_360, %add3A_361 : i32
    "tpu.region"() ({
      %run_scoped3A = tpu.sem_alloc : memref<!tpu.dma_semaphore, #tpu.memory_space<semaphore_mem>>
      %dma_start3A_561 = arith.constant 0 : i32
      %dma_start3A_562 = arith.constant 0 : i32
      %dma_start3A_563 = tpu.memref_slice %arg7[%dma_start3A_561, %dma_start3A_562] : memref<176x128xf32, #tpu.memory_space<vmem>> -> memref<104x128xf32, #tpu.memory_space<vmem>>
      %dma_start3A_564 = arith.constant 0 : i32
      %dma_start3A_565 = tpu.memref_slice %arg22[%add3A_362, %dma_start3A_564] : memref<10000x128xf32, #tpu.memory_space<vmem_shared>> -> memref<104x128xf32, #tpu.memory_space<vmem_shared>>
      %dma_start3A_566 = arith.constant 0 : i32
      %dma_start3A_567 = arith.constant 0 : i32
      %dma_start3A_568 = tpu.memref_slice %arg7[%dma_start3A_566, %dma_start3A_567] : memref<176x128xf32, #tpu.memory_space<vmem>> -> memref<104x128xf32, #tpu.memory_space<vmem>>
      %dma_start3A_569 = arith.constant 0 : i32
      %dma_start3A_570 = tpu.memref_slice %arg22[%add3A_362, %dma_start3A_569] : memref<10000x128xf32, #tpu.memory_space<vmem_shared>> -> memref<104x128xf32, #tpu.memory_space<vmem_shared>>
      tpu.enqueue_dma source(%dma_start3A_570 : memref<104x128xf32, #tpu.memory_space<vmem_shared>>) target(%dma_start3A_568 : memref<104x128xf32, #tpu.memory_space<vmem>>) target_semaphore(%run_scoped3A : memref<!tpu.dma_semaphore, #tpu.memory_space<semaphore_mem>>)
      %dma_wait3A_571 = arith.constant 0 : i32
      %dma_wait3A_572 = arith.constant 0 : i32
      %dma_wait3A_573 = tpu.memref_slice %arg7[%dma_wait3A_571, %dma_wait3A_572] : memref<176x128xf32, #tpu.memory_space<vmem>> -> memref<104x128xf32, #tpu.memory_space<vmem>>
      %dma_wait3A_574 = arith.constant 0 : i32
      %dma_wait3A_575 = tpu.memref_slice %arg22[%add3A_362, %dma_wait3A_574] : memref<10000x128xf32, #tpu.memory_space<vmem_shared>> -> memref<104x128xf32, #tpu.memory_space<vmem_shared>>
      %dma_wait3A_576 = arith.constant 0 : i32
      %dma_wait3A_577 = arith.constant 0 : i32
      %dma_wait3A_578 = tpu.memref_slice %arg7[%dma_wait3A_576, %dma_wait3A_577] : memref<176x128xf32, #tpu.memory_space<vmem>> -> memref<104x128xf32, #tpu.memory_space<vmem>>
      %dma_wait3A_579 = arith.constant 0 : i32
      %dma_wait3A_580 = tpu.memref_slice %arg22[%add3A_362, %dma_wait3A_579] : memref<10000x128xf32, #tpu.memory_space<vmem_shared>> -> memref<104x128xf32, #tpu.memory_space<vmem_shared>>
      tpu.wait_dma2 semaphore(%run_scoped3A : memref<!tpu.dma_semaphore, #tpu.memory_space<semaphore_mem>>) src(%dma_wait3A_580 : memref<104x128xf32, #tpu.memory_space<vmem_shared>>) dst(%dma_wait3A_578 : memref<104x128xf32, #tpu.memory_space<vmem>>)
      tpu.yield
    }) : () -> ()
    %dma_start3A_363 = arith.constant 0 : i32
    %dma_start3A_364 = arith.constant 0 : i32
    %dma_start3A_365 = tpu.memref_slice %arg7[%dma_start3A_363, %dma_start3A_364] : memref<176x128xf32, #tpu.memory_space<vmem>> -> memref<104x128xf32, #tpu.memory_space<vmem>>
    %dma_start3A_366 = arith.constant 0 : i32
    %dma_start3A_367 = tpu.memref_slice %arg5[%arg0, %add3A_362, %dma_start3A_366] : memref<2x10000x128xf32, #tpu.memory_space<hbm>> -> memref<1x104x128xf32, #tpu.memory_space<hbm>>
    %dma_start3A_368 = tpu.memref_squeeze %dma_start3A_367 : memref<1x104x128xf32, #tpu.memory_space<hbm>> -> memref<104x128xf32, #tpu.memory_space<hbm>>
    %dma_start3A_369 = arith.constant 0 : i32
    %dma_start3A_370 = tpu.memref_slice %arg5[%arg0, %add3A_362, %dma_start3A_369] : memref<2x10000x128xf32, #tpu.memory_space<hbm>> -> memref<1x104x128xf32, #tpu.memory_space<hbm>>
    %dma_start3A_371 = tpu.memref_squeeze %dma_start3A_370 : memref<1x104x128xf32, #tpu.memory_space<hbm>> -> memref<104x128xf32, #tpu.memory_space<hbm>>
    %dma_start3A_372 = arith.constant 0 : i32
    %dma_start3A_373 = arith.constant 0 : i32
    %dma_start3A_374 = tpu.memref_slice %arg7[%dma_start3A_372, %dma_start3A_373] : memref<176x128xf32, #tpu.memory_space<vmem>> -> memref<104x128xf32, #tpu.memory_space<vmem>>
    tpu.enqueue_dma source(%dma_start3A_374 : memref<104x128xf32, #tpu.memory_space<vmem>>) target(%dma_start3A_371 : memref<104x128xf32, #tpu.memory_space<hbm>>) target_semaphore(%arg24 : memref<!tpu.dma_semaphore, #tpu.memory_space<semaphore_mem>>)
    %mul3A_375 = arith.constant 624 : i32
    %mul3A_376 = arith.muli %arg1, %mul3A_375 : i32
    %add3A_377 = arith.constant 104 : i32
    %add3A_378 = arith.addi %mul3A_376, %add3A_377 : i32
    "tpu.region"() ({
      %run_scoped3A = tpu.sem_alloc : memref<!tpu.dma_semaphore, #tpu.memory_space<semaphore_mem>>
      %dma_start3A_561 = arith.constant 0 : i32
      %dma_start3A_562 = arith.constant 0 : i32
      %dma_start3A_563 = tpu.memref_slice %arg8[%dma_start3A_561, %dma_start3A_562] : memref<176x128xf32, #tpu.memory_space<vmem>> -> memref<104x128xf32, #tpu.memory_space<vmem>>
      %dma_start3A_564 = arith.constant 0 : i32
      %dma_start3A_565 = tpu.memref_slice %arg22[%add3A_378, %dma_start3A_564] : memref<10000x128xf32, #tpu.memory_space<vmem_shared>> -> memref<104x128xf32, #tpu.memory_space<vmem_shared>>
      %dma_start3A_566 = arith.constant 0 : i32
      %dma_start3A_567 = arith.constant 0 : i32
      %dma_start3A_568 = tpu.memref_slice %arg8[%dma_start3A_566, %dma_start3A_567] : memref<176x128xf32, #tpu.memory_space<vmem>> -> memref<104x128xf32, #tpu.memory_space<vmem>>
      %dma_start3A_569 = arith.constant 0 : i32
      %dma_start3A_570 = tpu.memref_slice %arg22[%add3A_378, %dma_start3A_569] : memref<10000x128xf32, #tpu.memory_space<vmem_shared>> -> memref<104x128xf32, #tpu.memory_space<vmem_shared>>
      tpu.enqueue_dma source(%dma_start3A_570 : memref<104x128xf32, #tpu.memory_space<vmem_shared>>) target(%dma_start3A_568 : memref<104x128xf32, #tpu.memory_space<vmem>>) target_semaphore(%run_scoped3A : memref<!tpu.dma_semaphore, #tpu.memory_space<semaphore_mem>>)
      %dma_wait3A_571 = arith.constant 0 : i32
      %dma_wait3A_572 = arith.constant 0 : i32
      %dma_wait3A_573 = tpu.memref_slice %arg8[%dma_wait3A_571, %dma_wait3A_572] : memref<176x128xf32, #tpu.memory_space<vmem>> -> memref<104x128xf32, #tpu.memory_space<vmem>>
      %dma_wait3A_574 = arith.constant 0 : i32
      %dma_wait3A_575 = tpu.memref_slice %arg22[%add3A_378, %dma_wait3A_574] : memref<10000x128xf32, #tpu.memory_space<vmem_shared>> -> memref<104x128xf32, #tpu.memory_space<vmem_shared>>
      %dma_wait3A_576 = arith.constant 0 : i32
      %dma_wait3A_577 = arith.constant 0 : i32
      %dma_wait3A_578 = tpu.memref_slice %arg8[%dma_wait3A_576, %dma_wait3A_577] : memref<176x128xf32, #tpu.memory_space<vmem>> -> memref<104x128xf32, #tpu.memory_space<vmem>>
      %dma_wait3A_579 = arith.constant 0 : i32
      %dma_wait3A_580 = tpu.memref_slice %arg22[%add3A_378, %dma_wait3A_579] : memref<10000x128xf32, #tpu.memory_space<vmem_shared>> -> memref<104x128xf32, #tpu.memory_space<vmem_shared>>
      tpu.wait_dma2 semaphore(%run_scoped3A : memref<!tpu.dma_semaphore, #tpu.memory_space<semaphore_mem>>) src(%dma_wait3A_580 : memref<104x128xf32, #tpu.memory_space<vmem_shared>>) dst(%dma_wait3A_578 : memref<104x128xf32, #tpu.memory_space<vmem>>)
      tpu.yield
    }) : () -> ()
    %dma_start3A_379 = arith.constant 0 : i32
    %dma_start3A_380 = arith.constant 0 : i32
    %dma_start3A_381 = tpu.memref_slice %arg8[%dma_start3A_379, %dma_start3A_380] : memref<176x128xf32, #tpu.memory_space<vmem>> -> memref<104x128xf32, #tpu.memory_space<vmem>>
    %dma_start3A_382 = arith.constant 0 : i32
    %dma_start3A_383 = tpu.memref_slice %arg5[%arg0, %add3A_378, %dma_start3A_382] : memref<2x10000x128xf32, #tpu.memory_space<hbm>> -> memref<1x104x128xf32, #tpu.memory_space<hbm>>
    %dma_start3A_384 = tpu.memref_squeeze %dma_start3A_383 : memref<1x104x128xf32, #tpu.memory_space<hbm>> -> memref<104x128xf32, #tpu.memory_space<hbm>>
    %dma_start3A_385 = arith.constant 0 : i32
    %dma_start3A_386 = tpu.memref_slice %arg5[%arg0, %add3A_378, %dma_start3A_385] : memref<2x10000x128xf32, #tpu.memory_space<hbm>> -> memref<1x104x128xf32, #tpu.memory_space<hbm>>
    %dma_start3A_387 = tpu.memref_squeeze %dma_start3A_386 : memref<1x104x128xf32, #tpu.memory_space<hbm>> -> memref<104x128xf32, #tpu.memory_space<hbm>>
    %dma_start3A_388 = arith.constant 0 : i32
    %dma_start3A_389 = arith.constant 0 : i32
    %dma_start3A_390 = tpu.memref_slice %arg8[%dma_start3A_388, %dma_start3A_389] : memref<176x128xf32, #tpu.memory_space<vmem>> -> memref<104x128xf32, #tpu.memory_space<vmem>>
    tpu.enqueue_dma source(%dma_start3A_390 : memref<104x128xf32, #tpu.memory_space<vmem>>) target(%dma_start3A_387 : memref<104x128xf32, #tpu.memory_space<hbm>>) target_semaphore(%arg25 : memref<!tpu.dma_semaphore, #tpu.memory_space<semaphore_mem>>)
    %mul3A_391 = arith.constant 624 : i32
    %mul3A_392 = arith.muli %arg1, %mul3A_391 : i32
    %add3A_393 = arith.constant 208 : i32
    %add3A_394 = arith.addi %mul3A_392, %add3A_393 : i32
    %mul3A_395 = arith.constant 624 : i32
    %mul3A_396 = arith.muli %arg1, %mul3A_395 : i32
    %add3A_397 = arith.constant 0 : i32
    %add3A_398 = arith.addi %mul3A_396, %add3A_397 : i32
    %dma_wait3A_399 = arith.constant 0 : i32
    %dma_wait3A_400 = arith.constant 0 : i32
    %dma_wait3A_401 = tpu.memref_slice %arg7[%dma_wait3A_399, %dma_wait3A_400] : memref<176x128xf32, #tpu.memory_space<vmem>> -> memref<104x128xf32, #tpu.memory_space<vmem>>
    %dma_wait3A_402 = arith.constant 0 : i32
    %dma_wait3A_403 = tpu.memref_slice %arg5[%arg0, %add3A_398, %dma_wait3A_402] : memref<2x10000x128xf32, #tpu.memory_space<hbm>> -> memref<1x104x128xf32, #tpu.memory_space<hbm>>
    %dma_wait3A_404 = tpu.memref_squeeze %dma_wait3A_403 : memref<1x104x128xf32, #tpu.memory_space<hbm>> -> memref<104x128xf32, #tpu.memory_space<hbm>>
    %dma_wait3A_405 = arith.constant 0 : i32
    %dma_wait3A_406 = tpu.memref_slice %arg5[%arg0, %add3A_398, %dma_wait3A_405] : memref<2x10000x128xf32, #tpu.memory_space<hbm>> -> memref<1x104x128xf32, #tpu.memory_space<hbm>>
    %dma_wait3A_407 = tpu.memref_squeeze %dma_wait3A_406 : memref<1x104x128xf32, #tpu.memory_space<hbm>> -> memref<104x128xf32, #tpu.memory_space<hbm>>
    %dma_wait3A_408 = arith.constant 0 : i32
    %dma_wait3A_409 = arith.constant 0 : i32
    %dma_wait3A_410 = tpu.memref_slice %arg7[%dma_wait3A_408, %dma_wait3A_409] : memref<176x128xf32, #tpu.memory_space<vmem>> -> memref<104x128xf32, #tpu.memory_space<vmem>>
    tpu.wait_dma2 semaphore(%arg24 : memref<!tpu.dma_semaphore, #tpu.memory_space<semaphore_mem>>) src(%dma_wait3A_410 : memref<104x128xf32, #tpu.memory_space<vmem>>) dst(%dma_wait3A_407 : memref<104x128xf32, #tpu.memory_space<hbm>>)
    "tpu.region"() ({
      %run_scoped3A = tpu.sem_alloc : memref<!tpu.dma_semaphore, #tpu.memory_space<semaphore_mem>>
      %dma_start3A_561 = arith.constant 0 : i32
      %dma_start3A_562 = arith.constant 0 : i32
      %dma_start3A_563 = tpu.memref_slice %arg7[%dma_start3A_561, %dma_start3A_562] : memref<176x128xf32, #tpu.memory_space<vmem>> -> memref<104x128xf32, #tpu.memory_space<vmem>>
      %dma_start3A_564 = arith.constant 0 : i32
      %dma_start3A_565 = tpu.memref_slice %arg22[%add3A_394, %dma_start3A_564] : memref<10000x128xf32, #tpu.memory_space<vmem_shared>> -> memref<104x128xf32, #tpu.memory_space<vmem_shared>>
      %dma_start3A_566 = arith.constant 0 : i32
      %dma_start3A_567 = arith.constant 0 : i32
      %dma_start3A_568 = tpu.memref_slice %arg7[%dma_start3A_566, %dma_start3A_567] : memref<176x128xf32, #tpu.memory_space<vmem>> -> memref<104x128xf32, #tpu.memory_space<vmem>>
      %dma_start3A_569 = arith.constant 0 : i32
      %dma_start3A_570 = tpu.memref_slice %arg22[%add3A_394, %dma_start3A_569] : memref<10000x128xf32, #tpu.memory_space<vmem_shared>> -> memref<104x128xf32, #tpu.memory_space<vmem_shared>>
      tpu.enqueue_dma source(%dma_start3A_570 : memref<104x128xf32, #tpu.memory_space<vmem_shared>>) target(%dma_start3A_568 : memref<104x128xf32, #tpu.memory_space<vmem>>) target_semaphore(%run_scoped3A : memref<!tpu.dma_semaphore, #tpu.memory_space<semaphore_mem>>)
      %dma_wait3A_571 = arith.constant 0 : i32
      %dma_wait3A_572 = arith.constant 0 : i32
      %dma_wait3A_573 = tpu.memref_slice %arg7[%dma_wait3A_571, %dma_wait3A_572] : memref<176x128xf32, #tpu.memory_space<vmem>> -> memref<104x128xf32, #tpu.memory_space<vmem>>
      %dma_wait3A_574 = arith.constant 0 : i32
      %dma_wait3A_575 = tpu.memref_slice %arg22[%add3A_394, %dma_wait3A_574] : memref<10000x128xf32, #tpu.memory_space<vmem_shared>> -> memref<104x128xf32, #tpu.memory_space<vmem_shared>>
      %dma_wait3A_576 = arith.constant 0 : i32
      %dma_wait3A_577 = arith.constant 0 : i32
      %dma_wait3A_578 = tpu.memref_slice %arg7[%dma_wait3A_576, %dma_wait3A_577] : memref<176x128xf32, #tpu.memory_space<vmem>> -> memref<104x128xf32, #tpu.memory_space<vmem>>
      %dma_wait3A_579 = arith.constant 0 : i32
      %dma_wait3A_580 = tpu.memref_slice %arg22[%add3A_394, %dma_wait3A_579] : memref<10000x128xf32, #tpu.memory_space<vmem_shared>> -> memref<104x128xf32, #tpu.memory_space<vmem_shared>>
      tpu.wait_dma2 semaphore(%run_scoped3A : memref<!tpu.dma_semaphore, #tpu.memory_space<semaphore_mem>>) src(%dma_wait3A_580 : memref<104x128xf32, #tpu.memory_space<vmem_shared>>) dst(%dma_wait3A_578 : memref<104x128xf32, #tpu.memory_space<vmem>>)
      tpu.yield
    }) : () -> ()
    %dma_start3A_411 = arith.constant 0 : i32
    %dma_start3A_412 = arith.constant 0 : i32
    %dma_start3A_413 = tpu.memref_slice %arg7[%dma_start3A_411, %dma_start3A_412] : memref<176x128xf32, #tpu.memory_space<vmem>> -> memref<104x128xf32, #tpu.memory_space<vmem>>
    %dma_start3A_414 = arith.constant 0 : i32
    %dma_start3A_415 = tpu.memref_slice %arg5[%arg0, %add3A_394, %dma_start3A_414] : memref<2x10000x128xf32, #tpu.memory_space<hbm>> -> memref<1x104x128xf32, #tpu.memory_space<hbm>>
    %dma_start3A_416 = tpu.memref_squeeze %dma_start3A_415 : memref<1x104x128xf32, #tpu.memory_space<hbm>> -> memref<104x128xf32, #tpu.memory_space<hbm>>
    %dma_start3A_417 = arith.constant 0 : i32
    %dma_start3A_418 = tpu.memref_slice %arg5[%arg0, %add3A_394, %dma_start3A_417] : memref<2x10000x128xf32, #tpu.memory_space<hbm>> -> memref<1x104x128xf32, #tpu.memory_space<hbm>>
    %dma_start3A_419 = tpu.memref_squeeze %dma_start3A_418 : memref<1x104x128xf32, #tpu.memory_space<hbm>> -> memref<104x128xf32, #tpu.memory_space<hbm>>
    %dma_start3A_420 = arith.constant 0 : i32
    %dma_start3A_421 = arith.constant 0 : i32
    %dma_start3A_422 = tpu.memref_slice %arg7[%dma_start3A_420, %dma_start3A_421] : memref<176x128xf32, #tpu.memory_space<vmem>> -> memref<104x128xf32, #tpu.memory_space<vmem>>
    tpu.enqueue_dma source(%dma_start3A_422 : memref<104x128xf32, #tpu.memory_space<vmem>>) target(%dma_start3A_419 : memref<104x128xf32, #tpu.memory_space<hbm>>) target_semaphore(%arg24 : memref<!tpu.dma_semaphore, #tpu.memory_space<semaphore_mem>>)
    %mul3A_423 = arith.constant 624 : i32
    %mul3A_424 = arith.muli %arg1, %mul3A_423 : i32
    %add3A_425 = arith.constant 312 : i32
    %add3A_426 = arith.addi %mul3A_424, %add3A_425 : i32
    %mul3A_427 = arith.constant 624 : i32
    %mul3A_428 = arith.muli %arg1, %mul3A_427 : i32
    %add3A_429 = arith.constant 104 : i32
    %add3A_430 = arith.addi %mul3A_428, %add3A_429 : i32
    %dma_wait3A_431 = arith.constant 0 : i32
    %dma_wait3A_432 = arith.constant 0 : i32
    %dma_wait3A_433 = tpu.memref_slice %arg8[%dma_wait3A_431, %dma_wait3A_432] : memref<176x128xf32, #tpu.memory_space<vmem>> -> memref<104x128xf32, #tpu.memory_space<vmem>>
    %dma_wait3A_434 = arith.constant 0 : i32
    %dma_wait3A_435 = tpu.memref_slice %arg5[%arg0, %add3A_430, %dma_wait3A_434] : memref<2x10000x128xf32, #tpu.memory_space<hbm>> -> memref<1x104x128xf32, #tpu.memory_space<hbm>>
    %dma_wait3A_436 = tpu.memref_squeeze %dma_wait3A_435 : memref<1x104x128xf32, #tpu.memory_space<hbm>> -> memref<104x128xf32, #tpu.memory_space<hbm>>
    %dma_wait3A_437 = arith.constant 0 : i32
    %dma_wait3A_438 = tpu.memref_slice %arg5[%arg0, %add3A_430, %dma_wait3A_437] : memref<2x10000x128xf32, #tpu.memory_space<hbm>> -> memref<1x104x128xf32, #tpu.memory_space<hbm>>
    %dma_wait3A_439 = tpu.memref_squeeze %dma_wait3A_438 : memref<1x104x128xf32, #tpu.memory_space<hbm>> -> memref<104x128xf32, #tpu.memory_space<hbm>>
    %dma_wait3A_440 = arith.constant 0 : i32
    %dma_wait3A_441 = arith.constant 0 : i32
    %dma_wait3A_442 = tpu.memref_slice %arg8[%dma_wait3A_440, %dma_wait3A_441] : memref<176x128xf32, #tpu.memory_space<vmem>> -> memref<104x128xf32, #tpu.memory_space<vmem>>
    tpu.wait_dma2 semaphore(%arg25 : memref<!tpu.dma_semaphore, #tpu.memory_space<semaphore_mem>>) src(%dma_wait3A_442 : memref<104x128xf32, #tpu.memory_space<vmem>>) dst(%dma_wait3A_439 : memref<104x128xf32, #tpu.memory_space<hbm>>)
    "tpu.region"() ({
      %run_scoped3A = tpu.sem_alloc : memref<!tpu.dma_semaphore, #tpu.memory_space<semaphore_mem>>
      %dma_start3A_561 = arith.constant 0 : i32
      %dma_start3A_562 = arith.constant 0 : i32
      %dma_start3A_563 = tpu.memref_slice %arg8[%dma_start3A_561, %dma_start3A_562] : memref<176x128xf32, #tpu.memory_space<vmem>> -> memref<104x128xf32, #tpu.memory_space<vmem>>
      %dma_start3A_564 = arith.constant 0 : i32
      %dma_start3A_565 = tpu.memref_slice %arg22[%add3A_426, %dma_start3A_564] : memref<10000x128xf32, #tpu.memory_space<vmem_shared>> -> memref<104x128xf32, #tpu.memory_space<vmem_shared>>
      %dma_start3A_566 = arith.constant 0 : i32
      %dma_start3A_567 = arith.constant 0 : i32
      %dma_start3A_568 = tpu.memref_slice %arg8[%dma_start3A_566, %dma_start3A_567] : memref<176x128xf32, #tpu.memory_space<vmem>> -> memref<104x128xf32, #tpu.memory_space<vmem>>
      %dma_start3A_569 = arith.constant 0 : i32
      %dma_start3A_570 = tpu.memref_slice %arg22[%add3A_426, %dma_start3A_569] : memref<10000x128xf32, #tpu.memory_space<vmem_shared>> -> memref<104x128xf32, #tpu.memory_space<vmem_shared>>
      tpu.enqueue_dma source(%dma_start3A_570 : memref<104x128xf32, #tpu.memory_space<vmem_shared>>) target(%dma_start3A_568 : memref<104x128xf32, #tpu.memory_space<vmem>>) target_semaphore(%run_scoped3A : memref<!tpu.dma_semaphore, #tpu.memory_space<semaphore_mem>>)
      %dma_wait3A_571 = arith.constant 0 : i32
      %dma_wait3A_572 = arith.constant 0 : i32
      %dma_wait3A_573 = tpu.memref_slice %arg8[%dma_wait3A_571, %dma_wait3A_572] : memref<176x128xf32, #tpu.memory_space<vmem>> -> memref<104x128xf32, #tpu.memory_space<vmem>>
      %dma_wait3A_574 = arith.constant 0 : i32
      %dma_wait3A_575 = tpu.memref_slice %arg22[%add3A_426, %dma_wait3A_574] : memref<10000x128xf32, #tpu.memory_space<vmem_shared>> -> memref<104x128xf32, #tpu.memory_space<vmem_shared>>
      %dma_wait3A_576 = arith.constant 0 : i32
      %dma_wait3A_577 = arith.constant 0 : i32
      %dma_wait3A_578 = tpu.memref_slice %arg8[%dma_wait3A_576, %dma_wait3A_577] : memref<176x128xf32, #tpu.memory_space<vmem>> -> memref<104x128xf32, #tpu.memory_space<vmem>>
      %dma_wait3A_579 = arith.constant 0 : i32
      %dma_wait3A_580 = tpu.memref_slice %arg22[%add3A_426, %dma_wait3A_579] : memref<10000x128xf32, #tpu.memory_space<vmem_shared>> -> memref<104x128xf32, #tpu.memory_space<vmem_shared>>
      tpu.wait_dma2 semaphore(%run_scoped3A : memref<!tpu.dma_semaphore, #tpu.memory_space<semaphore_mem>>) src(%dma_wait3A_580 : memref<104x128xf32, #tpu.memory_space<vmem_shared>>) dst(%dma_wait3A_578 : memref<104x128xf32, #tpu.memory_space<vmem>>)
      tpu.yield
    }) : () -> ()
    %dma_start3A_443 = arith.constant 0 : i32
    %dma_start3A_444 = arith.constant 0 : i32
    %dma_start3A_445 = tpu.memref_slice %arg8[%dma_start3A_443, %dma_start3A_444] : memref<176x128xf32, #tpu.memory_space<vmem>> -> memref<104x128xf32, #tpu.memory_space<vmem>>
    %dma_start3A_446 = arith.constant 0 : i32
    %dma_start3A_447 = tpu.memref_slice %arg5[%arg0, %add3A_426, %dma_start3A_446] : memref<2x10000x128xf32, #tpu.memory_space<hbm>> -> memref<1x104x128xf32, #tpu.memory_space<hbm>>
    %dma_start3A_448 = tpu.memref_squeeze %dma_start3A_447 : memref<1x104x128xf32, #tpu.memory_space<hbm>> -> memref<104x128xf32, #tpu.memory_space<hbm>>
    %dma_start3A_449 = arith.constant 0 : i32
    %dma_start3A_450 = tpu.memref_slice %arg5[%arg0, %add3A_426, %dma_start3A_449] : memref<2x10000x128xf32, #tpu.memory_space<hbm>> -> memref<1x104x128xf32, #tpu.memory_space<hbm>>
    %dma_start3A_451 = tpu.memref_squeeze %dma_start3A_450 : memref<1x104x128xf32, #tpu.memory_space<hbm>> -> memref<104x128xf32, #tpu.memory_space<hbm>>
    %dma_start3A_452 = arith.constant 0 : i32
    %dma_start3A_453 = arith.constant 0 : i32
    %dma_start3A_454 = tpu.memref_slice %arg8[%dma_start3A_452, %dma_start3A_453] : memref<176x128xf32, #tpu.memory_space<vmem>> -> memref<104x128xf32, #tpu.memory_space<vmem>>
    tpu.enqueue_dma source(%dma_start3A_454 : memref<104x128xf32, #tpu.memory_space<vmem>>) target(%dma_start3A_451 : memref<104x128xf32, #tpu.memory_space<hbm>>) target_semaphore(%arg25 : memref<!tpu.dma_semaphore, #tpu.memory_space<semaphore_mem>>)
    %mul3A_455 = arith.constant 624 : i32
    %mul3A_456 = arith.muli %arg1, %mul3A_455 : i32
    %add3A_457 = arith.constant 416 : i32
    %add3A_458 = arith.addi %mul3A_456, %add3A_457 : i32
    %mul3A_459 = arith.constant 624 : i32
    %mul3A_460 = arith.muli %arg1, %mul3A_459 : i32
    %add3A_461 = arith.constant 208 : i32
    %add3A_462 = arith.addi %mul3A_460, %add3A_461 : i32
    %dma_wait3A_463 = arith.constant 0 : i32
    %dma_wait3A_464 = arith.constant 0 : i32
    %dma_wait3A_465 = tpu.memref_slice %arg7[%dma_wait3A_463, %dma_wait3A_464] : memref<176x128xf32, #tpu.memory_space<vmem>> -> memref<104x128xf32, #tpu.memory_space<vmem>>
    %dma_wait3A_466 = arith.constant 0 : i32
    %dma_wait3A_467 = tpu.memref_slice %arg5[%arg0, %add3A_462, %dma_wait3A_466] : memref<2x10000x128xf32, #tpu.memory_space<hbm>> -> memref<1x104x128xf32, #tpu.memory_space<hbm>>
    %dma_wait3A_468 = tpu.memref_squeeze %dma_wait3A_467 : memref<1x104x128xf32, #tpu.memory_space<hbm>> -> memref<104x128xf32, #tpu.memory_space<hbm>>
    %dma_wait3A_469 = arith.constant 0 : i32
    %dma_wait3A_470 = tpu.memref_slice %arg5[%arg0, %add3A_462, %dma_wait3A_469] : memref<2x10000x128xf32, #tpu.memory_space<hbm>> -> memref<1x104x128xf32, #tpu.memory_space<hbm>>
    %dma_wait3A_471 = tpu.memref_squeeze %dma_wait3A_470 : memref<1x104x128xf32, #tpu.memory_space<hbm>> -> memref<104x128xf32, #tpu.memory_space<hbm>>
    %dma_wait3A_472 = arith.constant 0 : i32
    %dma_wait3A_473 = arith.constant 0 : i32
    %dma_wait3A_474 = tpu.memref_slice %arg7[%dma_wait3A_472, %dma_wait3A_473] : memref<176x128xf32, #tpu.memory_space<vmem>> -> memref<104x128xf32, #tpu.memory_space<vmem>>
    tpu.wait_dma2 semaphore(%arg24 : memref<!tpu.dma_semaphore, #tpu.memory_space<semaphore_mem>>) src(%dma_wait3A_474 : memref<104x128xf32, #tpu.memory_space<vmem>>) dst(%dma_wait3A_471 : memref<104x128xf32, #tpu.memory_space<hbm>>)
    "tpu.region"() ({
      %run_scoped3A = tpu.sem_alloc : memref<!tpu.dma_semaphore, #tpu.memory_space<semaphore_mem>>
      %dma_start3A_561 = arith.constant 0 : i32
      %dma_start3A_562 = arith.constant 0 : i32
      %dma_start3A_563 = tpu.memref_slice %arg7[%dma_start3A_561, %dma_start3A_562] : memref<176x128xf32, #tpu.memory_space<vmem>> -> memref<104x128xf32, #tpu.memory_space<vmem>>
      %dma_start3A_564 = arith.constant 0 : i32
      %dma_start3A_565 = tpu.memref_slice %arg22[%add3A_458, %dma_start3A_564] : memref<10000x128xf32, #tpu.memory_space<vmem_shared>> -> memref<104x128xf32, #tpu.memory_space<vmem_shared>>
      %dma_start3A_566 = arith.constant 0 : i32
      %dma_start3A_567 = arith.constant 0 : i32
      %dma_start3A_568 = tpu.memref_slice %arg7[%dma_start3A_566, %dma_start3A_567] : memref<176x128xf32, #tpu.memory_space<vmem>> -> memref<104x128xf32, #tpu.memory_space<vmem>>
      %dma_start3A_569 = arith.constant 0 : i32
      %dma_start3A_570 = tpu.memref_slice %arg22[%add3A_458, %dma_start3A_569] : memref<10000x128xf32, #tpu.memory_space<vmem_shared>> -> memref<104x128xf32, #tpu.memory_space<vmem_shared>>
      tpu.enqueue_dma source(%dma_start3A_570 : memref<104x128xf32, #tpu.memory_space<vmem_shared>>) target(%dma_start3A_568 : memref<104x128xf32, #tpu.memory_space<vmem>>) target_semaphore(%run_scoped3A : memref<!tpu.dma_semaphore, #tpu.memory_space<semaphore_mem>>)
      %dma_wait3A_571 = arith.constant 0 : i32
      %dma_wait3A_572 = arith.constant 0 : i32
      %dma_wait3A_573 = tpu.memref_slice %arg7[%dma_wait3A_571, %dma_wait3A_572] : memref<176x128xf32, #tpu.memory_space<vmem>> -> memref<104x128xf32, #tpu.memory_space<vmem>>
      %dma_wait3A_574 = arith.constant 0 : i32
      %dma_wait3A_575 = tpu.memref_slice %arg22[%add3A_458, %dma_wait3A_574] : memref<10000x128xf32, #tpu.memory_space<vmem_shared>> -> memref<104x128xf32, #tpu.memory_space<vmem_shared>>
      %dma_wait3A_576 = arith.constant 0 : i32
      %dma_wait3A_577 = arith.constant 0 : i32
      %dma_wait3A_578 = tpu.memref_slice %arg7[%dma_wait3A_576, %dma_wait3A_577] : memref<176x128xf32, #tpu.memory_space<vmem>> -> memref<104x128xf32, #tpu.memory_space<vmem>>
      %dma_wait3A_579 = arith.constant 0 : i32
      %dma_wait3A_580 = tpu.memref_slice %arg22[%add3A_458, %dma_wait3A_579] : memref<10000x128xf32, #tpu.memory_space<vmem_shared>> -> memref<104x128xf32, #tpu.memory_space<vmem_shared>>
      tpu.wait_dma2 semaphore(%run_scoped3A : memref<!tpu.dma_semaphore, #tpu.memory_space<semaphore_mem>>) src(%dma_wait3A_580 : memref<104x128xf32, #tpu.memory_space<vmem_shared>>) dst(%dma_wait3A_578 : memref<104x128xf32, #tpu.memory_space<vmem>>)
      tpu.yield
    }) : () -> ()
    %dma_start3A_475 = arith.constant 0 : i32
    %dma_start3A_476 = arith.constant 0 : i32
    %dma_start3A_477 = tpu.memref_slice %arg7[%dma_start3A_475, %dma_start3A_476] : memref<176x128xf32, #tpu.memory_space<vmem>> -> memref<104x128xf32, #tpu.memory_space<vmem>>
    %dma_start3A_478 = arith.constant 0 : i32
    %dma_start3A_479 = tpu.memref_slice %arg5[%arg0, %add3A_458, %dma_start3A_478] : memref<2x10000x128xf32, #tpu.memory_space<hbm>> -> memref<1x104x128xf32, #tpu.memory_space<hbm>>
    %dma_start3A_480 = tpu.memref_squeeze %dma_start3A_479 : memref<1x104x128xf32, #tpu.memory_space<hbm>> -> memref<104x128xf32, #tpu.memory_space<hbm>>
    %dma_start3A_481 = arith.constant 0 : i32
    %dma_start3A_482 = tpu.memref_slice %arg5[%arg0, %add3A_458, %dma_start3A_481] : memref<2x10000x128xf32, #tpu.memory_space<hbm>> -> memref<1x104x128xf32, #tpu.memory_space<hbm>>
    %dma_start3A_483 = tpu.memref_squeeze %dma_start3A_482 : memref<1x104x128xf32, #tpu.memory_space<hbm>> -> memref<104x128xf32, #tpu.memory_space<hbm>>
    %dma_start3A_484 = arith.constant 0 : i32
    %dma_start3A_485 = arith.constant 0 : i32
    %dma_start3A_486 = tpu.memref_slice %arg7[%dma_start3A_484, %dma_start3A_485] : memref<176x128xf32, #tpu.memory_space<vmem>> -> memref<104x128xf32, #tpu.memory_space<vmem>>
    tpu.enqueue_dma source(%dma_start3A_486 : memref<104x128xf32, #tpu.memory_space<vmem>>) target(%dma_start3A_483 : memref<104x128xf32, #tpu.memory_space<hbm>>) target_semaphore(%arg24 : memref<!tpu.dma_semaphore, #tpu.memory_space<semaphore_mem>>)
    %mul3A_487 = arith.constant 624 : i32
    %mul3A_488 = arith.muli %arg1, %mul3A_487 : i32
    %add3A_489 = arith.constant 520 : i32
    %add3A_490 = arith.addi %mul3A_488, %add3A_489 : i32
    %mul3A_491 = arith.constant 624 : i32
    %mul3A_492 = arith.muli %arg1, %mul3A_491 : i32
    %add3A_493 = arith.constant 312 : i32
    %add3A_494 = arith.addi %mul3A_492, %add3A_493 : i32
    %dma_wait3A_495 = arith.constant 0 : i32
    %dma_wait3A_496 = arith.constant 0 : i32
    %dma_wait3A_497 = tpu.memref_slice %arg8[%dma_wait3A_495, %dma_wait3A_496] : memref<176x128xf32, #tpu.memory_space<vmem>> -> memref<104x128xf32, #tpu.memory_space<vmem>>
    %dma_wait3A_498 = arith.constant 0 : i32
    %dma_wait3A_499 = tpu.memref_slice %arg5[%arg0, %add3A_494, %dma_wait3A_498] : memref<2x10000x128xf32, #tpu.memory_space<hbm>> -> memref<1x104x128xf32, #tpu.memory_space<hbm>>
    %dma_wait3A_500 = tpu.memref_squeeze %dma_wait3A_499 : memref<1x104x128xf32, #tpu.memory_space<hbm>> -> memref<104x128xf32, #tpu.memory_space<hbm>>
    %dma_wait3A_501 = arith.constant 0 : i32
    %dma_wait3A_502 = tpu.memref_slice %arg5[%arg0, %add3A_494, %dma_wait3A_501] : memref<2x10000x128xf32, #tpu.memory_space<hbm>> -> memref<1x104x128xf32, #tpu.memory_space<hbm>>
    %dma_wait3A_503 = tpu.memref_squeeze %dma_wait3A_502 : memref<1x104x128xf32, #tpu.memory_space<hbm>> -> memref<104x128xf32, #tpu.memory_space<hbm>>
    %dma_wait3A_504 = arith.constant 0 : i32
    %dma_wait3A_505 = arith.constant 0 : i32
    %dma_wait3A_506 = tpu.memref_slice %arg8[%dma_wait3A_504, %dma_wait3A_505] : memref<176x128xf32, #tpu.memory_space<vmem>> -> memref<104x128xf32, #tpu.memory_space<vmem>>
    tpu.wait_dma2 semaphore(%arg25 : memref<!tpu.dma_semaphore, #tpu.memory_space<semaphore_mem>>) src(%dma_wait3A_506 : memref<104x128xf32, #tpu.memory_space<vmem>>) dst(%dma_wait3A_503 : memref<104x128xf32, #tpu.memory_space<hbm>>)
    "tpu.region"() ({
      %run_scoped3A = tpu.sem_alloc : memref<!tpu.dma_semaphore, #tpu.memory_space<semaphore_mem>>
      %dma_start3A_561 = arith.constant 0 : i32
      %dma_start3A_562 = arith.constant 0 : i32
      %dma_start3A_563 = tpu.memref_slice %arg8[%dma_start3A_561, %dma_start3A_562] : memref<176x128xf32, #tpu.memory_space<vmem>> -> memref<104x128xf32, #tpu.memory_space<vmem>>
      %dma_start3A_564 = arith.constant 0 : i32
      %dma_start3A_565 = tpu.memref_slice %arg22[%add3A_490, %dma_start3A_564] : memref<10000x128xf32, #tpu.memory_space<vmem_shared>> -> memref<104x128xf32, #tpu.memory_space<vmem_shared>>
      %dma_start3A_566 = arith.constant 0 : i32
      %dma_start3A_567 = arith.constant 0 : i32
      %dma_start3A_568 = tpu.memref_slice %arg8[%dma_start3A_566, %dma_start3A_567] : memref<176x128xf32, #tpu.memory_space<vmem>> -> memref<104x128xf32, #tpu.memory_space<vmem>>
      %dma_start3A_569 = arith.constant 0 : i32
      %dma_start3A_570 = tpu.memref_slice %arg22[%add3A_490, %dma_start3A_569] : memref<10000x128xf32, #tpu.memory_space<vmem_shared>> -> memref<104x128xf32, #tpu.memory_space<vmem_shared>>
      tpu.enqueue_dma source(%dma_start3A_570 : memref<104x128xf32, #tpu.memory_space<vmem_shared>>) target(%dma_start3A_568 : memref<104x128xf32, #tpu.memory_space<vmem>>) target_semaphore(%run_scoped3A : memref<!tpu.dma_semaphore, #tpu.memory_space<semaphore_mem>>)
      %dma_wait3A_571 = arith.constant 0 : i32
      %dma_wait3A_572 = arith.constant 0 : i32
      %dma_wait3A_573 = tpu.memref_slice %arg8[%dma_wait3A_571, %dma_wait3A_572] : memref<176x128xf32, #tpu.memory_space<vmem>> -> memref<104x128xf32, #tpu.memory_space<vmem>>
      %dma_wait3A_574 = arith.constant 0 : i32
      %dma_wait3A_575 = tpu.memref_slice %arg22[%add3A_490, %dma_wait3A_574] : memref<10000x128xf32, #tpu.memory_space<vmem_shared>> -> memref<104x128xf32, #tpu.memory_space<vmem_shared>>
      %dma_wait3A_576 = arith.constant 0 : i32
      %dma_wait3A_577 = arith.constant 0 : i32
      %dma_wait3A_578 = tpu.memref_slice %arg8[%dma_wait3A_576, %dma_wait3A_577] : memref<176x128xf32, #tpu.memory_space<vmem>> -> memref<104x128xf32, #tpu.memory_space<vmem>>
      %dma_wait3A_579 = arith.constant 0 : i32
      %dma_wait3A_580 = tpu.memref_slice %arg22[%add3A_490, %dma_wait3A_579] : memref<10000x128xf32, #tpu.memory_space<vmem_shared>> -> memref<104x128xf32, #tpu.memory_space<vmem_shared>>
      tpu.wait_dma2 semaphore(%run_scoped3A : memref<!tpu.dma_semaphore, #tpu.memory_space<semaphore_mem>>) src(%dma_wait3A_580 : memref<104x128xf32, #tpu.memory_space<vmem_shared>>) dst(%dma_wait3A_578 : memref<104x128xf32, #tpu.memory_space<vmem>>)
      tpu.yield
    }) : () -> ()
    %dma_start3A_507 = arith.constant 0 : i32
    %dma_start3A_508 = arith.constant 0 : i32
    %dma_start3A_509 = tpu.memref_slice %arg8[%dma_start3A_507, %dma_start3A_508] : memref<176x128xf32, #tpu.memory_space<vmem>> -> memref<104x128xf32, #tpu.memory_space<vmem>>
    %dma_start3A_510 = arith.constant 0 : i32
    %dma_start3A_511 = tpu.memref_slice %arg5[%arg0, %add3A_490, %dma_start3A_510] : memref<2x10000x128xf32, #tpu.memory_space<hbm>> -> memref<1x104x128xf32, #tpu.memory_space<hbm>>
    %dma_start3A_512 = tpu.memref_squeeze %dma_start3A_511 : memref<1x104x128xf32, #tpu.memory_space<hbm>> -> memref<104x128xf32, #tpu.memory_space<hbm>>
    %dma_start3A_513 = arith.constant 0 : i32
    %dma_start3A_514 = tpu.memref_slice %arg5[%arg0, %add3A_490, %dma_start3A_513] : memref<2x10000x128xf32, #tpu.memory_space<hbm>> -> memref<1x104x128xf32, #tpu.memory_space<hbm>>
    %dma_start3A_515 = tpu.memref_squeeze %dma_start3A_514 : memref<1x104x128xf32, #tpu.memory_space<hbm>> -> memref<104x128xf32, #tpu.memory_space<hbm>>
    %dma_start3A_516 = arith.constant 0 : i32
    %dma_start3A_517 = arith.constant 0 : i32
    %dma_start3A_518 = tpu.memref_slice %arg8[%dma_start3A_516, %dma_start3A_517] : memref<176x128xf32, #tpu.memory_space<vmem>> -> memref<104x128xf32, #tpu.memory_space<vmem>>
    tpu.enqueue_dma source(%dma_start3A_518 : memref<104x128xf32, #tpu.memory_space<vmem>>) target(%dma_start3A_515 : memref<104x128xf32, #tpu.memory_space<hbm>>) target_semaphore(%arg25 : memref<!tpu.dma_semaphore, #tpu.memory_space<semaphore_mem>>)
    %mul3A_519 = arith.constant 624 : i32
    %mul3A_520 = arith.muli %arg1, %mul3A_519 : i32
    %add3A_521 = arith.constant 416 : i32
    %add3A_522 = arith.addi %mul3A_520, %add3A_521 : i32
    %dma_wait3A_523 = arith.constant 0 : i32
    %dma_wait3A_524 = arith.constant 0 : i32
    %dma_wait3A_525 = tpu.memref_slice %arg7[%dma_wait3A_523, %dma_wait3A_524] : memref<176x128xf32, #tpu.memory_space<vmem>> -> memref<104x128xf32, #tpu.memory_space<vmem>>
    %dma_wait3A_526 = arith.constant 0 : i32
    %dma_wait3A_527 = tpu.memref_slice %arg5[%arg0, %add3A_522, %dma_wait3A_526] : memref<2x10000x128xf32, #tpu.memory_space<hbm>> -> memref<1x104x128xf32, #tpu.memory_space<hbm>>
    %dma_wait3A_528 = tpu.memref_squeeze %dma_wait3A_527 : memref<1x104x128xf32, #tpu.memory_space<hbm>> -> memref<104x128xf32, #tpu.memory_space<hbm>>
    %dma_wait3A_529 = arith.constant 0 : i32
    %dma_wait3A_530 = tpu.memref_slice %arg5[%arg0, %add3A_522, %dma_wait3A_529] : memref<2x10000x128xf32, #tpu.memory_space<hbm>> -> memref<1x104x128xf32, #tpu.memory_space<hbm>>
    %dma_wait3A_531 = tpu.memref_squeeze %dma_wait3A_530 : memref<1x104x128xf32, #tpu.memory_space<hbm>> -> memref<104x128xf32, #tpu.memory_space<hbm>>
    %dma_wait3A_532 = arith.constant 0 : i32
    %dma_wait3A_533 = arith.constant 0 : i32
    %dma_wait3A_534 = tpu.memref_slice %arg7[%dma_wait3A_532, %dma_wait3A_533] : memref<176x128xf32, #tpu.memory_space<vmem>> -> memref<104x128xf32, #tpu.memory_space<vmem>>
    tpu.wait_dma2 semaphore(%arg24 : memref<!tpu.dma_semaphore, #tpu.memory_space<semaphore_mem>>) src(%dma_wait3A_534 : memref<104x128xf32, #tpu.memory_space<vmem>>) dst(%dma_wait3A_531 : memref<104x128xf32, #tpu.memory_space<hbm>>)
    %mul3A_535 = arith.constant 624 : i32
    %mul3A_536 = arith.muli %arg1, %mul3A_535 : i32
    %add3A_537 = arith.constant 520 : i32
    %add3A_538 = arith.addi %mul3A_536, %add3A_537 : i32
    %dma_wait3A_539 = arith.constant 0 : i32
    %dma_wait3A_540 = arith.constant 0 : i32
    %dma_wait3A_541 = tpu.memref_slice %arg8[%dma_wait3A_539, %dma_wait3A_540] : memref<176x128xf32, #tpu.memory_space<vmem>> -> memref<104x128xf32, #tpu.memory_space<vmem>>
    %dma_wait3A_542 = arith.constant 0 : i32
    %dma_wait3A_543 = tpu.memref_slice %arg5[%arg0, %add3A_538, %dma_wait3A_542] : memref<2x10000x128xf32, #tpu.memory_space<hbm>> -> memref<1x104x128xf32, #tpu.memory_space<hbm>>
    %dma_wait3A_544 = tpu.memref_squeeze %dma_wait3A_543 : memref<1x104x128xf32, #tpu.memory_space<hbm>> -> memref<104x128xf32, #tpu.memory_space<hbm>>
    %dma_wait3A_545 = arith.constant 0 : i32
    %dma_wait3A_546 = tpu.memref_slice %arg5[%arg0, %add3A_538, %dma_wait3A_545] : memref<2x10000x128xf32, #tpu.memory_space<hbm>> -> memref<1x104x128xf32, #tpu.memory_space<hbm>>
    %dma_wait3A_547 = tpu.memref_squeeze %dma_wait3A_546 : memref<1x104x128xf32, #tpu.memory_space<hbm>> -> memref<104x128xf32, #tpu.memory_space<hbm>>
    %dma_wait3A_548 = arith.constant 0 : i32
    %dma_wait3A_549 = arith.constant 0 : i32
    %dma_wait3A_550 = tpu.memref_slice %arg8[%dma_wait3A_548, %dma_wait3A_549] : memref<176x128xf32, #tpu.memory_space<vmem>> -> memref<104x128xf32, #tpu.memory_space<vmem>>
    tpu.wait_dma2 semaphore(%arg25 : memref<!tpu.dma_semaphore, #tpu.memory_space<semaphore_mem>>) src(%dma_wait3A_550 : memref<104x128xf32, #tpu.memory_space<vmem>>) dst(%dma_wait3A_547 : memref<104x128xf32, #tpu.memory_space<hbm>>)
    %eq3A_551 = arith.constant 0 : i32
    %eq3A_552 = arith.cmpi eq, %arg1, %eq3A_551 : i32
    %convert_element_type3A_553 = arith.extui %eq3A_552 : i1 to i32
    %cond3A_554 = arith.constant 0 : i32
    %cond3A_555 = arith.cmpi ne, %convert_element_type3A_553, %cond3A_554 : i32
    scf.if %cond3A_555 {
      "tpu.region"() ({
        %run_scoped3A = tpu.sem_alloc : memref<!tpu.dma_semaphore, #tpu.memory_space<semaphore_mem>>
        %dma_start3A_561 = arith.constant 0 : i32
        %dma_start3A_562 = arith.constant 0 : i32
        %dma_start3A_563 = tpu.memref_slice %arg7[%dma_start3A_561, %dma_start3A_562] : memref<176x128xf32, #tpu.memory_space<vmem>> -> memref<16x128xf32, #tpu.memory_space<vmem>>
        %dma_start3A_564 = arith.constant 9984 : i32
        %dma_start3A_565 = arith.constant 0 : i32
        %dma_start3A_566 = tpu.memref_slice %arg22[%dma_start3A_564, %dma_start3A_565] : memref<10000x128xf32, #tpu.memory_space<vmem_shared>> -> memref<16x128xf32, #tpu.memory_space<vmem_shared>>
        %dma_start3A_567 = arith.constant 0 : i32
        %dma_start3A_568 = arith.constant 0 : i32
        %dma_start3A_569 = tpu.memref_slice %arg7[%dma_start3A_567, %dma_start3A_568] : memref<176x128xf32, #tpu.memory_space<vmem>> -> memref<16x128xf32, #tpu.memory_space<vmem>>
        %dma_start3A_570 = arith.constant 9984 : i32
        %dma_start3A_571 = arith.constant 0 : i32
        %dma_start3A_572 = tpu.memref_slice %arg22[%dma_start3A_570, %dma_start3A_571] : memref<10000x128xf32, #tpu.memory_space<vmem_shared>> -> memref<16x128xf32, #tpu.memory_space<vmem_shared>>
        tpu.enqueue_dma source(%dma_start3A_572 : memref<16x128xf32, #tpu.memory_space<vmem_shared>>) target(%dma_start3A_569 : memref<16x128xf32, #tpu.memory_space<vmem>>) target_semaphore(%run_scoped3A : memref<!tpu.dma_semaphore, #tpu.memory_space<semaphore_mem>>)
        %dma_wait3A_573 = arith.constant 0 : i32
        %dma_wait3A_574 = arith.constant 0 : i32
        %dma_wait3A_575 = tpu.memref_slice %arg7[%dma_wait3A_573, %dma_wait3A_574] : memref<176x128xf32, #tpu.memory_space<vmem>> -> memref<16x128xf32, #tpu.memory_space<vmem>>
        %dma_wait3A_576 = arith.constant 9984 : i32
        %dma_wait3A_577 = arith.constant 0 : i32
        %dma_wait3A_578 = tpu.memref_slice %arg22[%dma_wait3A_576, %dma_wait3A_577] : memref<10000x128xf32, #tpu.memory_space<vmem_shared>> -> memref<16x128xf32, #tpu.memory_space<vmem_shared>>
        %dma_wait3A_579 = arith.constant 0 : i32
        %dma_wait3A_580 = arith.constant 0 : i32
        %dma_wait3A_581 = tpu.memref_slice %arg7[%dma_wait3A_579, %dma_wait3A_580] : memref<176x128xf32, #tpu.memory_space<vmem>> -> memref<16x128xf32, #tpu.memory_space<vmem>>
        %dma_wait3A_582 = arith.constant 9984 : i32
        %dma_wait3A_583 = arith.constant 0 : i32
        %dma_wait3A_584 = tpu.memref_slice %arg22[%dma_wait3A_582, %dma_wait3A_583] : memref<10000x128xf32, #tpu.memory_space<vmem_shared>> -> memref<16x128xf32, #tpu.memory_space<vmem_shared>>
        tpu.wait_dma2 semaphore(%run_scoped3A : memref<!tpu.dma_semaphore, #tpu.memory_space<semaphore_mem>>) src(%dma_wait3A_584 : memref<16x128xf32, #tpu.memory_space<vmem_shared>>) dst(%dma_wait3A_581 : memref<16x128xf32, #tpu.memory_space<vmem>>)
        tpu.yield
      }) : () -> ()
      "tpu.region"() ({
        %run_scoped3A = tpu.sem_alloc : memref<!tpu.dma_semaphore, #tpu.memory_space<semaphore_mem>>
        %dma_start3A_561 = arith.constant 0 : i32
        %dma_start3A_562 = arith.constant 0 : i32
        %dma_start3A_563 = tpu.memref_slice %arg7[%dma_start3A_561, %dma_start3A_562] : memref<176x128xf32, #tpu.memory_space<vmem>> -> memref<16x128xf32, #tpu.memory_space<vmem>>
        %dma_start3A_564 = arith.constant 9984 : i32
        %dma_start3A_565 = arith.constant 0 : i32
        %dma_start3A_566 = tpu.memref_slice %arg5[%arg0, %dma_start3A_564, %dma_start3A_565] : memref<2x10000x128xf32, #tpu.memory_space<hbm>> -> memref<1x16x128xf32, #tpu.memory_space<hbm>>
        %dma_start3A_567 = tpu.memref_squeeze %dma_start3A_566 : memref<1x16x128xf32, #tpu.memory_space<hbm>> -> memref<16x128xf32, #tpu.memory_space<hbm>>
        %dma_start3A_568 = arith.constant 9984 : i32
        %dma_start3A_569 = arith.constant 0 : i32
        %dma_start3A_570 = tpu.memref_slice %arg5[%arg0, %dma_start3A_568, %dma_start3A_569] : memref<2x10000x128xf32, #tpu.memory_space<hbm>> -> memref<1x16x128xf32, #tpu.memory_space<hbm>>
        %dma_start3A_571 = tpu.memref_squeeze %dma_start3A_570 : memref<1x16x128xf32, #tpu.memory_space<hbm>> -> memref<16x128xf32, #tpu.memory_space<hbm>>
        %dma_start3A_572 = arith.constant 0 : i32
        %dma_start3A_573 = arith.constant 0 : i32
        %dma_start3A_574 = tpu.memref_slice %arg7[%dma_start3A_572, %dma_start3A_573] : memref<176x128xf32, #tpu.memory_space<vmem>> -> memref<16x128xf32, #tpu.memory_space<vmem>>
        tpu.enqueue_dma source(%dma_start3A_574 : memref<16x128xf32, #tpu.memory_space<vmem>>) target(%dma_start3A_571 : memref<16x128xf32, #tpu.memory_space<hbm>>) target_semaphore(%run_scoped3A : memref<!tpu.dma_semaphore, #tpu.memory_space<semaphore_mem>>)
        %dma_wait3A_575 = arith.constant 0 : i32
        %dma_wait3A_576 = arith.constant 0 : i32
        %dma_wait3A_577 = tpu.memref_slice %arg7[%dma_wait3A_575, %dma_wait3A_576] : memref<176x128xf32, #tpu.memory_space<vmem>> -> memref<16x128xf32, #tpu.memory_space<vmem>>
        %dma_wait3A_578 = arith.constant 9984 : i32
        %dma_wait3A_579 = arith.constant 0 : i32
        %dma_wait3A_580 = tpu.memref_slice %arg5[%arg0, %dma_wait3A_578, %dma_wait3A_579] : memref<2x10000x128xf32, #tpu.memory_space<hbm>> -> memref<1x16x128xf32, #tpu.memory_space<hbm>>
        %dma_wait3A_581 = tpu.memref_squeeze %dma_wait3A_580 : memref<1x16x128xf32, #tpu.memory_space<hbm>> -> memref<16x128xf32, #tpu.memory_space<hbm>>
        %dma_wait3A_582 = arith.constant 9984 : i32
        %dma_wait3A_583 = arith.constant 0 : i32
        %dma_wait3A_584 = tpu.memref_slice %arg5[%arg0, %dma_wait3A_582, %dma_wait3A_583] : memref<2x10000x128xf32, #tpu.memory_space<hbm>> -> memref<1x16x128xf32, #tpu.memory_space<hbm>>
        %dma_wait3A_585 = tpu.memref_squeeze %dma_wait3A_584 : memref<1x16x128xf32, #tpu.memory_space<hbm>> -> memref<16x128xf32, #tpu.memory_space<hbm>>
        %dma_wait3A_586 = arith.constant 0 : i32
        %dma_wait3A_587 = arith.constant 0 : i32
        %dma_wait3A_588 = tpu.memref_slice %arg7[%dma_wait3A_586, %dma_wait3A_587] : memref<176x128xf32, #tpu.memory_space<vmem>> -> memref<16x128xf32, #tpu.memory_space<vmem>>
        tpu.wait_dma2 semaphore(%run_scoped3A : memref<!tpu.dma_semaphore, #tpu.memory_space<semaphore_mem>>) src(%dma_wait3A_588 : memref<16x128xf32, #tpu.memory_space<vmem>>) dst(%dma_wait3A_585 : memref<16x128xf32, #tpu.memory_space<hbm>>)
        tpu.yield
      }) : () -> ()
    } else {
    }
    %lt3A_556 = arith.constant 10 : i32
    %lt3A_557 = arith.cmpi slt, %arg1, %lt3A_556 : i32
    %convert_element_type3A_558 = arith.extui %lt3A_557 : i1 to i32
    %cond3A_559 = arith.constant 0 : i32
    %cond3A_560 = arith.cmpi ne, %convert_element_type3A_558, %cond3A_559 : i32
    scf.if %cond3A_560 {
      %mul3A_561 = arith.constant 1000 : i32
      %mul3A_562 = arith.muli %arg1, %mul3A_561 : i32
      "tpu.region"() ({
        %run_scoped3A = tpu.sem_alloc : memref<!tpu.dma_semaphore, #tpu.memory_space<semaphore_mem>>
        %dma_start3A_568 = arith.constant 0 : i32
        %dma_start3A_569 = tpu.memref_slice %arg21[%dma_start3A_568] : memref<1000xf32, #tpu.memory_space<vmem>> -> memref<1000xf32, #tpu.memory_space<vmem>>
        %dma_start3A_570 = tpu.memref_slice %arg23[%mul3A_562] : memref<10000xf32, #tpu.memory_space<vmem_shared>> -> memref<1000xf32, #tpu.memory_space<vmem_shared>>
        %dma_start3A_571 = arith.constant 0 : i32
        %dma_start3A_572 = tpu.memref_slice %arg21[%dma_start3A_571] : memref<1000xf32, #tpu.memory_space<vmem>> -> memref<1000xf32, #tpu.memory_space<vmem>>
        %dma_start3A_573 = tpu.memref_slice %arg23[%mul3A_562] : memref<10000xf32, #tpu.memory_space<vmem_shared>> -> memref<1000xf32, #tpu.memory_space<vmem_shared>>
        tpu.enqueue_dma source(%dma_start3A_573 : memref<1000xf32, #tpu.memory_space<vmem_shared>>) target(%dma_start3A_572 : memref<1000xf32, #tpu.memory_space<vmem>>) target_semaphore(%run_scoped3A : memref<!tpu.dma_semaphore, #tpu.memory_space<semaphore_mem>>)
        %dma_wait3A_574 = arith.constant 0 : i32
        %dma_wait3A_575 = tpu.memref_slice %arg21[%dma_wait3A_574] : memref<1000xf32, #tpu.memory_space<vmem>> -> memref<1000xf32, #tpu.memory_space<vmem>>
        %dma_wait3A_576 = tpu.memref_slice %arg23[%mul3A_562] : memref<10000xf32, #tpu.memory_space<vmem_shared>> -> memref<1000xf32, #tpu.memory_space<vmem_shared>>
        %dma_wait3A_577 = arith.constant 0 : i32
        %dma_wait3A_578 = tpu.memref_slice %arg21[%dma_wait3A_577] : memref<1000xf32, #tpu.memory_space<vmem>> -> memref<1000xf32, #tpu.memory_space<vmem>>
        %dma_wait3A_579 = tpu.memref_slice %arg23[%mul3A_562] : memref<10000xf32, #tpu.memory_space<vmem_shared>> -> memref<1000xf32, #tpu.memory_space<vmem_shared>>
        tpu.wait_dma2 semaphore(%run_scoped3A : memref<!tpu.dma_semaphore, #tpu.memory_space<semaphore_mem>>) src(%dma_wait3A_579 : memref<1000xf32, #tpu.memory_space<vmem_shared>>) dst(%dma_wait3A_578 : memref<1000xf32, #tpu.memory_space<vmem>>)
        tpu.yield
      }) : () -> ()
      %mul3A_563 = arith.constant 10000 : i32
      %mul3A_564 = arith.muli %arg0, %mul3A_563 : i32
      %mul3A_565 = arith.constant 1000 : i32
      %mul3A_566 = arith.muli %arg1, %mul3A_565 : i32
      %add3A_567 = arith.addi %mul3A_564, %mul3A_566 : i32
      "tpu.region"() ({
        %run_scoped3A = tpu.sem_alloc : memref<!tpu.dma_semaphore, #tpu.memory_space<semaphore_mem>>
        %dma_start3A_568 = arith.constant 0 : i32
        %dma_start3A_569 = tpu.memref_slice %arg21[%dma_start3A_568] : memref<1000xf32, #tpu.memory_space<vmem>> -> memref<1000xf32, #tpu.memory_space<vmem>>
        %dma_start3A_570 = tpu.memref_slice %arg6[%add3A_567] : memref<20000xf32, #tpu.memory_space<hbm>> -> memref<1000xf32, #tpu.memory_space<hbm>>
        %dma_start3A_571 = tpu.memref_slice %arg6[%add3A_567] : memref<20000xf32, #tpu.memory_space<hbm>> -> memref<1000xf32, #tpu.memory_space<hbm>>
        %dma_start3A_572 = arith.constant 0 : i32
        %dma_start3A_573 = tpu.memref_slice %arg21[%dma_start3A_572] : memref<1000xf32, #tpu.memory_space<vmem>> -> memref<1000xf32, #tpu.memory_space<vmem>>
        tpu.enqueue_dma source(%dma_start3A_573 : memref<1000xf32, #tpu.memory_space<vmem>>) target(%dma_start3A_571 : memref<1000xf32, #tpu.memory_space<hbm>>) target_semaphore(%run_scoped3A : memref<!tpu.dma_semaphore, #tpu.memory_space<semaphore_mem>>)
        %dma_wait3A_574 = arith.constant 0 : i32
        %dma_wait3A_575 = tpu.memref_slice %arg21[%dma_wait3A_574] : memref<1000xf32, #tpu.memory_space<vmem>> -> memref<1000xf32, #tpu.memory_space<vmem>>
        %dma_wait3A_576 = tpu.memref_slice %arg6[%add3A_567] : memref<20000xf32, #tpu.memory_space<hbm>> -> memref<1000xf32, #tpu.memory_space<hbm>>
        %dma_wait3A_577 = tpu.memref_slice %arg6[%add3A_567] : memref<20000xf32, #tpu.memory_space<hbm>> -> memref<1000xf32, #tpu.memory_space<hbm>>
        %dma_wait3A_578 = arith.constant 0 : i32
        %dma_wait3A_579 = tpu.memref_slice %arg21[%dma_wait3A_578] : memref<1000xf32, #tpu.memory_space<vmem>> -> memref<1000xf32, #tpu.memory_space<vmem>>
        tpu.wait_dma2 semaphore(%run_scoped3A : memref<!tpu.dma_semaphore, #tpu.memory_space<semaphore_mem>>) src(%dma_wait3A_579 : memref<1000xf32, #tpu.memory_space<vmem>>) dst(%dma_wait3A_577 : memref<1000xf32, #tpu.memory_space<hbm>>)
        tpu.yield
      }) : () -> ()
    } else {
    }
    return
  }
}

module attributes {stable_mosaic.version = 14 : i64} {
  func.func @body(%arg0: i32, %arg1: memref<2000x128xf32, #tpu.memory_space<vmem>>, %arg2: memref<128x128xf32, #tpu.memory_space<vmem>>, %arg3: memref<1x128xf32, #tpu.memory_space<vmem>>, %arg4: memref<2000x128xf32, #tpu.memory_space<vmem>>) attributes {dimension_semantics = [#tpu.dimension_semantics<arbitrary>], iteration_bounds = array<i64: 5>, scalar_prefetch = 0 : i64, scratch_operands = 0 : i64, tpu.core_type = #tpu.core_type<tc>, window_params = [{transform_indices = @transform_0, window_bounds = array<i64: 2000, 128>}, {pipeline_mode = #tpu.pipeline_mode<synchronous>, transform_indices = @transform_1, window_bounds = array<i64: 128, 128>}, {pipeline_mode = #tpu.pipeline_mode<synchronous>, transform_indices = @transform_2, window_bounds = array<i64: 1, 128>}, {transform_indices = @transform_3, window_bounds = array<i64: 2000, 128>}]} {
    %get3A = arith.constant 0 : index
    %get3A_0 = arith.constant 0 : index
    %get3A_1 = vector.load %arg1[%get3A, %get3A_0] : memref<2000x128xf32, #tpu.memory_space<vmem>>, vector<2000x128xf32>
    %get3A_2 = arith.constant 0 : index
    %get3A_3 = arith.constant 0 : index
    %get3A_4 = vector.load %arg2[%get3A_2, %get3A_3] : memref<128x128xf32, #tpu.memory_space<vmem>>, vector<128x128xf32>
    %dot_general3A = arith.constant dense<0.000000e+00> : vector<2000x128xf32>
    %dot_general3A_5 = tpu.matmul %get3A_1, %get3A_4, %dot_general3A {dimension_numbers = #tpu.dot_dimension_numbers<[1], [1], [0], [0], [0, 0, 1, 0], [], []>, precision = #tpu.contract_precision<fp32>, transpose_lhs_hint = false} : vector<2000x128xf32>, vector<128x128xf32>, vector<2000x128xf32> -> vector<2000x128xf32>
    %get3A_6 = arith.constant 0 : index
    %get3A_7 = arith.constant 0 : index
    %get3A_8 = vector.load %arg3[%get3A_6, %get3A_7] : memref<1x128xf32, #tpu.memory_space<vmem>>, vector<1x128xf32>
    %add3A = vector.broadcast %get3A_8 : vector<1x128xf32> to vector<2000x128xf32>
    %add3A_9 = arith.addf %dot_general3A_5, %add3A : vector<2000x128xf32>
    %swap3A = arith.constant 0 : index
    %swap3A_10 = arith.constant 0 : index
    %swap3A_11 = vector.load %arg4[%swap3A, %swap3A_10] : memref<2000x128xf32, #tpu.memory_space<vmem>>, vector<2000x128xf32>
    tpu.vector_store %arg4[%swap3A, %swap3A_10], %add3A_9 {strides = array<i32>} : memref<2000x128xf32, #tpu.memory_space<vmem>>, vector<2000x128xf32>,
    return
  }
  func.func @transform_0(%arg0: i32) -> (i32, i32) {
    %c0_i32 = arith.constant 0 : i32
    %c0_i32_0 = arith.constant 0 : i32
    return %arg0, %c0_i32 : i32, i32
  }
  func.func @transform_1(%arg0: i32) -> (i32, i32) {
    %c0_i32 = arith.constant 0 : i32
    %c0_i32_0 = arith.constant 0 : i32
    %c0_i32_1 = arith.constant 0 : i32
    return %c0_i32, %c0_i32_0 : i32, i32
  }
  func.func @transform_2(%arg0: i32) -> (i32, i32) {
    %c0_i32 = arith.constant 0 : i32
    %c0_i32_0 = arith.constant 0 : i32
    %c0_i32_1 = arith.constant 0 : i32
    return %c0_i32, %c0_i32_0 : i32, i32
  }
  func.func @transform_3(%arg0: i32) -> (i32, i32) {
    %c0_i32 = arith.constant 0 : i32
    %c0_i32_0 = arith.constant 0 : i32
    return %arg0, %c0_i32 : i32, i32
  }
}

module attributes {stable_mosaic.version = 14 : i64} {
  func.func @body(%arg0: i32, %arg1: memref<2x2000x128xf32, #tpu.memory_space<vmem>>, %arg2: memref<2x2000x1xf32, #tpu.memory_space<vmem>>, %arg3: memref<2000x128xf32, #tpu.memory_space<vmem>>, %arg4: memref<128x128xf32, #tpu.memory_space<vmem>>, %arg5: memref<2000x128xf32, #tpu.memory_space<vmem>>) attributes {dimension_semantics = [#tpu.dimension_semantics<arbitrary>], iteration_bounds = array<i64: 5>, scalar_prefetch = 0 : i64, scratch_operands = 0 : i64, tpu.core_type = #tpu.core_type<tc>, window_params = [{transform_indices = @transform_0, window_bounds = array<i64: 2, 2000, 128>}, {transform_indices = @transform_1, window_bounds = array<i64: 2, 2000, 1>}, {transform_indices = @transform_2, window_bounds = array<i64: 2000, 128>}, {pipeline_mode = #tpu.pipeline_mode<synchronous>, transform_indices = @transform_3, window_bounds = array<i64: 128, 128>}, {transform_indices = @transform_4, window_bounds = array<i64: 2000, 128>}]} {
    %get3A = arith.constant 0 : index
    %get3A_0 = arith.constant 0 : index
    %get3A_1 = arith.constant 0 : index
    %get3A_2 = vector.load %arg1[%get3A, %get3A_0, %get3A_1] : memref<2x2000x128xf32, #tpu.memory_space<vmem>>, vector<1x2000x128xf32>
    %get3A_3 = vector.shape_cast %get3A_2 : vector<1x2000x128xf32> to vector<2000x128xf32>
    %get3A_4 = arith.constant 1 : index
    %get3A_5 = arith.constant 0 : index
    %get3A_6 = arith.constant 0 : index
    %get3A_7 = vector.load %arg1[%get3A_4, %get3A_5, %get3A_6] : memref<2x2000x128xf32, #tpu.memory_space<vmem>>, vector<1x2000x128xf32>
    %get3A_8 = vector.shape_cast %get3A_7 : vector<1x2000x128xf32> to vector<2000x128xf32>
    %add3A = arith.addf %get3A_3, %get3A_8 : vector<2000x128xf32>
    %get3A_9 = arith.constant 0 : index
    %get3A_10 = arith.constant 0 : index
    %get3A_11 = arith.constant 0 : index
    %get3A_12 = vector.load %arg2[%get3A_9, %get3A_10, %get3A_11] : memref<2x2000x1xf32, #tpu.memory_space<vmem>>, vector<1x2000x1xf32>
    %get3A_13 = vector.shape_cast %get3A_12 : vector<1x2000x1xf32> to vector<2000x1xf32>
    %get3A_14 = arith.constant 1 : index
    %get3A_15 = arith.constant 0 : index
    %get3A_16 = arith.constant 0 : index
    %get3A_17 = vector.load %arg2[%get3A_14, %get3A_15, %get3A_16] : memref<2x2000x1xf32, #tpu.memory_space<vmem>>, vector<1x2000x1xf32>
    %get3A_18 = vector.shape_cast %get3A_17 : vector<1x2000x1xf32> to vector<2000x1xf32>
    %add3A_19 = arith.addf %get3A_13, %get3A_18 : vector<2000x1xf32>
    %max3A = arith.constant 1.000000e+00 : f32
    %max3A_20 = vector.broadcast %max3A : f32 to vector<2000x1xf32>
    %max3A_21 = arith.maximumf %add3A_19, %max3A_20 : vector<2000x1xf32>
    %div3A = arith.constant 1.000000e+00 : f32
    %div3A_22 = vector.broadcast %div3A : f32 to vector<2000x1xf32>
    %div3A_23 = arith.divf %div3A_22, %max3A_21 : vector<2000x1xf32>
    %mul3A = vector.broadcast %div3A_23 : vector<2000x1xf32> to vector<2000x128xf32>
    %mul3A_24 = arith.mulf %add3A, %mul3A : vector<2000x128xf32>
    %get3A_25 = arith.constant 0 : index
    %get3A_26 = arith.constant 0 : index
    %get3A_27 = vector.load %arg4[%get3A_25, %get3A_26] : memref<128x128xf32, #tpu.memory_space<vmem>>, vector<128x128xf32>
    %dot_general3A = arith.constant dense<0.000000e+00> : vector<2000x128xf32>
    %dot_general3A_28 = tpu.matmul %mul3A_24, %get3A_27, %dot_general3A {dimension_numbers = #tpu.dot_dimension_numbers<[1], [1], [0], [0], [0, 0, 1, 0], [], []>, precision = #tpu.contract_precision<fp32>, transpose_lhs_hint = false} : vector<2000x128xf32>, vector<128x128xf32>, vector<2000x128xf32> -> vector<2000x128xf32>
    %get3A_29 = arith.constant 0 : index
    %get3A_30 = arith.constant 0 : index
    %get3A_31 = vector.load %arg3[%get3A_29, %get3A_30] : memref<2000x128xf32, #tpu.memory_space<vmem>>, vector<2000x128xf32>
    %add3A_32 = arith.addf %dot_general3A_28, %get3A_31 : vector<2000x128xf32>
    %mul3A_33 = arith.mulf %add3A_32, %add3A_32 : vector<2000x128xf32>
    %reduce_sum3A = arith.constant dense<0.000000e+00> : vector<2000xf32>
    %reduce_sum3A_34 = vector.multi_reduction <add>, %mul3A_33, %reduce_sum3A [1] : vector<2000x128xf32> to vector<2000xf32>
    %broadcast_in_dim3A = vector.shape_cast %reduce_sum3A_34 : vector<2000xf32> to vector<2000x1xf32>
    %sqrt3A = math.sqrt %broadcast_in_dim3A : vector<2000x1xf32>
    %max3A_35 = arith.constant 9.99999996E-13 : f32
    %max3A_36 = vector.broadcast %max3A_35 : f32 to vector<2000x1xf32>
    %max3A_37 = arith.maximumf %sqrt3A, %max3A_36 : vector<2000x1xf32>
    %div3A_38 = vector.broadcast %max3A_37 : vector<2000x1xf32> to vector<2000x128xf32>
    %div3A_39 = arith.divf %add3A_32, %div3A_38 : vector<2000x128xf32>
    %swap3A = arith.constant 0 : index
    %swap3A_40 = arith.constant 0 : index
    %swap3A_41 = vector.load %arg5[%swap3A, %swap3A_40] : memref<2000x128xf32, #tpu.memory_space<vmem>>, vector<2000x128xf32>
    tpu.vector_store %arg5[%swap3A, %swap3A_40], %div3A_39 {strides = array<i32>} : memref<2000x128xf32, #tpu.memory_space<vmem>>, vector<2000x128xf32>,
    return
  }
  func.func @transform_0(%arg0: i32) -> (i32, i32, i32) {
    %c0_i32 = arith.constant 0 : i32
    %c0_i32_0 = arith.constant 0 : i32
    %c0_i32_1 = arith.constant 0 : i32
    return %c0_i32, %arg0, %c0_i32_0 : i32, i32, i32
  }
  func.func @transform_1(%arg0: i32) -> (i32, i32, i32) {
    %c0_i32 = arith.constant 0 : i32
    %c0_i32_0 = arith.constant 0 : i32
    %c0_i32_1 = arith.constant 0 : i32
    return %c0_i32, %arg0, %c0_i32_0 : i32, i32, i32
  }
  func.func @transform_2(%arg0: i32) -> (i32, i32) {
    %c0_i32 = arith.constant 0 : i32
    %c0_i32_0 = arith.constant 0 : i32
    return %arg0, %c0_i32 : i32, i32
  }
  func.func @transform_3(%arg0: i32) -> (i32, i32) {
    %c0_i32 = arith.constant 0 : i32
    %c0_i32_0 = arith.constant 0 : i32
    %c0_i32_1 = arith.constant 0 : i32
    return %c0_i32, %c0_i32_0 : i32, i32
  }
  func.func @transform_4(%arg0: i32) -> (i32, i32) {
    %c0_i32 = arith.constant 0 : i32
    %c0_i32_0 = arith.constant 0 : i32
    return %arg0, %c0_i32 : i32, i32
  }
}

</mosaic_0001>

<sc_bundles>
// kernel: kernel.5.cloned.1.call-start
scs
__scs_entry_jumppad:
0x0: {  	(pc) =	sbr.rel $0x88, $3  }
0x1: {  	(tag) =	ssettag $0x0;
	lr =	simm.s32 $0x1  }
0x2: {  	[smem:$0x3F9B] =	sst lr;
	_ =	strace $0xD0000000  }
0x3: {  	_ = 	snop  }
0x4: {  	_ = 	snop  }
0x5: {  	_ = 	snop  }
0x6: {  	_ = 	snop  }
0x7: {  	_ = 	snop  }
__scs_overlays_trampoline_lowered:
0x8: {  	[smem:$0x3FAA] =	sst s0  }
0x9: {  	[smem:$0x3FAB] =	sst s1  }
0xa: {  	[smem:$0x3FAC] =	sst s2  }
0xb: {  	[smem:$0x3FAD] =	sst s3  }
0xc: {  	[smem:$0x3FAE] =	sst s4  }
0xd: {  	[smem:$0x3FAF] =	sst s5  }
0xe: {  	[smem:$0x3FB0] =	sst s6  }
0xf: {  	[smem:$0x3FB1] =	sst s7  }
0x10: {  	[smem:$0x3FB2] =	sst s8  }
0x11: {  	[smem:$0x3FB3] =	sst s9;
	s0 =	simm.s32 @!p0 $0x0  }
0x12: {  	s1 =	sld [smem:$0x3F99];
	s0 =	simm.s32 @p0 $0x1  }
0x13: {  	[smem:$0x3FB4] =	sst s0;
	s0 =	simm.s32 @!p1 $0x0  }
0x14: {  	s2 =	sld [smem:$0x3F98];
	s0 =	simm.s32 @p1 $0x1  }
0x15: {  	[smem:$0x3FB5] =	sst s0;
	s0 =	simm.s32 @!p2 $0x0  }
0x16: {  	s3 =	sld [smem:$0x3FDB];
	s0 =	simm.s32 @p2 $0x1  }
0x17: {  	s4 =	simm.s32 $0x1BF5;
	[smem:$0x3FB7] =	sst s0  }
0x18: {  	s0 =	sld [smem:$0x3F9A];
	_ =	swait.ge [sflag:s4], $0x0  }
0x19: {  	s7 =	sld [smem:$0x3F9B]  }
0x1a: {  	s8 =	sadd.s32 $0xFFFFE003, lr  }
0x1b: {  	s9 =	sadd.s32 $0xFFFFFEF7, lr;
	s5 =	simm.s32 $0xFFFFFFFF;
	p2 =	slt.u32 s8, $0xFFFFF086  }
0x1c: {  	p1 =	slt.u32 s9, $0xF7A;
	s5 =	simm.s32 @!p2 $0x0  }
0x1d: {  	s5 =	simm.s32 @p1 $0x1;
	p0 =	seq.s32 s7, s2  }
0x1e: {  	s7 =	smul.u32 @!p0 $0xF7A, s2;
	p2 =	seq.s32 @!p0 s5, $0x0  }
0x1f: {  	s9 =	smul.u32 $0xF7A, s1;
	s8 =	simm.s32 @!p0 $0x1BF5;
	p2 =	por !p2, p0  }
0x20: {  	[sflag:s8] =	ssyncset.s32 @!p0 $0xFFFFF086;
	s6 =	sadd.s32 @!p0 s3, s7;
	s7 =	simm.s32 @!p0 $0x108  }
0x21: {  	s3 =	sadd.s32 s3, s9;
	s6 =	sadd.s32 @!p0 $0x88, s6;
	s7 =	simm.s32 @p2 $0x1082  }
0x22: {  	[simem:s7], [sflag:s8] =	dma.local @!p0 [hbm:s6], $0xF7A  }
0x23: {  	s9 =	sor.u32 $0xD0000000, s2;
	s6 =	simm.s32 $0x108;
	_ =	swait.ge @!p0 [sflag:s8], $0x0  }
0x24: {  	s3 =	sadd.s32 $0x88, s3;
	s6 =	simm.s32 @!p1 $0x1082;
	[sflag:s4] =	ssyncset.s32 $0xFFFFF086  }
0x25: {  	[simem:s6], [sflag:s4] =	dma.local [hbm:s3], $0xF7A  }
0x26: {  	[smem:$0x3F9B] =	sst s1;
	(tag) =	ssettag s2;
	_ =	strace s9  }
0x27: {  	s1 =	sld [smem:$0x3FAB]  }
0x28: {  	s2 =	sld [smem:$0x3FAC]  }
0x29: {  	s4 =	sld [smem:$0x3FAE]  }
0x2a: {  	p0 =	seq.s32 s5, $0x0;
	s5 =	sld [smem:$0x3FAF]  }
0x2b: {  	s6 =	sld [smem:$0x3FB0]  }
0x2c: {  	s7 =	sld [smem:$0x3FB1]  }
0x2d: {  	s3 =	simm.s32 $0x108;
	s8 =	sld [smem:$0x3FB2]  }
0x2e: {  	s3 =	simm.s32 @!p0 $0x1082;
	s9 =	sld [smem:$0x3FB3]  }
0x2f: {  	lr =	sadd.s32 s0, s3;
	s0 =	sld [smem:$0x3FAA]  }
0x30: {  	s3 =	sld [smem:$0x3FAD]  }
0x31: {  	[smem:$0x3FB6] =	sst s10  }
0x32: {  	s10 =	sld [smem:$0x3FB4];
	_ =	sdelay $0x3  }
0x33: {  	p0 =	seq.s32 s10, $0x1;
	s10 =	sld [smem:$0x3FB6];
	_ =	sdelay $0x3  }
0x34: {  	[smem:$0x3FB6] =	sst s10  }
0x35: {  	s10 =	sld [smem:$0x3FB5];
	_ =	sdelay $0x3  }
0x36: {  	p1 =	seq.s32 s10, $0x1;
	s10 =	sld [smem:$0x3FB6];
	_ =	sdelay $0x3  }
0x37: {  	[smem:$0x3FB6] =	sst s10  }
0x38: {  	s10 =	sld [smem:$0x3FB7]  }
0x39: {  	_ = 	snop;
	(pc) =	sbr.ind lr, $3  }
0x3a: {  	_ = 	snop  }
0x3b: {  	_ = 	snop  }
0x3c: {  	p2 =	seq.s32 s10, $0x1;
	s10 =	sld [smem:$0x3FB6]  }
0x3d: {  	_ =	shalt  }
0x3e: {  	_ =	shalt  }
0x3f: {  	_ =	shalt  }
0x40: {  	_ =	shalt  }
0x41: {  	_ =	shalt  }
0x42: {  	_ =	shalt  }
0x43: {  	_ =	shalt  }
0x44: {  	_ =	shalt  }
0x45: {  	_ =	shalt  }
0x46: {  	_ =	shalt  }
0x47: {  	_ =	shalt  }
0x48: {  	_ =	shalt  }
0x49: {  	_ =	shalt  }
0x4a: {  	_ =	shalt  }
0x4b: {  	_ =	shalt  }
0x4c: {  	_ =	shalt  }
0x4d: {  	_ =	shalt  }
0x4e: {  	_ =	shalt  }
0x4f: {  	_ =	shalt  }
0x50: {  	_ =	shalt  }
0x51: {  	_ =	shalt  }
0x52: {  	_ =	shalt  }
0x53: {  	_ =	shalt  }
0x54: {  	_ =	shalt  }
0x55: {  	_ =	shalt  }
0x56: {  	_ =	shalt  }
0x57: {  	_ =	shalt  }
0x58: {  	_ =	shalt  }
0x59: {  	_ =	shalt  }
0x5a: {  	_ =	shalt  }
0x5b: {  	_ =	shalt  }
0x5c: {  	_ =	shalt  }
0x5d: {  	_ =	shalt  }
0x5e: {  	_ =	shalt  }
0x5f: {  	_ =	shalt  }
0x60: {  	_ =	shalt  }
0x61: {  	_ =	shalt  }
0x62: {  	_ =	shalt  }
0x63: {  	_ =	shalt  }
0x64: {  	_ =	shalt  }
0x65: {  	_ =	shalt  }
0x66: {  	_ =	shalt  }
0x67: {  	_ =	shalt  }
0x68: {  	_ =	shalt  }
0x69: {  	_ =	shalt  }
0x6a: {  	_ =	shalt  }
0x6b: {  	_ =	shalt  }
0x6c: {  	_ =	shalt  }
0x6d: {  	_ =	shalt  }
0x6e: {  	_ =	shalt  }
0x6f: {  	_ =	shalt  }
0x70: {  	_ =	shalt  }
0x71: {  	_ =	shalt  }
0x72: {  	_ =	shalt  }
0x73: {  	_ =	shalt  }
0x74: {  	_ =	shalt  }
0x75: {  	_ =	shalt  }
0x76: {  	_ =	shalt  }
0x77: {  	_ =	shalt  }
0x78: {  	_ =	shalt  }
0x79: {  	_ =	shalt  }
0x7a: {  	_ =	shalt  }
0x7b: {  	_ =	shalt  }
0x7c: {  	_ =	shalt  }
0x7d: {  	_ =	shalt  }
0x7e: {  	_ =	shalt  }
0x7f: {  	_ =	shalt  }
0x80: {  	_ =	shalt  }
0x81: {  	_ =	shalt  }
0x82: {  	_ =	shalt  }
0x83: {  	_ =	shalt  }
0x84: {  	_ =	shalt  }
0x85: {  	_ =	shalt  }
0x86: {  	_ =	shalt  }
0x87: {  	_ =	shalt  }
.Lfunc_end0:
.L_simem_size_0:
called_computation_lowered:
.L_overlay_start_0:
0x88: {  	s2 =	sld [smem:$0x3FD9]  }
0x89: {  	s3 =	sld [smem:$0x3FFE];
	_ =	sdelay $0x1  }
0x8a: {  	s1 =	srdreg.scid  }
0x8b: {  	s0 =	sand.u32 $0x1, s1  }
0x8c: {  	s14 =	sshll.u32 s0, $0xA;
	s2 =	sadd.s32 s3, s2  }
0x8d: {  	s2 =	sadd.s32 s2, s14  }
0x8e: {  	[smem:$0x3FC2] =	sst s2  }
0x8f: {  	_ = 	snop  }
0x90: {  	s2 =	sld [smem:$0x3FD0];
	_ =	sdelay $0x2  }
0x91: {  	s4 =	simm.s32 $0xA;
	s5 =	simm.s32 $0x10;
	s15 =	sld [smem:$0x3FC9]  }
0x92: {  	[smem:s5], [sflag:s4] =	dma.local [hbm:s2], $0x1  }
0x93: {  	_ =	swait.eq [sflag:s4], $0x1  }
0x94: {  	s16 =	sld [smem:$0x10];
	[sflag:s4] =	ssyncset.done $0x0  }
0x95: {  	s17 =	sld [smem:$0x11];
	[sflag:s4] =	ssyncadd.s32 $0xFFFFFFFF  }
0x96: {  	s18 =	sld [smem:$0x12];
	(tm) =	ssettm $0x1  }
0x97: {  	s6 =	sld [smem:$0x3FFB];
	_ =	sdelay $0x3  }
0x98: {  	_ =	strace s6  }
0x99: {  	s6 =	sld [smem:$0x3FFC];
	_ =	sdelay $0x3  }
0x9a: {  	_ =	strace s6  }
0x9b: {  	s6 =	sld [smem:$0x3FFD];
	_ =	sdelay $0x3  }
0x9c: {  	_ =	strace s6  }
0x9d: {  	_ =	strace $0x8FFFFFFF  }
0x9e: {  	s19 =	sld [smem:$0x3FDB];
	_ =	sdelay $0x1  }
0x9f: {  	s7 =	simm.s32 $_scs_section_size  }
0xa0: {  	s8 =	simm.s32 $_size__tile_overlayer_lowered;
	s9 =	simm.s32 $_tile_overlayer_lowered  }
0xa1: {  	s22 =	simm.s32 $0x1BFF;
	s21 =	sshll.u32 s9, $0x1;
	s6 =	sadd.s32 s7, s19  }
0xa2: {  	s10 =	simm.s32 $0x0;
	s20 =	sshll.u32 s8, $0x1;
	s8 =	sadd.s32 s21, s6  }
0xa3: {  	[timem:s10], [sflag:s22] =	dma.local [hbm:s8], s20  }
0xa4: {  	_ =	swait.ge [sflag:s22], s20  }
0xa5: {  	s7 =	ssub.s32 $0x0, s20;
	[sflag:s22] =	ssyncset.done $0x0  }
0xa6: {  	[sflag:s22] =	ssyncadd.s32 s7;
	_ =	sdelay $0x1  }
0xa7: {  	s23 =	simm.s32 $0x1B8B  }
0xa8: {  	_ =	swait.ge [sflag:s23], $0x1  }
0xa9: {  	[sflag:s23] =	ssyncset.done $0x0  }
0xaa: {  	s25 =	simm.s32 $0x1B8E;
	s24 =	sld [smem:$0x3FFE];
	[sflag:s23] =	ssyncadd.s32 $0xFFFFFFFF  }
0xab: {  	s26 =	simm.s32 $execute0_lowered;
	[smem:$0x3FD2] =	sst s25  }
0xac: {  	s8 =	sshll.u32 s26, $0x1;
	_ =	strace $0x80000046;
	[dreg:$0x1] =	wrdreg $0xFFFFFFFF  }
0xad: {  	s28 =	simm.s32 $_size_execute0_lowered;
	s6 =	sadd.s32 s6, s8;
	[dreg:$0x0] =	wrdreg $0x0  }
0xae: {  	s8 =	sshll.u32 s28, $0x1;
	[dreg:$0x2] =	wrdreg s6  }
0xaf: {  	[dreg:$0x3] =	wrdreg s8  }
0xb0: {  	[dreg:$0x4] =	wrdreg $0xC0  }
0xb1: {  	_ =	task [dreg:s10], $0x5FFFF  }
0xb2: {  	[dreg:$0x1] =	wrdreg $0xFFFFFFFF  }
0xb3: {  	[dreg:$0x0] =	wrdreg $0x60  }
0xb4: {  	[dreg:$0x2] =	wrdreg s15  }
0xb5: {  	[dreg:$0x3] =	wrdreg s18  }
0xb6: {  	[dreg:$0x4] =	wrdreg s17  }
0xb7: {  	[dreg:$0x5] =	wrdreg s24  }
0xb8: {  	[dreg:$0x6] =	wrdreg s16  }
0xb9: {  	[dreg:$0x7] =	wrdreg $0xC0000  }
0xba: {  	[dreg:$0x8] =	wrdreg $0x1F8800  }
0xbb: {  	[dreg:$0x9] =	wrdreg $0x9  }
0xbc: {  	_ =	task.clear_ibuf [dreg:s10], $0xAFFFF;
	_ =	strace $0x90000046  }
0xbd: {  	s29 =	simm.s32 $0x9;
	_ =	strace $0x80000048  }
0xbe: {  	_ =	swait.ge [sflag:s29], $0x1  }
0xbf: {  	[sflag:s29] =	ssyncadd.s32 $0xFFFFFFFF  }
0xc0: {  	_ =	strace $0x90000048  }
0xc1: {  	_ =	sfence  }
0xc2: {  	s30 =	sld [smem:$0x0];
	_ =	sdelay $0x2  }
0xc3: {  	s31 =	sshll.u32 s1, $0xD;
	s1 =	sshrl.u32 s1, $0x2  }
0xc4: {  	s3 =	sand.u32 $0x4000, s31;
	s1 =	sadd.s32 s1, s30  }
0xc5: {  	s0 =	sor.u32 s3, s0;
	s1 =	sshll.u32 s1, $0x11  }
0xc6: {  	s0 =	sor.u32 s1, s0  }
0xc7: {  	s0 =	sadd.s32 $0x8F2B, s0  }
0xc8: {  	[sflag:s0] =	ssyncadd.remote.s32 $0x1  }
0xc9: {  	_ =	sfence.sel $0xFFFF  }
0xca: {  	[dreg:$0x0] =	wrdreg $0xFFFFFFFF;
	(pc) =	sbr.abs _section_cstart, $3  }
0xcb: {  	[dreg:$0x1] =	wrdreg $0xFFFFFFFF  }
0xcc: {  	_ =	task.clear_ibuf [dreg:s10], $0x2FFFF;
	_ =	strace $0x9FFFFFFF  }
0xcd: {  	(tm) =	ssettm $0x7FFFFFFF  }
tec
execute0_lowered:
.L_overlay_start_1:
0x0: {  	(tag) =	ssettag $0x1  }
0x1: {  	s0 =	rddreg [dreg:$0x0]  }
0x2: {  	s1 =	rddreg [dreg:$0x1]  }
0x3: {  	s3 =	rddreg [dreg:$0x2]  }
0x4: {  	s2 =	rddreg [dreg:$0x3]  }
0x5: {  	s9 =	rddreg [dreg:$0x4]  }
0x6: {  	s4 =	rddreg [dreg:$0x5]  }
0x7: {  	s5 =	rddreg [dreg:$0x6];
	s6 =	simm.s32 $0x0;
	s8 =	srdreg.scid  }
0x8: {  	s7 =	stileid.u32;
	s28 =	simm.s32 $0xB600;
	s29 =	simm.s32 $0xB300  }
0x9: {  	s30 =	simm.s32 $0xB700;
	[smem:$0x7FF] =	sst s6;
	s11 =	smul.u32 $0x13800, s7  }
0xa: {  	s10 =	sand.u32 $0x1, s8;
	s12 =	sadd.s32 $0x1A00, s2;
	s21 =	smul.u32 $0x2710, s7  }
0xb: {  	p0 =	sne.s32 s7, $0x0;
	p1 =	sgt.u32 s7, $0x9;
	s8 =	ssub.s32 $0x2, s10  }
0xc: {  	_ =	strace $0x80000047;
	s13 =	smul.u32 $0x138800, s10;
	s17 =	sshrl.u32 s8, $0x1  }
0xd: {  	s14 =	sadd.s32 $0x3400, s11;
	s15 =	sadd.s32 $0x6800, s11;
	s16 =	sadd.s32 $0x9C00, s11  }
0xe: {  	s2 =	ssub.s32 s8, s17;
	s17 =	sadd.s32 $0xD000, s11;
	s18 =	sadd.s32 s11, s13  }
0xf: {  	s11 =	sadd.s32 $0x10400, s11;
	s19 =	sadd.s32 s13, s14;
	s20 =	sadd.s32 s13, s15  }
0x10: {  	s24 =	sadd.s32 s13, s16;
	s8 =	sshrl.u32 s18, $0x3;
	s18 =	smul.u32 $0x27100, s10  }
0x11: {  	s19 =	sshrl.u32 s19, $0x3;
	s22 =	sshrl.u32 s20, $0x3;
	s2 =	smax.u32 s2, $0x1  }
0x12: {  	s25 =	sadd.s32 s13, s17;
	s8 =	sadd.s32 s12, s8;
	[smem:$0x7FB] =	sst s2  }
0x13: {  	s23 =	sadd.s32 s12, s22;
	s22 =	sadd.s32 s13, s11;
	[dreg:$0xe] =	wrdreg s8  }
0x14: {  	s13 =	sshrl.u32 s13, $0x3;
	s8 =	sadd.s32 s12, s19;
	[dreg:$0x10] =	wrdreg s23  }
0x15: {  	s19 =	sshrl.u32 s25, $0x3;
	s25 =	smul.u32 $0x2710, s10;
	[dreg:$0xf] =	wrdreg s8  }
0x16: {  	s8 =	sadd.s32 s21, s18;
	s18 =	sshrl.u32 s24, $0x3;
	s19 =	sadd.s32 s12, s19  }
0x17: {  	s26 =	sadd.s32 $0x4D0, s8;
	s18 =	sadd.s32 s12, s18;
	[dreg:$0x12] =	wrdreg s19  }
0x18: {  	s19 =	smul.u32 $0x3E8, s7;
	s24 =	sadd.s32 $0x420, s8;
	s20 =	sshrl.u32 s26, $0x3  }
0x19: {  	[dreg:$0x11] =	wrdreg s18;
	s18 =	sshrl.u32 s22, $0x3;
	s21 =	sadd.s32 s20, s3  }
0x1a: {  	s23 =	sadd.s32 s20, s1;
	s20 =	sshrl.u32 s24, $0x3;
	[dreg:$0x8] =	wrdreg s21  }
0x1b: {  	s18 =	sadd.s32 s12, s18;
	s12 =	sadd.s32 s12, s13;
	[dreg:$0x9] =	wrdreg s23  }
0x1c: {  	[dreg:$0x13] =	wrdreg s18;
	s26 =	sadd.s32 s20, s3;
	s21 =	sadd.s32 s19, s25  }
0x1d: {  	s22 =	sadd.s32 s20, s1;
	s23 =	sadd.s32 $0x370, s8;
	[dreg:$0xa] =	wrdreg s26  }
0x1e: {  	s13 =	sshrl.u32 s21, $0x3;
	[dreg:$0xb] =	wrdreg s22;
	s22 =	sadd.s32 s14, s4  }
0x1f: {  	s24 =	sshrl.u32 s23, $0x3;
	s23 =	sadd.s32 s15, s4;
	[dreg:$0x16] =	wrdreg s22  }
0x20: {  	s25 =	smul.u32 $0x4E000, s7;
	s9 =	sadd.s32 s9, s13;
	[dreg:$0x17] =	wrdreg s23  }
0x21: {  	s10 =	sshll.u32 s10, $0x4;
	s26 =	sadd.s32 s24, s3;
	[dreg:$0x14] =	wrdreg s9  }
0x22: {  	s21 =	sshrl.u32 s25, $0x2;
	s25 =	sadd.s32 s17, s4;
	[dreg:$0xc] =	wrdreg s26  }
0x23: {  	s10 =	sor.u32 s7, s10;
	s23 =	sadd.s32 $0x27000, s12;
	[dreg:$0x19] =	wrdreg s25  }
0x24: {  	s20 =	smul.u32 $0x2710, s10;
	s9 =	sadd.s32 s24, s1;
	[smem:$0x7F9] =	sst s23  }
0x25: {  	s7 =	smul.u32 $0xFA0, s7;
	s10 =	sadd.s32 s21, s4;
	[dreg:$0xd] =	wrdreg s9  }
0x26: {  	s31 =	simm.s32 $0x1;
	s24 =	sadd.s32 s16, s4;
	[dreg:$0x15] =	wrdreg s10  }
0x27: {  	s7 =	sshrl.u32 s7, $0x2;
	s26 =	sadd.s32 s11, s4;
	[dreg:$0x18] =	wrdreg s24  }
0x28: {  	s2 =	simm.s32 $0xBA00;
	s7 =	sadd.s32 s7, s5;
	[dreg:$0x1a] =	wrdreg s26  }
0x29: {  	s12 =	simm.s32 $0xB400;
	s25 =	sadd.s32 $0x2C0, s8;
	[dreg:$0x1b] =	wrdreg s7  }
0x2a: {  	s23 =	simm.s32 $0xB0;
	s24 =	sadd.s32 s19, s5;
	[smem:$0x7FC] =	sst s25  }
0x2b: {  	s9 =	sshrl.u32 s20, $0x3;
	s26 =	sadd.s32 $0x138000, s4;
	[smem:$0x7FA] =	sst s24  }
0x2c: {  	s25 =	simm.s32 $0x5800;
	s20 =	sadd.s32 s1, s9;
	[smem:$0x7FD] =	sst s26  }
0x2d: {  	s11 =	sadd.s32 $0x16, s9;
	s21 =	sadd.s32 s3, s9;
	[smem:$0x7F5] =	sst s20  }
0x2e: {  	s14 =	sadd.s32 $0x2C, s9;
	s13 =	sadd.s32 s1, s11;
	[smem:$0x7F6] =	sst s21  }
0x2f: {  	s16 =	sadd.s32 $0x42, s9;
	s10 =	sadd.s32 s3, s11;
	[dreg:$0x1c] =	wrdreg s13  }
0x30: {  	s22 =	sadd.s32 $0x4D0, s9;
	s15 =	sadd.s32 s1, s14;
	[dreg:$0x1d] =	wrdreg s10  }
0x31: {  	s24 =	simm.s32 $0x4;
	s7 =	sadd.s32 s3, s14;
	[dreg:$0x1e] =	wrdreg s15  }
0x32: {  	s26 =	simm.s32 $0xB200;
	s17 =	sadd.s32 s1, s16;
	[dreg:$0x1f] =	wrdreg s7  }
0x33: {  	s18 =	sadd.s32 s3, s16;
	s9 =	sadd.s32 s1, s22;
	[smem:$0x7F3] =	sst s17  }
0x34: {  	s11 =	simm.s32 $0xB000;
	s21 =	simm.s32 $0xB500;
	[smem:$0x7F4] =	sst s18  }
0x35: {  	s20 =	simm.s32 $0x5;
	s14 =	simm.s32 $0x8;
	[smem:$0x7F7] =	sst s9  }
0x36: {  	s7 =	sadd.s32 s3, s22;
	s10 =	simm.s32 $0x7;
	s13 =	simm.s32 $0xB100  }
0x37: {  	s22 =	simm.s32 $0x3;
	s9 =	simm.s32 $0x6;
	s15 =	simm.s32 $0x9  }
0x38: {  	v0 =	vimm.f32 $0.0e+00;
	v1 =	vimm.f32 $1.000000000e+00;
	s17 =	simm.s32 $0x0;
	[smem:$0x7F8] =	sst s7;
	s7 =	simm.s32 $0x2  }
.LBB2_1:
0x39: {  	[smem:$0x7F2] =	sst s17;
	s17 =	simm.s32 $0x0;
	s18 =	simm.s32 $0x200  }
.LBB2_2:
0x3a: {  	p2 =	sne.s32 s18, $0xCE00;
	[tilespmem:s17+$0x70] =	vst v0  }
0x3b: {  	[tilespmem:s17+$0x0] =	vst v0  }
0x3c: {  	[tilespmem:s17+$0x10] =	vst v0  }
.Ltmp0:
0x3d: {  	[tilespmem:s17+$0x20] =	vst v0;
	(pc) =	sbr.rel @p2 .LBB2_2-.Ltmp0, $4  }
0x3e: {  	[tilespmem:s17+$0x30] =	vst v0  }
0x3f: {  	[tilespmem:s17+$0x40] =	vst v0  }
0x40: {  	[tilespmem:s17+$0x50] =	vst v0  }
0x41: {  	[tilespmem:s17+$0x60] =	vst v0;
	s17 =	sshra.s32 s18, $0x2;
	s18 =	sadd.s32 $0x200, s18  }
0x42: {  	[tilespmem:s17+$0x70] =	vst v0  }
0x43: {  	[tilespmem:s17+$0x0] =	vst v0  }
0x44: {  	[tilespmem:s17+$0x10] =	vst v0  }
0x45: {  	[tilespmem:s17+$0x20] =	vst v0  }
0x46: {  	[tilespmem:s17+$0x30] =	vst v0  }
0x47: {  	[tilespmem:s17+$0x40] =	vst v0  }
0x48: {  	[tilespmem:s17+$0x50] =	vst v0  }
0x49: {  	[tilespmem:s17+$0x60] =	vst v0;
	s17 =	simm.s32 $0x40;
	s18 =	simm.s32 $0x0  }
.LBB2_4:
0x4a: {  	p2 =	sne.s32 s17, $0xF40;
	[tilespmem:s18+$0xBC00] =	vst v0;
	s18 =	smov.u32 s17;
	s17 =	sadd.s32 $0x40, s17  }
.Ltmp1:
0x4b: {  	(pc) =	sbr.rel @p2 .LBB2_4-.Ltmp1, $2  }
0x4c: {  	_ =	sdelay $0x2  }
0x4d: {  	s18 =	sshra.s32 s18, $0x2  }
0x4e: {  	[tilespmem:s18+$0xBC00] =	vst v0  }
0x4f: {  	s8 =	rddreg [dreg:$0x15];
	[tilespmem:$0xBFD8] =	vst v0  }
0x50: {  	[spmem:s8] =	stream.linear.scatter [tilespmem:s6], [sflag:$0x7], $0x3400, $0x38;
	[tilespmem:$0x1FAF8] =	vst v63  }
0x51: {  	s19 =	rddreg [dreg:$0x16]  }
0x52: {  	[spmem:s19] =	stream.linear.scatter [tilespmem:s6], [sflag:$0x7], $0x3400, $0x38;
	[tilespmem:$0x1FAF8] =	vst v63  }
0x53: {  	s16 =	rddreg [dreg:$0x17]  }
0x54: {  	[spmem:s16] =	stream.linear.scatter [tilespmem:s6], [sflag:$0x7], $0x3400, $0x38;
	[tilespmem:$0x1FAF8] =	vst v63  }
0x55: {  	s17 =	rddreg [dreg:$0x18]  }
0x56: {  	[spmem:s17] =	stream.linear.scatter [tilespmem:s6], [sflag:$0x7], $0x3400, $0x38;
	[tilespmem:$0x1FAF8] =	vst v63  }
.Ltmp2:
0x57: {  	_ = 	snop;
	(pc) =	sbr.rel @!p0 .LBB2_6-.Ltmp2, $4  }
0x58: {  	s18 =	rddreg [dreg:$0x19]  }
0x59: {  	[spmem:s18] =	stream.linear.scatter [tilespmem:s6], [sflag:$0x7], $0x3400, $0x38;
	[tilespmem:$0x1FAF8] =	vst v63  }
0x5a: {  	s19 =	rddreg [dreg:$0x1a]  }
0x5b: {  	[spmem:s19] =	stream.linear.scatter [tilespmem:s6], [sflag:$0x7], $0x3400, $0x38;
	[tilespmem:$0x1FAF8] =	vst v63  }
.Ltmp3:
0x5c: {  	(pc) =	sbr.rel @p1 .LBB2_9-.Ltmp3, $4  }
.Ltmp4:
0x5d: {  	(pc) =	sbr.rel @!p1 .LBB2_8-.Ltmp4, $4  }
0x5e: {  	_ = 	snop  }
0x5f: {  	_ = 	snop  }
0x60: {  	p2 =	por $0x0, $0x0  }
0x61: {  	_ = 	snop  }
.LBB2_6:
0x62: {  	s8 =	sld [smem:$0x7FD];
	_ =	sdelay $0x2  }
0x63: {  	[spmem:s8] =	stream.linear.scatter [tilespmem:s6], [sflag:$0x8], $0x800, $0x38;
	[tilespmem:$0x1FAF8] =	vst v63  }
.LBB2_8:
0x64: {  	s8 =	rddreg [dreg:$0x1b];
	s16 =	simm.s32 $0xBC00;
	p2 =	por $0x1, $0x1  }
0x65: {  	[spmem:s8] =	stream.linear.scatter [tilespmem:s16], [sflag:$0x8], $0x3E8, $0x38;
	[tilespmem:$0x1FAF8] =	vst v63  }
.LBB2_9:
0x66: {  	[tilespmem:$0xBA00] =	vst v1  }
0x67: {  	[tilespmem:$0xBA10] =	vst v1  }
0x68: {  	[tilespmem:$0xBA20] =	vst v1  }
0x69: {  	[tilespmem:$0xBA30] =	vst v1  }
0x6a: {  	[tilespmem:$0xBA40] =	vst v1  }
0x6b: {  	[tilespmem:$0xBA50] =	vst v1  }
0x6c: {  	[tilespmem:$0xBA60] =	vst v1  }
0x6d: {  	[tilespmem:$0xBA70] =	vst v1  }
0x6e: {  	[tilespmem:$0xBA80] =	vst v1  }
0x6f: {  	[tilespmem:$0xBA90] =	vst v1  }
0x70: {  	[tilespmem:$0xBAA0] =	vst v1  }
0x71: {  	[tilespmem:$0xBB00] =	vst v1  }
0x72: {  	[tilespmem:$0xBB10] =	vst v1  }
0x73: {  	[tilespmem:$0xBB20] =	vst v1  }
0x74: {  	[tilespmem:$0xBB30] =	vst v1  }
0x75: {  	[tilespmem:$0xBB40] =	vst v1  }
0x76: {  	[tilespmem:$0xBB50] =	vst v1  }
0x77: {  	[tilespmem:$0xBB60] =	vst v1  }
0x78: {  	[tilespmem:$0xBB70] =	vst v1  }
0x79: {  	[tilespmem:$0xBB80] =	vst v1  }
0x7a: {  	_ =	swait.ge [sflag:s10], $0x3400  }
0x7b: {  	[sflag:s10] =	ssyncset.done $0x0  }
0x7c: {  	[sflag:s10] =	ssyncadd.s32 $0xFFFFCC00  }
0x7d: {  	_ =	swait.ge [sflag:s10], $0x3400  }
0x7e: {  	[sflag:s10] =	ssyncset.done $0x0  }
0x7f: {  	[sflag:s10] =	ssyncadd.s32 $0xFFFFCC00  }
0x80: {  	_ =	swait.ge [sflag:s10], $0x3400  }
0x81: {  	[sflag:s10] =	ssyncset.done $0x0  }
0x82: {  	[sflag:s10] =	ssyncadd.s32 $0xFFFFCC00  }
0x83: {  	_ =	swait.ge [sflag:s10], $0x3400  }
0x84: {  	[sflag:s10] =	ssyncset.done $0x0  }
0x85: {  	[sflag:s10] =	ssyncadd.s32 $0xFFFFCC00  }
0x86: {  	_ =	swait.ge [sflag:s10], $0x3400  }
0x87: {  	[sflag:s10] =	ssyncset.done $0x0  }
0x88: {  	[sflag:s10] =	ssyncadd.s32 $0xFFFFCC00  }
0x89: {  	_ =	swait.ge [sflag:s10], $0x3400  }
0x8a: {  	[sflag:s10] =	ssyncset.done $0x0  }
0x8b: {  	s17 =	simm.s32 @!p0 $0x8;
	[sflag:s10] =	ssyncadd.s32 $0xFFFFCC00  }
0x8c: {  	_ =	swait.ge @!p0 [sflag:s17], $0x800  }
0x8d: {  	[sflag:s17] =	ssyncset.done @!p0 $0x0  }
0x8e: {  	[sflag:s17] =	ssyncadd.s32 @!p0 $0xFFFFF800;
	s17 =	simm.s32 @p2 $0x8  }
0x8f: {  	_ =	swait.ge @p2 [sflag:s17], $0x3E8  }
0x90: {  	[sflag:s17] =	ssyncset.done @p2 $0x0  }
0x91: {  	[sflag:s17] =	ssyncadd.s32 @p2 $0xFFFFFC18  }
0x92: {  	[bflag:$0x0] =	sbarrier.arrive $0xFFFF  }
0x93: {  	s8 =	sld [smem:$0x7F5];
	_ =	sdelay $0x1  }
0x94: {  	s17 =	simm.s32 $0x0;
	s19 =	sld [smem:$0x7F6]  }
0x95: {  	[tilespmem:s11], [sflag:$0x3] =	stream.linear.gather [hbm4b:s8+s17], $0xB0, $0x38;
	[tilespmem:$0x1FAF8] =	vst v63  }
0x96: {  	_ = 	snop  }
0x97: {  	[tilespmem:s12], [sflag:$0x3] =	stream.linear.gather [hbm4b:s19+s17], $0xB0, $0x38;
	[tilespmem:$0x1FAF8] =	vst v63  }
0x98: {  	s16 =	rddreg [dreg:$0x1c]  }
0x99: {  	[tilespmem:s13], [sflag:$0x4] =	stream.linear.gather [hbm4b:s16+s17], $0xB0, $0x38;
	[tilespmem:$0x1FAF8] =	vst v63  }
0x9a: {  	s18 =	rddreg [dreg:$0x1d]  }
0x9b: {  	[tilespmem:s21], [sflag:$0x4] =	stream.linear.gather [hbm4b:s18+s17], $0xB0, $0x38;
	[tilespmem:$0x1FAF8] =	vst v63  }
0x9c: {  	_ =	swait.ge [sflag:s22], $0xB0  }
0x9d: {  	[sflag:s22] =	ssyncset.done $0x0  }
0x9e: {  	[sflag:s22] =	ssyncadd.s32 $0xFFFFFF50  }
0x9f: {  	_ =	swait.ge [sflag:s22], $0xB0  }
0xa0: {  	[sflag:s22] =	ssyncset.done $0x0  }
0xa1: {  	[sflag:s22] =	ssyncadd.s32 $0xFFFFFF50  }
0xa2: {  	[tilespmem:s17], [sflag:$0x1] =	stream.indirect.gather [hbm4b:s0+s23], $0x80, s11, s23, $0xb8;
	[tilespmem:$0x1FAF8] =	vst v63  }
0xa3: {  	_ =	swait.ge [sflag:s24], $0xB0  }
0xa4: {  	[sflag:s24] =	ssyncset.done $0x0  }
0xa5: {  	[sflag:s24] =	ssyncadd.s32 $0xFFFFFF50  }
0xa6: {  	_ =	swait.ge [sflag:s24], $0xB0  }
0xa7: {  	[sflag:s24] =	ssyncset.done $0x0  }
0xa8: {  	s19 =	rddreg [dreg:$0x1e];
	[sflag:s24] =	ssyncadd.s32 $0xFFFFFF50  }
0xa9: {  	[tilespmem:s25], [sflag:$0x2] =	stream.indirect.gather [hbm4b:s0+s23], $0x80, s13, s23, $0xb8;
	[tilespmem:$0x1FAF8] =	vst v63  }
0xaa: {  	s16 =	rddreg [dreg:$0x1f]  }
0xab: {  	[tilespmem:s26], [sflag:$0x5] =	stream.linear.gather [hbm4b:s19+s17], $0xB0, $0x38;
	[tilespmem:$0x1FAF8] =	vst v63  }
0xac: {  	s18 =	sld [smem:$0x7F3]  }
0xad: {  	[tilespmem:s28], [sflag:$0x5] =	stream.linear.gather [hbm4b:s16+s17], $0xB0, $0x38;
	[tilespmem:$0x1FAF8] =	vst v63  }
0xae: {  	s19 =	sld [smem:$0x7F4]  }
0xaf: {  	[tilespmem:s29], [sflag:$0x6] =	stream.linear.gather [hbm4b:s18+s17], $0xB0, $0x38;
	[tilespmem:$0x1FAF8] =	vst v63  }
0xb0: {  	_ = 	snop  }
0xb1: {  	[tilespmem:s30], [sflag:$0x6] =	stream.linear.gather [hbm4b:s19+s17], $0xB0, $0x38;
	[tilespmem:$0x1FAF8] =	vst v63  }
0xb2: {  	_ =	swait.ge [sflag:s31], $0x5800  }
0xb3: {  	[sflag:s31] =	ssyncset.done $0x0  }
0xb4: {  	[sflag:s31] =	ssyncadd.s32 $0xFFFFA800  }
0xb5: {  	[spmem:s4] =	stream.indirect.scatter.add.f32 [tilespmem:s6], [sflag:$0x7], $0x80, s12, s23, $0xb8;
	[tilespmem:$0x1FAF8] =	vst v63  }
0xb6: {  	_ = 	snop  }
0xb7: {  	[spmem:s5] =	stream.indirect.scatter.add.f32 [tilespmem:s2], [sflag:$0x7], $0x1, s12, s23, $0xb8;
	[tilespmem:$0x1FAF8] =	vst v63  }
0xb8: {  	_ =	swait.ge [sflag:s20], $0xB0  }
0xb9: {  	[sflag:s20] =	ssyncset.done $0x0  }
0xba: {  	[sflag:s20] =	ssyncadd.s32 $0xFFFFFF50  }
0xbb: {  	_ =	swait.ge [sflag:s20], $0xB0  }
0xbc: {  	[sflag:s20] =	ssyncset.done $0x0  }
0xbd: {  	[sflag:s20] =	ssyncadd.s32 $0xFFFFFF50  }
0xbe: {  	_ =	swait.ge [sflag:s10], $0x5800  }
0xbf: {  	[sflag:s10] =	ssyncset.done $0x0  }
0xc0: {  	[sflag:s10] =	ssyncadd.s32 $0xFFFFA800  }
0xc1: {  	_ =	swait.ge [sflag:s10], $0xB0  }
0xc2: {  	[sflag:s10] =	ssyncset.done $0x0;
	s8 =	sld [smem:$0x7FC]  }
0xc3: {  	[sflag:s10] =	ssyncadd.s32 $0xFFFFFF50  }
0xc4: {  	[tilespmem:s6], [sflag:$0x1] =	stream.indirect.gather [hbm4b:s0+s23], $0x80, s26, s23, $0xb8;
	[tilespmem:$0x1FAF8] =	vst v63  }
0xc5: {  	s16 =	sshrl.u32 s8, $0x3  }
0xc6: {  	s18 =	sadd.s32 s1, s16  }
0xc7: {  	[tilespmem:s11], [sflag:$0x3] =	stream.linear.gather [hbm4b:s18+s6], $0xB0, $0x38;
	[tilespmem:$0x1FAF8] =	vst v63  }
0xc8: {  	s17 =	sadd.s32 s3, s16  }
0xc9: {  	[tilespmem:s12], [sflag:$0x3] =	stream.linear.gather [hbm4b:s17+s6], $0xB0, $0x38;
	[tilespmem:$0x1FAF8] =	vst v63  }
0xca: {  	_ =	swait.ge [sflag:s7], $0x5800  }
0xcb: {  	[sflag:s7] =	ssyncset.done $0x0  }
0xcc: {  	[sflag:s7] =	ssyncadd.s32 $0xFFFFA800  }
0xcd: {  	[spmem:s4] =	stream.indirect.scatter.add.f32 [tilespmem:s25], [sflag:$0x8], $0x80, s21, s23, $0xb8;
	[tilespmem:$0x1FAF8] =	vst v63  }
0xce: {  	_ = 	snop  }
0xcf: {  	[spmem:s5] =	stream.indirect.scatter.add.f32 [tilespmem:s2], [sflag:$0x8], $0x1, s21, s23, $0xb8;
	[tilespmem:$0x1FAF8] =	vst v63  }
0xd0: {  	_ =	swait.ge [sflag:s9], $0xB0  }
0xd1: {  	[sflag:s9] =	ssyncset.done $0x0  }
0xd2: {  	[sflag:s9] =	ssyncadd.s32 $0xFFFFFF50  }
0xd3: {  	_ =	swait.ge [sflag:s9], $0xB0  }
0xd4: {  	[sflag:s9] =	ssyncset.done $0x0  }
0xd5: {  	[sflag:s9] =	ssyncadd.s32 $0xFFFFFF50  }
0xd6: {  	_ =	swait.ge [sflag:s14], $0x5800  }
0xd7: {  	[sflag:s14] =	ssyncset.done $0x0  }
0xd8: {  	[sflag:s14] =	ssyncadd.s32 $0xFFFFA800  }
0xd9: {  	_ =	swait.ge [sflag:s14], $0xB0  }
0xda: {  	[sflag:s14] =	ssyncset.done $0x0  }
0xdb: {  	s18 =	rddreg [dreg:$0xd];
	[sflag:s14] =	ssyncadd.s32 $0xFFFFFF50  }
0xdc: {  	[tilespmem:s25], [sflag:$0x2] =	stream.indirect.gather [hbm4b:s0+s23], $0x80, s29, s23, $0xb8;
	[tilespmem:$0x1FAF8] =	vst v63  }
0xdd: {  	s19 =	rddreg [dreg:$0xc];
	s17 =	sadd.s32 $0x0, s18  }
0xde: {  	[tilespmem:s13], [sflag:$0x4] =	stream.linear.gather [hbm4b:s17+s6], $0xB0, $0x38;
	[tilespmem:$0x1FAF8] =	vst v63  }
0xdf: {  	s16 =	sadd.s32 $0x0, s19  }
0xe0: {  	[tilespmem:s21], [sflag:$0x4] =	stream.linear.gather [hbm4b:s16+s6], $0xB0, $0x38;
	[tilespmem:$0x1FAF8] =	vst v63  }
0xe1: {  	_ =	swait.ge [sflag:s31], $0x5800  }
0xe2: {  	[sflag:s31] =	ssyncset.done $0x0  }
0xe3: {  	[sflag:s31] =	ssyncadd.s32 $0xFFFFA800  }
0xe4: {  	[spmem:s4] =	stream.indirect.scatter.add.f32 [tilespmem:s6], [sflag:$0x7], $0x80, s28, s23, $0xb8;
	[tilespmem:$0x1FAF8] =	vst v63  }
0xe5: {  	_ = 	snop  }
0xe6: {  	[spmem:s5] =	stream.indirect.scatter.add.f32 [tilespmem:s2], [sflag:$0x7], $0x1, s28, s23, $0xb8;
	[tilespmem:$0x1FAF8] =	vst v63  }
0xe7: {  	_ =	swait.ge [sflag:s22], $0xB0  }
0xe8: {  	[sflag:s22] =	ssyncset.done $0x0  }
0xe9: {  	[sflag:s22] =	ssyncadd.s32 $0xFFFFFF50  }
0xea: {  	_ =	swait.ge [sflag:s22], $0xB0  }
0xeb: {  	[sflag:s22] =	ssyncset.done $0x0  }
0xec: {  	[sflag:s22] =	ssyncadd.s32 $0xFFFFFF50  }
0xed: {  	_ =	swait.ge [sflag:s10], $0x5800  }
0xee: {  	[sflag:s10] =	ssyncset.done $0x0  }
0xef: {  	[sflag:s10] =	ssyncadd.s32 $0xFFFFA800  }
0xf0: {  	_ =	swait.ge [sflag:s10], $0xB0  }
0xf1: {  	[sflag:s10] =	ssyncset.done $0x0  }
0xf2: {  	s18 =	rddreg [dreg:$0xb];
	[sflag:s10] =	ssyncadd.s32 $0xFFFFFF50  }
0xf3: {  	[tilespmem:s6], [sflag:$0x1] =	stream.indirect.gather [hbm4b:s0+s23], $0x80, s11, s23, $0xb8;
	[tilespmem:$0x1FAF8] =	vst v63  }
0xf4: {  	s19 =	rddreg [dreg:$0xa];
	s17 =	sadd.s32 $0x0, s18  }
0xf5: {  	[tilespmem:s26], [sflag:$0x5] =	stream.linear.gather [hbm4b:s17+s6], $0xB0, $0x38;
	[tilespmem:$0x1FAF8] =	vst v63  }
0xf6: {  	s16 =	sadd.s32 $0x0, s19  }
0xf7: {  	[tilespmem:s28], [sflag:$0x5] =	stream.linear.gather [hbm4b:s16+s6], $0xB0, $0x38;
	[tilespmem:$0x1FAF8] =	vst v63  }
0xf8: {  	_ =	swait.ge [sflag:s7], $0x5800  }
0xf9: {  	[sflag:s7] =	ssyncset.done $0x0  }
0xfa: {  	[sflag:s7] =	ssyncadd.s32 $0xFFFFA800  }
0xfb: {  	[spmem:s4] =	stream.indirect.scatter.add.f32 [tilespmem:s25], [sflag:$0x8], $0x80, s30, s23, $0xb8;
	[tilespmem:$0x1FAF8] =	vst v63  }
0xfc: {  	_ = 	snop  }
0xfd: {  	[spmem:s5] =	stream.indirect.scatter.add.f32 [tilespmem:s2], [sflag:$0x8], $0x1, s30, s23, $0xb8;
	[tilespmem:$0x1FAF8] =	vst v63  }
0xfe: {  	_ =	swait.ge [sflag:s24], $0xB0  }
0xff: {  	[sflag:s24] =	ssyncset.done $0x0  }
0x100: {  	[sflag:s24] =	ssyncadd.s32 $0xFFFFFF50  }
0x101: {  	_ =	swait.ge [sflag:s24], $0xB0  }
0x102: {  	[sflag:s24] =	ssyncset.done $0x0  }
0x103: {  	[sflag:s24] =	ssyncadd.s32 $0xFFFFFF50  }
0x104: {  	_ =	swait.ge [sflag:s14], $0x5800  }
0x105: {  	[sflag:s14] =	ssyncset.done $0x0  }
0x106: {  	[sflag:s14] =	ssyncadd.s32 $0xFFFFA800  }
0x107: {  	_ =	swait.ge [sflag:s14], $0xB0  }
0x108: {  	[sflag:s14] =	ssyncset.done $0x0  }
0x109: {  	s18 =	rddreg [dreg:$0x9];
	[sflag:s14] =	ssyncadd.s32 $0xFFFFFF50  }
0x10a: {  	[tilespmem:s25], [sflag:$0x2] =	stream.indirect.gather [hbm4b:s0+s23], $0x80, s13, s23, $0xb8;
	[tilespmem:$0x1FAF8] =	vst v63  }
0x10b: {  	s19 =	rddreg [dreg:$0x8];
	s17 =	sadd.s32 $0x0, s18  }
0x10c: {  	[tilespmem:s29], [sflag:$0x6] =	stream.linear.gather [hbm4b:s17+s6], $0xB0, $0x38;
	[tilespmem:$0x1FAF8] =	vst v63  }
0x10d: {  	s19 =	sadd.s32 $0x0, s19;
	s18 =	sadd.s32 $0x2C0, s8;
	s17 =	simm.s32 $0x58  }
.LBB2_10:
0x10e: {  	[tilespmem:s30], [sflag:$0x6] =	stream.linear.gather [hbm4b:s19+s6], $0xB0, $0x38;
	[tilespmem:$0x1FAF8] =	vst v63  }
0x10f: {  	_ =	swait.ge [sflag:s31], $0x5800  }
0x110: {  	[sflag:s31] =	ssyncset.done $0x0  }
0x111: {  	[sflag:s31] =	ssyncadd.s32 $0xFFFFA800  }
0x112: {  	[spmem:s4] =	stream.indirect.scatter.add.f32 [tilespmem:s6], [sflag:$0x7], $0x80, s12, s23, $0xb8;
	[tilespmem:$0x1FAF8] =	vst v63  }
0x113: {  	_ = 	snop  }
0x114: {  	[spmem:s5] =	stream.indirect.scatter.add.f32 [tilespmem:s2], [sflag:$0x7], $0x1, s12, s23, $0xb8;
	[tilespmem:$0x1FAF8] =	vst v63  }
0x115: {  	_ =	swait.ge [sflag:s20], $0xB0  }
0x116: {  	[sflag:s20] =	ssyncset.done $0x0  }
0x117: {  	[sflag:s20] =	ssyncadd.s32 $0xFFFFFF50  }
0x118: {  	_ =	swait.ge [sflag:s20], $0xB0  }
0x119: {  	[sflag:s20] =	ssyncset.done $0x0  }
0x11a: {  	[sflag:s20] =	ssyncadd.s32 $0xFFFFFF50  }
0x11b: {  	_ =	swait.ge [sflag:s10], $0x5800  }
0x11c: {  	[sflag:s10] =	ssyncset.done $0x0  }
0x11d: {  	[sflag:s10] =	ssyncadd.s32 $0xFFFFA800  }
0x11e: {  	_ =	swait.ge [sflag:s10], $0xB0  }
0x11f: {  	[sflag:s10] =	ssyncset.done $0x0  }
0x120: {  	s8 =	sshrl.u32 s18, $0x3;
	[sflag:s10] =	ssyncadd.s32 $0xFFFFFF50  }
0x121: {  	[tilespmem:s6], [sflag:$0x1] =	stream.indirect.gather [hbm4b:s0+s23], $0x80, s26, s23, $0xb8;
	[tilespmem:$0x1FAF8] =	vst v63  }
0x122: {  	s16 =	sadd.s32 s1, s8  }
0x123: {  	[tilespmem:s11], [sflag:$0x3] =	stream.linear.gather [hbm4b:s16+s6], $0xB0, $0x38;
	[tilespmem:$0x1FAF8] =	vst v63  }
0x124: {  	s8 =	sadd.s32 s3, s8  }
0x125: {  	[tilespmem:s12], [sflag:$0x3] =	stream.linear.gather [hbm4b:s8+s6], $0xB0, $0x38;
	[tilespmem:$0x1FAF8] =	vst v63  }
0x126: {  	_ =	swait.ge [sflag:s7], $0x5800  }
0x127: {  	[sflag:s7] =	ssyncset.done $0x0  }
0x128: {  	[sflag:s7] =	ssyncadd.s32 $0xFFFFA800  }
0x129: {  	[spmem:s4] =	stream.indirect.scatter.add.f32 [tilespmem:s25], [sflag:$0x8], $0x80, s21, s23, $0xb8;
	[tilespmem:$0x1FAF8] =	vst v63  }
0x12a: {  	_ = 	snop  }
0x12b: {  	[spmem:s5] =	stream.indirect.scatter.add.f32 [tilespmem:s2], [sflag:$0x8], $0x1, s21, s23, $0xb8;
	[tilespmem:$0x1FAF8] =	vst v63  }
0x12c: {  	_ =	swait.ge [sflag:s9], $0xB0  }
0x12d: {  	[sflag:s9] =	ssyncset.done $0x0  }
0x12e: {  	[sflag:s9] =	ssyncadd.s32 $0xFFFFFF50  }
0x12f: {  	_ =	swait.ge [sflag:s9], $0xB0  }
0x130: {  	[sflag:s9] =	ssyncset.done $0x0  }
0x131: {  	[sflag:s9] =	ssyncadd.s32 $0xFFFFFF50  }
0x132: {  	_ =	swait.ge [sflag:s14], $0x5800  }
0x133: {  	[sflag:s14] =	ssyncset.done $0x0  }
0x134: {  	[sflag:s14] =	ssyncadd.s32 $0xFFFFA800  }
0x135: {  	_ =	swait.ge [sflag:s14], $0xB0  }
0x136: {  	[sflag:s14] =	ssyncset.done $0x0  }
0x137: {  	s19 =	smov.u32 s17;
	s8 =	rddreg [dreg:$0xd];
	[sflag:s14] =	ssyncadd.s32 $0xFFFFFF50  }
0x138: {  	[tilespmem:s25], [sflag:$0x2] =	stream.indirect.gather [hbm4b:s0+s23], $0x80, s29, s23, $0xb8;
	[tilespmem:$0x1FAF8] =	vst v63  }
0x139: {  	s16 =	rddreg [dreg:$0xc];
	s8 =	sadd.s32 s19, s8  }
0x13a: {  	[tilespmem:s13], [sflag:$0x4] =	stream.linear.gather [hbm4b:s8+s6], $0xB0, $0x38;
	[tilespmem:$0x1FAF8] =	vst v63  }
0x13b: {  	s16 =	sadd.s32 s19, s16  }
0x13c: {  	[tilespmem:s21], [sflag:$0x4] =	stream.linear.gather [hbm4b:s16+s6], $0xB0, $0x38;
	[tilespmem:$0x1FAF8] =	vst v63  }
0x13d: {  	_ =	swait.ge [sflag:s31], $0x5800  }
0x13e: {  	[sflag:s31] =	ssyncset.done $0x0  }
0x13f: {  	[sflag:s31] =	ssyncadd.s32 $0xFFFFA800  }
0x140: {  	[spmem:s4] =	stream.indirect.scatter.add.f32 [tilespmem:s6], [sflag:$0x7], $0x80, s28, s23, $0xb8;
	[tilespmem:$0x1FAF8] =	vst v63  }
0x141: {  	_ = 	snop  }
0x142: {  	[spmem:s5] =	stream.indirect.scatter.add.f32 [tilespmem:s2], [sflag:$0x7], $0x1, s28, s23, $0xb8;
	[tilespmem:$0x1FAF8] =	vst v63  }
0x143: {  	_ =	swait.ge [sflag:s22], $0xB0  }
0x144: {  	[sflag:s22] =	ssyncset.done $0x0  }
0x145: {  	[sflag:s22] =	ssyncadd.s32 $0xFFFFFF50  }
0x146: {  	_ =	swait.ge [sflag:s22], $0xB0  }
0x147: {  	[sflag:s22] =	ssyncset.done $0x0  }
0x148: {  	[sflag:s22] =	ssyncadd.s32 $0xFFFFFF50  }
0x149: {  	_ =	swait.ge [sflag:s10], $0x5800  }
0x14a: {  	[sflag:s10] =	ssyncset.done $0x0  }
0x14b: {  	[sflag:s10] =	ssyncadd.s32 $0xFFFFA800  }
0x14c: {  	_ =	swait.ge [sflag:s10], $0xB0  }
0x14d: {  	[sflag:s10] =	ssyncset.done $0x0  }
0x14e: {  	s8 =	rddreg [dreg:$0xb];
	[sflag:s10] =	ssyncadd.s32 $0xFFFFFF50  }
0x14f: {  	[tilespmem:s6], [sflag:$0x1] =	stream.indirect.gather [hbm4b:s0+s23], $0x80, s11, s23, $0xb8;
	[tilespmem:$0x1FAF8] =	vst v63  }
0x150: {  	s16 =	rddreg [dreg:$0xa];
	s8 =	sadd.s32 s19, s8  }
0x151: {  	[tilespmem:s26], [sflag:$0x5] =	stream.linear.gather [hbm4b:s8+s6], $0xB0, $0x38;
	[tilespmem:$0x1FAF8] =	vst v63  }
0x152: {  	s16 =	sadd.s32 s19, s16  }
0x153: {  	[tilespmem:s28], [sflag:$0x5] =	stream.linear.gather [hbm4b:s16+s6], $0xB0, $0x38;
	[tilespmem:$0x1FAF8] =	vst v63  }
0x154: {  	_ =	swait.ge [sflag:s7], $0x5800  }
0x155: {  	[sflag:s7] =	ssyncset.done $0x0  }
0x156: {  	[sflag:s7] =	ssyncadd.s32 $0xFFFFA800  }
0x157: {  	[spmem:s4] =	stream.indirect.scatter.add.f32 [tilespmem:s25], [sflag:$0x8], $0x80, s30, s23, $0xb8;
	[tilespmem:$0x1FAF8] =	vst v63  }
0x158: {  	_ = 	snop  }
0x159: {  	[spmem:s5] =	stream.indirect.scatter.add.f32 [tilespmem:s2], [sflag:$0x8], $0x1, s30, s23, $0xb8;
	[tilespmem:$0x1FAF8] =	vst v63  }
0x15a: {  	_ =	swait.ge [sflag:s24], $0xB0  }
0x15b: {  	[sflag:s24] =	ssyncset.done $0x0  }
0x15c: {  	[sflag:s24] =	ssyncadd.s32 $0xFFFFFF50  }
0x15d: {  	_ =	swait.ge [sflag:s24], $0xB0  }
0x15e: {  	[sflag:s24] =	ssyncset.done $0x0  }
0x15f: {  	[sflag:s24] =	ssyncadd.s32 $0xFFFFFF50  }
0x160: {  	_ =	swait.ge [sflag:s14], $0x5800  }
0x161: {  	[sflag:s14] =	ssyncset.done $0x0  }
0x162: {  	[sflag:s14] =	ssyncadd.s32 $0xFFFFA800  }
0x163: {  	p3 =	sne.s32 s17, $0x420;
	_ =	swait.ge [sflag:s14], $0xB0  }
.Ltmp5:
0x164: {  	[sflag:s14] =	ssyncset.done $0x0;
	s8 =	rddreg [dreg:$0x9];
	(pc) =	sbr.rel @p3 .LBB2_10-.Ltmp5, $4  }
0x165: {  	s17 =	sadd.s32 $0x58, s17;
	s16 =	rddreg [dreg:$0x8];
	[sflag:s14] =	ssyncadd.s32 $0xFFFFFF50  }
0x166: {  	[tilespmem:s25], [sflag:$0x2] =	stream.indirect.gather [hbm4b:s0+s23], $0x80, s13, s23, $0xb8;
	[tilespmem:$0x1FAF8] =	vst v63  }
0x167: {  	s18 =	sadd.s32 $0x2C0, s18;
	s8 =	sadd.s32 s19, s8;
	s19 =	sadd.s32 s19, s16  }
0x168: {  	[tilespmem:s29], [sflag:$0x6] =	stream.linear.gather [hbm4b:s8+s6], $0xB0, $0x38;
	[tilespmem:$0x1FAF8] =	vst v63  }
0x169: {  	[tilespmem:s30], [sflag:$0x6] =	stream.linear.gather [hbm4b:s19+s6], $0xB0, $0x38;
	[tilespmem:$0x1FAF8] =	vst v63  }
0x16a: {  	_ =	swait.ge [sflag:s31], $0x5800  }
0x16b: {  	[sflag:s31] =	ssyncset.done $0x0  }
0x16c: {  	[sflag:s31] =	ssyncadd.s32 $0xFFFFA800  }
0x16d: {  	[spmem:s4] =	stream.indirect.scatter.add.f32 [tilespmem:s6], [sflag:$0x7], $0x80, s12, s23, $0xb8;
	[tilespmem:$0x1FAF8] =	vst v63  }
0x16e: {  	_ = 	snop  }
0x16f: {  	[spmem:s5] =	stream.indirect.scatter.add.f32 [tilespmem:s2], [sflag:$0x7], $0x1, s12, s23, $0xb8;
	[tilespmem:$0x1FAF8] =	vst v63  }
0x170: {  	_ =	swait.ge [sflag:s20], $0xB0  }
0x171: {  	[sflag:s20] =	ssyncset.done $0x0  }
0x172: {  	[sflag:s20] =	ssyncadd.s32 $0xFFFFFF50  }
0x173: {  	_ =	swait.ge [sflag:s20], $0xB0  }
0x174: {  	[sflag:s20] =	ssyncset.done $0x0  }
0x175: {  	[sflag:s20] =	ssyncadd.s32 $0xFFFFFF50  }
0x176: {  	_ =	swait.ge [sflag:s10], $0x5800  }
0x177: {  	[sflag:s10] =	ssyncset.done $0x0  }
0x178: {  	[sflag:s10] =	ssyncadd.s32 $0xFFFFA800  }
0x179: {  	_ =	swait.ge [sflag:s10], $0xB0  }
0x17a: {  	[sflag:s10] =	ssyncset.done $0x0  }
0x17b: {  	[sflag:s10] =	ssyncadd.s32 $0xFFFFFF50  }
0x17c: {  	[tilespmem:s6], [sflag:$0x1] =	stream.indirect.gather [hbm4b:s0+s23], $0x80, s26, s23, $0xb8;
	[tilespmem:$0x1FAF8] =	vst v63  }
0x17d: {  	_ =	swait.ge [sflag:s7], $0x5800  }
0x17e: {  	[sflag:s7] =	ssyncset.done $0x0  }
0x17f: {  	[sflag:s7] =	ssyncadd.s32 $0xFFFFA800  }
0x180: {  	[spmem:s4] =	stream.indirect.scatter.add.f32 [tilespmem:s25], [sflag:$0x8], $0x80, s21, s23, $0xb8;
	[tilespmem:$0x1FAF8] =	vst v63  }
0x181: {  	_ = 	snop  }
0x182: {  	[spmem:s5] =	stream.indirect.scatter.add.f32 [tilespmem:s2], [sflag:$0x8], $0x1, s21, s23, $0xb8;
	[tilespmem:$0x1FAF8] =	vst v63  }
0x183: {  	_ =	swait.ge [sflag:s9], $0xB0  }
0x184: {  	[sflag:s9] =	ssyncset.done $0x0  }
0x185: {  	[sflag:s9] =	ssyncadd.s32 $0xFFFFFF50  }
0x186: {  	_ =	swait.ge [sflag:s9], $0xB0  }
0x187: {  	[sflag:s9] =	ssyncset.done $0x0  }
0x188: {  	[sflag:s9] =	ssyncadd.s32 $0xFFFFFF50  }
0x189: {  	_ =	swait.ge [sflag:s14], $0x5800  }
0x18a: {  	[sflag:s14] =	ssyncset.done $0x0  }
0x18b: {  	[sflag:s14] =	ssyncadd.s32 $0xFFFFA800  }
0x18c: {  	_ =	swait.ge [sflag:s14], $0xB0  }
0x18d: {  	[sflag:s14] =	ssyncset.done $0x0  }
0x18e: {  	[sflag:s14] =	ssyncadd.s32 $0xFFFFFF50  }
0x18f: {  	[tilespmem:s25], [sflag:$0x2] =	stream.indirect.gather [hbm4b:s0+s23], $0x80, s29, s23, $0xb8;
	[tilespmem:$0x1FAF8] =	vst v63  }
0x190: {  	_ =	swait.ge [sflag:s31], $0x5800  }
0x191: {  	[sflag:s31] =	ssyncset.done $0x0  }
0x192: {  	[sflag:s31] =	ssyncadd.s32 $0xFFFFA800  }
0x193: {  	[spmem:s4] =	stream.indirect.scatter.add.f32 [tilespmem:s6], [sflag:$0x7], $0x80, s28, s23, $0xb8;
	[tilespmem:$0x1FAF8] =	vst v63  }
0x194: {  	_ = 	snop  }
0x195: {  	[spmem:s5] =	stream.indirect.scatter.add.f32 [tilespmem:s2], [sflag:$0x7], $0x1, s28, s23, $0xb8;
	[tilespmem:$0x1FAF8] =	vst v63  }
0x196: {  	_ =	swait.ge [sflag:s10], $0x5800  }
0x197: {  	[sflag:s10] =	ssyncset.done $0x0  }
0x198: {  	[sflag:s10] =	ssyncadd.s32 $0xFFFFA800  }
0x199: {  	_ =	swait.ge [sflag:s10], $0xB0  }
0x19a: {  	[sflag:s10] =	ssyncset.done $0x0  }
0x19b: {  	[sflag:s10] =	ssyncadd.s32 $0xFFFFFF50  }
0x19c: {  	_ =	swait.ge [sflag:s7], $0x5800  }
0x19d: {  	[sflag:s7] =	ssyncset.done $0x0  }
0x19e: {  	[sflag:s7] =	ssyncadd.s32 $0xFFFFA800  }
0x19f: {  	[spmem:s4] =	stream.indirect.scatter.add.f32 [tilespmem:s25], [sflag:$0x8], $0x80, s30, s23, $0xb8;
	[tilespmem:$0x1FAF8] =	vst v63  }
0x1a0: {  	_ = 	snop  }
0x1a1: {  	[spmem:s5] =	stream.indirect.scatter.add.f32 [tilespmem:s2], [sflag:$0x8], $0x1, s30, s23, $0xb8;
	[tilespmem:$0x1FAF8] =	vst v63  }
0x1a2: {  	_ =	swait.ge [sflag:s14], $0x5800  }
0x1a3: {  	[sflag:s14] =	ssyncset.done $0x0  }
0x1a4: {  	[sflag:s14] =	ssyncadd.s32 $0xFFFFA800  }
0x1a5: {  	_ =	swait.ge [sflag:s14], $0xB0  }
0x1a6: {  	s8 =	sld [smem:$0x7F7]  }
0x1a7: {  	[sflag:s14] =	ssyncset.done $0x0  }
0x1a8: {  	s16 =	simm.s32 $0xB800;
	[sflag:s14] =	ssyncadd.s32 $0xFFFFFF50  }
0x1a9: {  	[tilespmem:s16], [sflag:$0x9] =	stream.linear.gather [hbm4b:s8+s6], $0x90, $0x38;
	[tilespmem:$0x1FAF8] =	vst v63  }
0x1aa: {  	_ =	swait.ge [sflag:s15], $0x90  }
0x1ab: {  	s19 =	sld [smem:$0x7F8]  }
0x1ac: {  	[sflag:s15] =	ssyncset.done $0x0  }
0x1ad: {  	s17 =	simm.s32 $0xB900;
	[sflag:s15] =	ssyncadd.s32 $0xFFFFFF70  }
0x1ae: {  	[tilespmem:s17], [sflag:$0x9] =	stream.linear.gather [hbm4b:s19+s6], $0x90, $0x38;
	[tilespmem:$0x1FAF8] =	vst v63  }
0x1af: {  	_ =	swait.ge [sflag:s15], $0x90  }
0x1b0: {  	[sflag:s15] =	ssyncset.done $0x0  }
0x1b1: {  	s18 =	simm.s32 $0x90;
	[sflag:s15] =	ssyncadd.s32 $0xFFFFFF70  }
0x1b2: {  	[tilespmem:s6], [sflag:$0x1] =	stream.indirect.gather [hbm4b:s0+s18], $0x80, s16, s18, $0xb8;
	[tilespmem:$0x1FAF8] =	vst v63  }
0x1b3: {  	_ =	swait.ge [sflag:s31], $0x4800  }
0x1b4: {  	[sflag:s31] =	ssyncset.done $0x0  }
0x1b5: {  	[sflag:s31] =	ssyncadd.s32 $0xFFFFB800  }
0x1b6: {  	[spmem:s4] =	stream.indirect.scatter.add.f32 [tilespmem:s6], [sflag:$0x9], $0x80, s17, s18, $0xb8;
	[tilespmem:$0x1FAF8] =	vst v63  }
0x1b7: {  	_ =	swait.ge [sflag:s15], $0x4800  }
0x1b8: {  	[sflag:s15] =	ssyncset.done $0x0  }
0x1b9: {  	s19 =	simm.s32 $0xBB00;
	[sflag:s15] =	ssyncadd.s32 $0xFFFFB800  }
0x1ba: {  	[spmem:s5] =	stream.indirect.scatter.add.f32 [tilespmem:s19], [sflag:$0x9], $0x1, s17, s18, $0xb8;
	[tilespmem:$0x1FAF8] =	vst v63  }
0x1bb: {  	_ =	swait.ge [sflag:s15], $0x90  }
0x1bc: {  	[sflag:s15] =	ssyncset.done $0x0  }
0x1bd: {  	[sflag:s15] =	ssyncadd.s32 $0xFFFFFF70  }
0x1be: {  	[bflag:$0x0] =	sbarrier.arrive $0xFFFF  }
0x1bf: {  	s18 =	rddreg [dreg:$0x15]  }
0x1c0: {  	[tilespmem:s6], [sflag:$0x9] =	stream.linear.gather [spmem:s18], $0x3400, $0x38;
	[tilespmem:$0x1FAF8] =	vst v63  }
0x1c1: {  	_ =	swait.ge [sflag:s15], $0x3400  }
0x1c2: {  	[sflag:s15] =	ssyncset.done $0x0  }
0x1c3: {  	s19 =	rddreg [dreg:$0xe];
	[sflag:s15] =	ssyncadd.s32 $0xFFFFCC00  }
0x1c4: {  	[hbm4b:s19+s6] =	stream.linear.scatter [tilespmem:s6], [sflag:$0x1], $0x3400, $0x38;
	[tilespmem:$0x1FAF8] =	vst v63  }
0x1c5: {  	s16 =	rddreg [dreg:$0x16]  }
0x1c6: {  	[tilespmem:s25], [sflag:$0x9] =	stream.linear.gather [spmem:s16], $0x3400, $0x38;
	[tilespmem:$0x1FAF8] =	vst v63  }
0x1c7: {  	_ =	swait.ge [sflag:s15], $0x3400  }
0x1c8: {  	[sflag:s15] =	ssyncset.done $0x0  }
0x1c9: {  	s17 =	rddreg [dreg:$0xf];
	[sflag:s15] =	ssyncadd.s32 $0xFFFFCC00  }
0x1ca: {  	[hbm4b:s17+s6] =	stream.linear.scatter [tilespmem:s25], [sflag:$0x2], $0x3400, $0x38;
	[tilespmem:$0x1FAF8] =	vst v63  }
0x1cb: {  	_ =	swait.ge [sflag:s31], $0x3400  }
0x1cc: {  	[sflag:s31] =	ssyncset.done $0x0  }
0x1cd: {  	s18 =	rddreg [dreg:$0x17];
	[sflag:s31] =	ssyncadd.s32 $0xFFFFCC00  }
0x1ce: {  	[tilespmem:s6], [sflag:$0x9] =	stream.linear.gather [spmem:s18], $0x3400, $0x38;
	[tilespmem:$0x1FAF8] =	vst v63  }
0x1cf: {  	_ =	swait.ge [sflag:s15], $0x3400  }
0x1d0: {  	[sflag:s15] =	ssyncset.done $0x0  }
0x1d1: {  	s19 =	rddreg [dreg:$0x10];
	[sflag:s15] =	ssyncadd.s32 $0xFFFFCC00  }
0x1d2: {  	[hbm4b:s19+s6] =	stream.linear.scatter [tilespmem:s6], [sflag:$0x1], $0x3400, $0x38;
	[tilespmem:$0x1FAF8] =	vst v63  }
0x1d3: {  	_ =	swait.ge [sflag:s7], $0x3400  }
0x1d4: {  	[sflag:s7] =	ssyncset.done $0x0  }
0x1d5: {  	s16 =	rddreg [dreg:$0x18];
	[sflag:s7] =	ssyncadd.s32 $0xFFFFCC00  }
0x1d6: {  	[tilespmem:s25], [sflag:$0x9] =	stream.linear.gather [spmem:s16], $0x3400, $0x38;
	[tilespmem:$0x1FAF8] =	vst v63  }
0x1d7: {  	_ =	swait.ge [sflag:s15], $0x3400  }
0x1d8: {  	[sflag:s15] =	ssyncset.done $0x0  }
0x1d9: {  	s17 =	rddreg [dreg:$0x11];
	[sflag:s15] =	ssyncadd.s32 $0xFFFFCC00  }
0x1da: {  	[hbm4b:s17+s6] =	stream.linear.scatter [tilespmem:s25], [sflag:$0x2], $0x3400, $0x38;
	[tilespmem:$0x1FAF8] =	vst v63  }
0x1db: {  	_ =	swait.ge [sflag:s31], $0x3400  }
0x1dc: {  	[sflag:s31] =	ssyncset.done $0x0  }
0x1dd: {  	s18 =	rddreg [dreg:$0x19];
	[sflag:s31] =	ssyncadd.s32 $0xFFFFCC00  }
0x1de: {  	[tilespmem:s6], [sflag:$0x9] =	stream.linear.gather [spmem:s18], $0x3400, $0x38;
	[tilespmem:$0x1FAF8] =	vst v63  }
0x1df: {  	_ =	swait.ge [sflag:s15], $0x3400  }
0x1e0: {  	[sflag:s15] =	ssyncset.done $0x0  }
0x1e1: {  	s19 =	rddreg [dreg:$0x12];
	[sflag:s15] =	ssyncadd.s32 $0xFFFFCC00  }
0x1e2: {  	[hbm4b:s19+s6] =	stream.linear.scatter [tilespmem:s6], [sflag:$0x1], $0x3400, $0x38;
	[tilespmem:$0x1FAF8] =	vst v63  }
0x1e3: {  	_ =	swait.ge [sflag:s7], $0x3400  }
0x1e4: {  	[sflag:s7] =	ssyncset.done $0x0  }
0x1e5: {  	s16 =	rddreg [dreg:$0x1a];
	[sflag:s7] =	ssyncadd.s32 $0xFFFFCC00  }
0x1e6: {  	[tilespmem:s25], [sflag:$0x9] =	stream.linear.gather [spmem:s16], $0x3400, $0x38;
	[tilespmem:$0x1FAF8] =	vst v63  }
0x1e7: {  	_ =	swait.ge [sflag:s15], $0x3400  }
0x1e8: {  	[sflag:s15] =	ssyncset.done $0x0  }
0x1e9: {  	s17 =	rddreg [dreg:$0x13];
	[sflag:s15] =	ssyncadd.s32 $0xFFFFCC00  }
0x1ea: {  	[hbm4b:s17+s6] =	stream.linear.scatter [tilespmem:s25], [sflag:$0x2], $0x3400, $0x38;
	[tilespmem:$0x1FAF8] =	vst v63  }
0x1eb: {  	_ =	swait.ge [sflag:s31], $0x3400  }
0x1ec: {  	[sflag:s31] =	ssyncset.done $0x0  }
0x1ed: {  	[sflag:s31] =	ssyncadd.s32 $0xFFFFCC00  }
0x1ee: {  	_ =	swait.ge [sflag:s7], $0x3400  }
0x1ef: {  	s16 =	sld [smem:$0x7FD]  }
0x1f0: {  	[sflag:s7] =	ssyncset.done $0x0  }
0x1f1: {  	s8 =	simm.s32 @!p0 $0x0;
	[sflag:s7] =	ssyncadd.s32 $0xFFFFCC00  }
0x1f2: {  	[tilespmem:s8], [sflag:$0x9] =	stream.linear.gather @!p0 [spmem:s16], $0x800, $0x38;
	[tilespmem:$0x1FAF8] =	vst v63  }
0x1f3: {  	s16 =	simm.s32 @!p0 $0x9  }
0x1f4: {  	_ =	swait.ge @!p0 [sflag:s16], $0x800  }
0x1f5: {  	s17 =	sld [smem:$0x7F9]  }
0x1f6: {  	[sflag:s16] =	ssyncset.done @!p0 $0x0  }
0x1f7: {  	[sflag:s16] =	ssyncadd.s32 @!p0 $0xFFFFF800  }
0x1f8: {  	[hbm4b:s17+s8] =	stream.linear.scatter @!p0 [tilespmem:s8], [sflag:$0x9], $0x800, $0x38;
	[tilespmem:$0x1FAF8] =	vst v63  }
0x1f9: {  	_ =	swait.ge @!p0 [sflag:s16], $0x800  }
0x1fa: {  	[sflag:s16] =	ssyncset.done @!p0 $0x0  }
0x1fb: {  	[sflag:s16] =	ssyncadd.s32 @!p0 $0xFFFFF800;
	s16 =	sld [smem:$0x7FA];
	_ =	sdelay $0x1  }
0x1fc: {  	s8 =	simm.s32 @p2 $0xBC00  }
0x1fd: {  	[tilespmem:s8], [sflag:$0x9] =	stream.linear.gather @p2 [spmem:s16], $0x3E8, $0x38;
	[tilespmem:$0x1FAF8] =	vst v63  }
0x1fe: {  	s16 =	simm.s32 @p2 $0x9  }
0x1ff: {  	_ =	swait.ge @p2 [sflag:s16], $0x3E8  }
0x200: {  	[sflag:s16] =	ssyncset.done @p2 $0x0  }
0x201: {  	s17 =	simm.s32 @p2 $0x0;
	s18 =	rddreg [dreg:$0x14];
	[sflag:s16] =	ssyncadd.s32 @p2 $0xFFFFFC18  }
0x202: {  	[hbm4b:s18+s17] =	stream.linear.scatter @p2 [tilespmem:s8], [sflag:$0x9], $0x3E8, $0x38;
	[tilespmem:$0x1FAF8] =	vst v63  }
0x203: {  	_ =	swait.ge @p2 [sflag:s16], $0x3E8  }
0x204: {  	s18 =	sld [smem:$0x7F2]  }
0x205: {  	s19 =	sld [smem:$0x7FB];
	_ =	sdelay $0x1  }
0x206: {  	s17 =	sadd.s32 $0x1, s18  }
0x207: {  	p3 =	sne.s32 s17, s19  }
.Ltmp6:
0x208: {  	_ = 	snop;
	(pc) =	sbr.rel @p3 .LBB2_1-.Ltmp6, $3  }
0x209: {  	_ =	sdelay $0x1  }
0x20a: {  	[sflag:s16] =	ssyncset.done @p2 $0x0  }
0x20b: {  	[sflag:s16] =	ssyncadd.s32 @p2 $0xFFFFFC18  }
0x20c: {  	_ =	sfence.sel $0x180000  }
0x20d: {  	[bflag:$0x0] =	sbarrier.arrive $0xFFFF  }
0x20e: {  	_ =	strace $0x90000047  }
0x20f: {  	[bflag:$0x2] =	sbarrier.arrive $0xFFFF  }
0x210: {  	s0 =	rddreg [dreg:$0x7]  }
0x211: {  	s0 =	sadd.s32 @!p0 $0x100000, s0  }
0x212: {  	[sflag:s0] =	ssyncadd.tile.s32 @!p0 $0x1;
	_ =	shalt  }
.Lfunc_end2:
_tile_overlayer_lowered:
.L_overlay_start_2:
0x213: {  	(tag) =	ssettag $0x2  }
0x214: {  	s0 =	rddreg [dreg:$0x0];
	s2 =	stileid.u32  }
0x215: {  	s1 =	rddreg [dreg:$0x1];
	p0 =	sne.s32 s2, $0x0  }
0x216: {  	s3 =	rddreg [dreg:$0x2];
	[bflag:$0x3] =	sbarrier.arrive $0xFFFF;
	s2 =	simm.s32 @!p0 $0x1C09  }
0x217: {  	[timem:s3], [sflag:s2] =	dma.local @!p0 [hbm:s0], s1  }
0x218: {  	s0 =	simm.s32 @!p0 $0x9  }
0x219: {  	_ =	swait.ge @!p0 [sflag:s0], s1  }
0x21a: {  	s1 =	ssub.s32 @!p0 $0x0, s1;
	[sflag:s0] =	ssyncset.done @!p0 $0x0  }
0x21b: {  	[sflag:s0] =	ssyncadd.s32 @!p0 s1  }
0x21c: {  	[bflag:$0x3] =	sbarrier.arrive $0xFFFF  }
0x21d: {  	_ =	shalt  }

</sc_bundles>
